<compile_context>
chip_gen: v7x
topology: tpu7x:2x2x1
jax: 0.10.2.dev20260603
libtpu: 0.0.44.dev20260713+nightly
codegen_flags: <defaults>
</compile_context>

<pallas_src>
import functools

import jax
import jax.numpy as jnp
from jax import lax
from jax.experimental import pallas as pl
from jax.experimental.pallas import tpu as pltpu
from jax.experimental.pallas import tpu_sc as plsc

D = 128
SEQ = 200
HALFSEQ = 100
LANES = 16


@functools.lru_cache(maxsize=None)
def _make_emb_kernel(batch: int):
    info = plsc.get_sparse_core_info()
    nc, ns = info.num_cores, info.num_subcores
    nw = nc * ns
    seq_per_w = batch // nw
    rows_per_w = seq_per_w * SEQ
    n_u = (seq_per_w - 2) // 3
    n_tail = seq_per_w - 2 - 3 * n_u
    assert n_tail == 0 and seq_per_w >= 5

    mesh = plsc.VectorSubcoreMesh(core_axis_name="c", subcore_axis_name="s")

    @functools.partial(
        pl.kernel,
        out_type=jax.ShapeDtypeStruct((batch * SEQ, D), jnp.float32),
        mesh=mesh,
        scratch_types=[
            pltpu.VMEM((3, 2, HALFSEQ), jnp.int32),
            pltpu.VMEM((SEQ + 8, D), jnp.float32),
            pltpu.VMEM((3, SEQ, D), jnp.float32),
            pltpu.SemaphoreType.DMA,
            pltpu.SemaphoreType.DMA,
            pltpu.SemaphoreType.DMA,
            pltpu.SemaphoreType.DMA,
            pltpu.SemaphoreType.DMA,
            pltpu.SemaphoreType.DMA,
            pltpu.SemaphoreType.DMA,
            pltpu.SemaphoreType.DMA,
            pltpu.SemaphoreType.DMA,
        ],
    )
    def emb(ids_hbm, pos_hbm, table_hbm, out_hbm, idx_v, pos_v, bufs,
            g0, g1, g2, s0, s1, s2, x0, x1, x2):
        g = (g0, g1, g2)
        st = (s0, s1, s2)
        ix = (x0, x1, x2)
        wid = lax.axis_index("s") * nc + lax.axis_index("c")
        pltpu.sync_copy(pos_hbm.at[pl.ds(0, SEQ + 8)], pos_v)
        seq_w = wid * seq_per_w
        out_w = wid * rows_per_w

        def issue_idx(half, s):
            pltpu.async_copy(ids_hbm.at[seq_w + s], idx_v.at[half], ix[half])

        def wait_idx(half):
            pltpu.make_async_copy(
                ids_hbm.at[0], idx_v.at[half], ix[half]).wait()

        def prefill(half, _unused=None):
            @plsc.parallel_loop(0, SEQ, unroll=8)
            def row_body(r):
                for k in range(D // LANES):
                    sl = pl.ds(k * LANES, LANES)
                    bufs[half, r, sl] = pos_v[r + 1, sl]

        def issue_gathers(half, s):
            del s
            for j in range(2):
                pltpu.async_copy(
                    table_hbm.at[idx_v.at[half, j]],
                    bufs.at[half, pl.ds(j * HALFSEQ, HALFSEQ)],
                    g[half], add=True)

        def wait_gathers(half):
            for j in range(2):
                pltpu.make_async_copy(
                    table_hbm.at[idx_v.at[0, 0]],
                    bufs.at[half, pl.ds(j * HALFSEQ, HALFSEQ)],
                    g[half]).wait()

        def issue_store(half, s):
            pltpu.async_copy(
                bufs.at[half], out_hbm.at[pl.ds(out_w + s * SEQ, SEQ)],
                st[half])

        def wait_store(half):
            pltpu.make_async_copy(
                bufs.at[half], out_hbm.at[pl.ds(0, SEQ)], st[half]).wait()

        for b in (0, 1, 2):
            issue_idx(b, b)
        wait_idx(0)
        prefill(0)
        issue_gathers(0, 0)
        wait_idx(1)
        prefill(1)
        issue_gathers(1, 1)

        def u_body(u, carry):
            for h in (0, 1, 2):
                nn = (h + 2) % 3
                s = 3 * u + h
                wait_gathers(h)
                if h == 2:
                    @pl.when(u < n_u - 1)
                    def _():
                        issue_idx(h, s + 3)
                else:
                    issue_idx(h, s + 3)
                issue_store(h, s)
                if h == 0:
                    @pl.when(u > 0)
                    def _():
                        wait_store(nn)
                else:
                    wait_store(nn)
                prefill(nn)
                wait_idx(nn)
                issue_gathers(nn, s + 2)
            return carry

        lax.fori_loop(0, n_u, u_body, 0)
        for h, s in ((0, seq_per_w - 2), (1, seq_per_w - 1)):
            wait_gathers(h)
            issue_store(h, s)
            wait_store((h + 2) % 3)
        wait_store(1)

    return emb


def kernel(input_ids, speaker_ids, charactor_embeddings, position_table):
    del speaker_ids
    batch, seq = input_ids.shape
    _, d = charactor_embeddings.shape
    ids3d = input_ids.reshape(batch, 2, HALFSEQ)
    out = _make_emb_kernel(batch)(ids3d, position_table, charactor_embeddings)
    return out.reshape(batch, seq, d)

# --- scband reference (transcript-rebuilt; emitter-appended) ---
"""Pipeline reference for scband-embeddings-72447508349667 (READ-ONLY COPY).

The authoritative reference and input builder live on the scoring server;
editing this copy changes nothing except your own understanding.
"""

import jax, jax.numpy as jnp
import numpy as np

VOCAB_SIZE = 100000
HIDDEN_SIZE = 128
MAX_POS = 2048
BATCH = 4096
SEQ_LEN = 200


def _sincos_embedding(max_position_embeddings, hidden_size):
    position_enc = np.array([
        [pos / np.power(10000, 2.0 * (i // 2) / hidden_size) for i in range(hidden_size)]
        for pos in range(max_position_embeddings + 1)
    ])
    position_enc[:, 0::2] = np.sin(position_enc[:, 0::2])
    position_enc[:, 1::2] = np.cos(position_enc[:, 1::2])
    position_enc[0] = 0.0
    return jnp.asarray(position_enc, dtype=jnp.float32)


def setup_inputs(seed: int = 0) -> dict:
    key = jax.random.key(seed)
    k1, k2, k3 = jax.random.split(key, 3)
    input_ids = jax.random.randint(k1, (BATCH, SEQ_LEN), 0, VOCAB_SIZE, dtype=jnp.int32)
    speaker_ids = jax.random.randint(k2, (BATCH,), 0, 1, dtype=jnp.int32)
    charactor_embeddings = jax.random.truncated_normal(
        k3, -2.0, 2.0, (VOCAB_SIZE, HIDDEN_SIZE), dtype=jnp.float32) * 0.02
    position_table = _sincos_embedding(MAX_POS, HIDDEN_SIZE)
    return {
        "input_ids": input_ids,
        "speaker_ids": speaker_ids,
        "charactor_embeddings": charactor_embeddings,
        "position_table": position_table,
    }


def reference(input_ids, speaker_ids, charactor_embeddings, position_table):
    seq_length = input_ids.shape[1]
    # position ids: range(1, seq_length + 1), broadcast over batch
    position_ids = jnp.arange(1, seq_length + 1, dtype=jnp.int32)[jnp.newaxis, :]
    # charactor embedding gather
    inputs_embeds = jnp.take(charactor_embeddings, input_ids, axis=0)
    # fixed sinusoidal position embedding gather (non-trainable)
    position_embeddings = jnp.take(position_table, position_ids, axis=0)
    embeddings = inputs_embeds + position_embeddings.astype(inputs_embeds.dtype)
    return embeddings

if __name__ == "__main__":
    import jax
    _d = setup_inputs()
    print(jax.jit(kernel)(*tuple(_d.values())))

</pallas_src>

<mosaic_0001>
#map = affine_map<(d0, d1) -> (0, 0, 0)>
#map1 = affine_map<(d0, d1) -> (0, 0)>
module attributes {stable_mosaic.version = 14 : i64} {
  func.func @emb(%arg0: i32, %arg1: i32, %arg2: memref<4096x2x100xi32, #tpu.memory_space<hbm>>, %arg3: memref<2049x128xf32, #tpu.memory_space<hbm>>, %arg4: memref<100000x128xf32, #tpu.memory_space<hbm>>, %arg5: memref<819200x128xf32, #tpu.memory_space<hbm>>, %arg6: memref<3x2x100xi32, #tpu.memory_space<vmem>>, %arg7: memref<208x128xf32, #tpu.memory_space<vmem>>, %arg8: memref<3x200x128xf32, #tpu.memory_space<vmem>>, %arg9: memref<!tpu.dma_semaphore, #tpu.memory_space<semaphore_mem>>, %arg10: memref<!tpu.dma_semaphore, #tpu.memory_space<semaphore_mem>>, %arg11: memref<!tpu.dma_semaphore, #tpu.memory_space<semaphore_mem>>, %arg12: memref<!tpu.dma_semaphore, #tpu.memory_space<semaphore_mem>>, %arg13: memref<!tpu.dma_semaphore, #tpu.memory_space<semaphore_mem>>, %arg14: memref<!tpu.dma_semaphore, #tpu.memory_space<semaphore_mem>>, %arg15: memref<!tpu.dma_semaphore, #tpu.memory_space<semaphore_mem>>, %arg16: memref<!tpu.dma_semaphore, #tpu.memory_space<semaphore_mem>>, %arg17: memref<!tpu.dma_semaphore, #tpu.memory_space<semaphore_mem>>) attributes {dimension_semantics = [#tpu.dimension_semantics<core_parallel>, #tpu.dimension_semantics<subcore_parallel>], iteration_bounds = array<i64: 2, 16>, scalar_prefetch = 0 : i64, scratch_operands = 12 : i64, tpu.core_type = #tpu.core_type<sc_vector_subcore>, window_params = [{transform_indices = #map}, {transform_indices = #map1}, {transform_indices = #map1}, {transform_indices = #map1}]} {
    %mul3A = arith.constant 2 : i32
    %mul3A_0 = arith.muli %arg1, %mul3A : i32
    %add3A = arith.addi %mul3A_0, %arg0 : i32
    "tpu.region"() ({
      %run_scoped3A = tpu.sem_alloc : memref<!tpu.dma_semaphore, #tpu.memory_space<semaphore_mem>>
      %dma_start3A_285 = arith.constant 0 : i32
      %dma_start3A_286 = arith.constant 0 : i32
      %dma_start3A_287 = tpu.memref_slice %arg3[%dma_start3A_285, %dma_start3A_286] : memref<2049x128xf32, #tpu.memory_space<hbm>> -> memref<208x128xf32, #tpu.memory_space<hbm>>
      %dma_start3A_288 = arith.constant 0 : i32
      %dma_start3A_289 = arith.constant 0 : i32
      %dma_start3A_290 = tpu.memref_slice %arg3[%dma_start3A_288, %dma_start3A_289] : memref<2049x128xf32, #tpu.memory_space<hbm>> -> memref<208x128xf32, #tpu.memory_space<hbm>>
      tpu.enqueue_dma source(%dma_start3A_290 : memref<208x128xf32, #tpu.memory_space<hbm>>) target(%arg7 : memref<208x128xf32, #tpu.memory_space<vmem>>) target_semaphore(%run_scoped3A : memref<!tpu.dma_semaphore, #tpu.memory_space<semaphore_mem>>)
      %dma_wait3A_291 = arith.constant 0 : i32
      %dma_wait3A_292 = arith.constant 0 : i32
      %dma_wait3A_293 = tpu.memref_slice %arg3[%dma_wait3A_291, %dma_wait3A_292] : memref<2049x128xf32, #tpu.memory_space<hbm>> -> memref<208x128xf32, #tpu.memory_space<hbm>>
      %dma_wait3A_294 = arith.constant 0 : i32
      %dma_wait3A_295 = arith.constant 0 : i32
      %dma_wait3A_296 = tpu.memref_slice %arg3[%dma_wait3A_294, %dma_wait3A_295] : memref<2049x128xf32, #tpu.memory_space<hbm>> -> memref<208x128xf32, #tpu.memory_space<hbm>>
      tpu.wait_dma2 semaphore(%run_scoped3A : memref<!tpu.dma_semaphore, #tpu.memory_space<semaphore_mem>>) src(%dma_wait3A_296 : memref<208x128xf32, #tpu.memory_space<hbm>>) dst(%arg7 : memref<208x128xf32, #tpu.memory_space<vmem>>)
      tpu.yield
    }) : () -> ()
    %mul3A_1 = arith.constant 128 : i32
    %mul3A_2 = arith.muli %add3A, %mul3A_1 : i32
    %mul3A_3 = arith.constant 25600 : i32
    %mul3A_4 = arith.muli %add3A, %mul3A_3 : i32
    %add3A_5 = arith.constant 0 : i32
    %add3A_6 = arith.addi %mul3A_2, %add3A_5 : i32
    %dma_start3A = arith.constant 0 : i32
    %dma_start3A_7 = arith.constant 0 : i32
    %dma_start3A_8 = arith.constant 0 : i32
    %dma_start3A_9 = tpu.memref_slice %arg6[%dma_start3A, %dma_start3A_7, %dma_start3A_8] : memref<3x2x100xi32, #tpu.memory_space<vmem>> -> memref<1x2x100xi32, #tpu.memory_space<vmem>>
    %dma_start3A_10 = tpu.memref_squeeze %dma_start3A_9 : memref<1x2x100xi32, #tpu.memory_space<vmem>> -> memref<2x100xi32, #tpu.memory_space<vmem>>
    %dma_start3A_11 = arith.constant 0 : i32
    %dma_start3A_12 = arith.constant 0 : i32
    %dma_start3A_13 = tpu.memref_slice %arg2[%add3A_6, %dma_start3A_11, %dma_start3A_12] : memref<4096x2x100xi32, #tpu.memory_space<hbm>> -> memref<1x2x100xi32, #tpu.memory_space<hbm>>
    %dma_start3A_14 = tpu.memref_squeeze %dma_start3A_13 : memref<1x2x100xi32, #tpu.memory_space<hbm>> -> memref<2x100xi32, #tpu.memory_space<hbm>>
    %dma_start3A_15 = arith.constant 0 : i32
    %dma_start3A_16 = arith.constant 0 : i32
    %dma_start3A_17 = tpu.memref_slice %arg6[%dma_start3A, %dma_start3A_15, %dma_start3A_16] : memref<3x2x100xi32, #tpu.memory_space<vmem>> -> memref<1x2x100xi32, #tpu.memory_space<vmem>>
    %dma_start3A_18 = tpu.memref_squeeze %dma_start3A_17 : memref<1x2x100xi32, #tpu.memory_space<vmem>> -> memref<2x100xi32, #tpu.memory_space<vmem>>
    %dma_start3A_19 = arith.constant 0 : i32
    %dma_start3A_20 = arith.constant 0 : i32
    %dma_start3A_21 = tpu.memref_slice %arg2[%add3A_6, %dma_start3A_19, %dma_start3A_20] : memref<4096x2x100xi32, #tpu.memory_space<hbm>> -> memref<1x2x100xi32, #tpu.memory_space<hbm>>
    %dma_start3A_22 = tpu.memref_squeeze %dma_start3A_21 : memref<1x2x100xi32, #tpu.memory_space<hbm>> -> memref<2x100xi32, #tpu.memory_space<hbm>>
    tpu.enqueue_dma source(%dma_start3A_22 : memref<2x100xi32, #tpu.memory_space<hbm>>) target(%dma_start3A_18 : memref<2x100xi32, #tpu.memory_space<vmem>>) target_semaphore(%arg15 : memref<!tpu.dma_semaphore, #tpu.memory_space<semaphore_mem>>)
    %add3A_23 = arith.constant 1 : i32
    %add3A_24 = arith.addi %mul3A_2, %add3A_23 : i32
    %dma_start3A_25 = arith.constant 1 : i32
    %dma_start3A_26 = arith.constant 0 : i32
    %dma_start3A_27 = arith.constant 0 : i32
    %dma_start3A_28 = tpu.memref_slice %arg6[%dma_start3A_25, %dma_start3A_26, %dma_start3A_27] : memref<3x2x100xi32, #tpu.memory_space<vmem>> -> memref<1x2x100xi32, #tpu.memory_space<vmem>>
    %dma_start3A_29 = tpu.memref_squeeze %dma_start3A_28 : memref<1x2x100xi32, #tpu.memory_space<vmem>> -> memref<2x100xi32, #tpu.memory_space<vmem>>
    %dma_start3A_30 = arith.constant 0 : i32
    %dma_start3A_31 = arith.constant 0 : i32
    %dma_start3A_32 = tpu.memref_slice %arg2[%add3A_24, %dma_start3A_30, %dma_start3A_31] : memref<4096x2x100xi32, #tpu.memory_space<hbm>> -> memref<1x2x100xi32, #tpu.memory_space<hbm>>
    %dma_start3A_33 = tpu.memref_squeeze %dma_start3A_32 : memref<1x2x100xi32, #tpu.memory_space<hbm>> -> memref<2x100xi32, #tpu.memory_space<hbm>>
    %dma_start3A_34 = arith.constant 0 : i32
    %dma_start3A_35 = arith.constant 0 : i32
    %dma_start3A_36 = tpu.memref_slice %arg6[%dma_start3A_25, %dma_start3A_34, %dma_start3A_35] : memref<3x2x100xi32, #tpu.memory_space<vmem>> -> memref<1x2x100xi32, #tpu.memory_space<vmem>>
    %dma_start3A_37 = tpu.memref_squeeze %dma_start3A_36 : memref<1x2x100xi32, #tpu.memory_space<vmem>> -> memref<2x100xi32, #tpu.memory_space<vmem>>
    %dma_start3A_38 = arith.constant 0 : i32
    %dma_start3A_39 = arith.constant 0 : i32
    %dma_start3A_40 = tpu.memref_slice %arg2[%add3A_24, %dma_start3A_38, %dma_start3A_39] : memref<4096x2x100xi32, #tpu.memory_space<hbm>> -> memref<1x2x100xi32, #tpu.memory_space<hbm>>
    %dma_start3A_41 = tpu.memref_squeeze %dma_start3A_40 : memref<1x2x100xi32, #tpu.memory_space<hbm>> -> memref<2x100xi32, #tpu.memory_space<hbm>>
    tpu.enqueue_dma source(%dma_start3A_41 : memref<2x100xi32, #tpu.memory_space<hbm>>) target(%dma_start3A_37 : memref<2x100xi32, #tpu.memory_space<vmem>>) target_semaphore(%arg16 : memref<!tpu.dma_semaphore, #tpu.memory_space<semaphore_mem>>)
    %add3A_42 = arith.constant 2 : i32
    %add3A_43 = arith.addi %mul3A_2, %add3A_42 : i32
    %dma_start3A_44 = arith.constant 2 : i32
    %dma_start3A_45 = arith.constant 0 : i32
    %dma_start3A_46 = arith.constant 0 : i32
    %dma_start3A_47 = tpu.memref_slice %arg6[%dma_start3A_44, %dma_start3A_45, %dma_start3A_46] : memref<3x2x100xi32, #tpu.memory_space<vmem>> -> memref<1x2x100xi32, #tpu.memory_space<vmem>>
    %dma_start3A_48 = tpu.memref_squeeze %dma_start3A_47 : memref<1x2x100xi32, #tpu.memory_space<vmem>> -> memref<2x100xi32, #tpu.memory_space<vmem>>
    %dma_start3A_49 = arith.constant 0 : i32
    %dma_start3A_50 = arith.constant 0 : i32
    %dma_start3A_51 = tpu.memref_slice %arg2[%add3A_43, %dma_start3A_49, %dma_start3A_50] : memref<4096x2x100xi32, #tpu.memory_space<hbm>> -> memref<1x2x100xi32, #tpu.memory_space<hbm>>
    %dma_start3A_52 = tpu.memref_squeeze %dma_start3A_51 : memref<1x2x100xi32, #tpu.memory_space<hbm>> -> memref<2x100xi32, #tpu.memory_space<hbm>>
    %dma_start3A_53 = arith.constant 0 : i32
    %dma_start3A_54 = arith.constant 0 : i32
    %dma_start3A_55 = tpu.memref_slice %arg6[%dma_start3A_44, %dma_start3A_53, %dma_start3A_54] : memref<3x2x100xi32, #tpu.memory_space<vmem>> -> memref<1x2x100xi32, #tpu.memory_space<vmem>>
    %dma_start3A_56 = tpu.memref_squeeze %dma_start3A_55 : memref<1x2x100xi32, #tpu.memory_space<vmem>> -> memref<2x100xi32, #tpu.memory_space<vmem>>
    %dma_start3A_57 = arith.constant 0 : i32
    %dma_start3A_58 = arith.constant 0 : i32
    %dma_start3A_59 = tpu.memref_slice %arg2[%add3A_43, %dma_start3A_57, %dma_start3A_58] : memref<4096x2x100xi32, #tpu.memory_space<hbm>> -> memref<1x2x100xi32, #tpu.memory_space<hbm>>
    %dma_start3A_60 = tpu.memref_squeeze %dma_start3A_59 : memref<1x2x100xi32, #tpu.memory_space<hbm>> -> memref<2x100xi32, #tpu.memory_space<hbm>>
    tpu.enqueue_dma source(%dma_start3A_60 : memref<2x100xi32, #tpu.memory_space<hbm>>) target(%dma_start3A_56 : memref<2x100xi32, #tpu.memory_space<vmem>>) target_semaphore(%arg17 : memref<!tpu.dma_semaphore, #tpu.memory_space<semaphore_mem>>)
    %dma_wait3A = arith.constant 0 : i32
    %dma_wait3A_61 = arith.constant 0 : i32
    %dma_wait3A_62 = arith.constant 0 : i32
    %dma_wait3A_63 = arith.constant 0 : i32
    %dma_wait3A_64 = tpu.memref_slice %arg6[%dma_wait3A_61, %dma_wait3A_62, %dma_wait3A_63] : memref<3x2x100xi32, #tpu.memory_space<vmem>> -> memref<1x2x100xi32, #tpu.memory_space<vmem>>
    %dma_wait3A_65 = tpu.memref_squeeze %dma_wait3A_64 : memref<1x2x100xi32, #tpu.memory_space<vmem>> -> memref<2x100xi32, #tpu.memory_space<vmem>>
    %dma_wait3A_66 = arith.constant 0 : i32
    %dma_wait3A_67 = arith.constant 0 : i32
    %dma_wait3A_68 = tpu.memref_slice %arg2[%dma_wait3A, %dma_wait3A_66, %dma_wait3A_67] : memref<4096x2x100xi32, #tpu.memory_space<hbm>> -> memref<1x2x100xi32, #tpu.memory_space<hbm>>
    %dma_wait3A_69 = tpu.memref_squeeze %dma_wait3A_68 : memref<1x2x100xi32, #tpu.memory_space<hbm>> -> memref<2x100xi32, #tpu.memory_space<hbm>>
    %dma_wait3A_70 = arith.constant 0 : i32
    %dma_wait3A_71 = arith.constant 0 : i32
    %dma_wait3A_72 = tpu.memref_slice %arg6[%dma_wait3A_61, %dma_wait3A_70, %dma_wait3A_71] : memref<3x2x100xi32, #tpu.memory_space<vmem>> -> memref<1x2x100xi32, #tpu.memory_space<vmem>>
    %dma_wait3A_73 = tpu.memref_squeeze %dma_wait3A_72 : memref<1x2x100xi32, #tpu.memory_space<vmem>> -> memref<2x100xi32, #tpu.memory_space<vmem>>
    %dma_wait3A_74 = arith.constant 0 : i32
    %dma_wait3A_75 = arith.constant 0 : i32
    %dma_wait3A_76 = tpu.memref_slice %arg2[%dma_wait3A, %dma_wait3A_74, %dma_wait3A_75] : memref<4096x2x100xi32, #tpu.memory_space<hbm>> -> memref<1x2x100xi32, #tpu.memory_space<hbm>>
    %dma_wait3A_77 = tpu.memref_squeeze %dma_wait3A_76 : memref<1x2x100xi32, #tpu.memory_space<hbm>> -> memref<2x100xi32, #tpu.memory_space<hbm>>
    tpu.wait_dma2 semaphore(%arg15 : memref<!tpu.dma_semaphore, #tpu.memory_space<semaphore_mem>>) src(%dma_wait3A_77 : memref<2x100xi32, #tpu.memory_space<hbm>>) dst(%dma_wait3A_73 : memref<2x100xi32, #tpu.memory_space<vmem>>)
    %parallel_loop3A = arith.constant 0 : i32
    %parallel_loop3A_78 = arith.constant 200 : i32
    %parallel_loop3A_79 = arith.constant 1 : i32
    scf.for %parallel_loop3A_285 = %parallel_loop3A to %parallel_loop3A_78 step %parallel_loop3A_79  : i32 {
      %parallel_loop3A_286 = arith.constant 1 : i32
      %parallel_loop3A_287 = arith.addi %parallel_loop3A_285, %parallel_loop3A_286 : i32
      %parallel_loop3A_288 = arith.index_cast %parallel_loop3A_287 : i32 to index
      %parallel_loop3A_289 = arith.constant 0 : index
      %parallel_loop3A_290 = tpu.vector_load %arg7[%parallel_loop3A_288, %parallel_loop3A_289] {strides = array<i32>} : memref<208x128xf32, #tpu.memory_space<vmem>>, vector<1x16xf32>,
      %parallel_loop3A_291 = vector.shape_cast %parallel_loop3A_290 : vector<1x16xf32> to vector<16xf32>
      %parallel_loop3A_292 = arith.constant 0 : i32
      %parallel_loop3A_293 = arith.index_cast %parallel_loop3A_292 : i32 to index
      %parallel_loop3A_294 = arith.index_cast %parallel_loop3A_285 : i32 to index
      %parallel_loop3A_295 = arith.constant 0 : index
      %parallel_loop3A_296 = tpu.vector_load %arg8[%parallel_loop3A_293, %parallel_loop3A_294, %parallel_loop3A_295] {strides = array<i32>} : memref<3x200x128xf32, #tpu.memory_space<vmem>>, vector<1x1x16xf32>,
      %parallel_loop3A_297 = vector.shape_cast %parallel_loop3A_296 : vector<1x1x16xf32> to vector<16xf32>
      %parallel_loop3A_298 = vector.shape_cast %parallel_loop3A_291 : vector<16xf32> to vector<1x1x16xf32>
      tpu.vector_store %arg8[%parallel_loop3A_293, %parallel_loop3A_294, %parallel_loop3A_295], %parallel_loop3A_298 {strides = array<i32>} : memref<3x200x128xf32, #tpu.memory_space<vmem>>, vector<1x1x16xf32>,
      %parallel_loop3A_299 = arith.constant 1 : i32
      %parallel_loop3A_300 = arith.addi %parallel_loop3A_285, %parallel_loop3A_299 : i32
      %parallel_loop3A_301 = arith.index_cast %parallel_loop3A_300 : i32 to index
      %parallel_loop3A_302 = arith.constant 16 : index
      %parallel_loop3A_303 = tpu.vector_load %arg7[%parallel_loop3A_301, %parallel_loop3A_302] {strides = array<i32>} : memref<208x128xf32, #tpu.memory_space<vmem>>, vector<1x16xf32>,
      %parallel_loop3A_304 = vector.shape_cast %parallel_loop3A_303 : vector<1x16xf32> to vector<16xf32>
      %parallel_loop3A_305 = arith.constant 0 : i32
      %parallel_loop3A_306 = arith.index_cast %parallel_loop3A_305 : i32 to index
      %parallel_loop3A_307 = arith.index_cast %parallel_loop3A_285 : i32 to index
      %parallel_loop3A_308 = arith.constant 16 : index
      %parallel_loop3A_309 = tpu.vector_load %arg8[%parallel_loop3A_306, %parallel_loop3A_307, %parallel_loop3A_308] {strides = array<i32>} : memref<3x200x128xf32, #tpu.memory_space<vmem>>, vector<1x1x16xf32>,
      %parallel_loop3A_310 = vector.shape_cast %parallel_loop3A_309 : vector<1x1x16xf32> to vector<16xf32>
      %parallel_loop3A_311 = vector.shape_cast %parallel_loop3A_304 : vector<16xf32> to vector<1x1x16xf32>
      tpu.vector_store %arg8[%parallel_loop3A_306, %parallel_loop3A_307, %parallel_loop3A_308], %parallel_loop3A_311 {strides = array<i32>} : memref<3x200x128xf32, #tpu.memory_space<vmem>>, vector<1x1x16xf32>,
      %parallel_loop3A_312 = arith.constant 1 : i32
      %parallel_loop3A_313 = arith.addi %parallel_loop3A_285, %parallel_loop3A_312 : i32
      %parallel_loop3A_314 = arith.index_cast %parallel_loop3A_313 : i32 to index
      %parallel_loop3A_315 = arith.constant 32 : index
      %parallel_loop3A_316 = tpu.vector_load %arg7[%parallel_loop3A_314, %parallel_loop3A_315] {strides = array<i32>} : memref<208x128xf32, #tpu.memory_space<vmem>>, vector<1x16xf32>,
      %parallel_loop3A_317 = vector.shape_cast %parallel_loop3A_316 : vector<1x16xf32> to vector<16xf32>
      %parallel_loop3A_318 = arith.constant 0 : i32
      %parallel_loop3A_319 = arith.index_cast %parallel_loop3A_318 : i32 to index
      %parallel_loop3A_320 = arith.index_cast %parallel_loop3A_285 : i32 to index
      %parallel_loop3A_321 = arith.constant 32 : index
      %parallel_loop3A_322 = tpu.vector_load %arg8[%parallel_loop3A_319, %parallel_loop3A_320, %parallel_loop3A_321] {strides = array<i32>} : memref<3x200x128xf32, #tpu.memory_space<vmem>>, vector<1x1x16xf32>,
      %parallel_loop3A_323 = vector.shape_cast %parallel_loop3A_322 : vector<1x1x16xf32> to vector<16xf32>
      %parallel_loop3A_324 = vector.shape_cast %parallel_loop3A_317 : vector<16xf32> to vector<1x1x16xf32>
      tpu.vector_store %arg8[%parallel_loop3A_319, %parallel_loop3A_320, %parallel_loop3A_321], %parallel_loop3A_324 {strides = array<i32>} : memref<3x200x128xf32, #tpu.memory_space<vmem>>, vector<1x1x16xf32>,
      %parallel_loop3A_325 = arith.constant 1 : i32
      %parallel_loop3A_326 = arith.addi %parallel_loop3A_285, %parallel_loop3A_325 : i32
      %parallel_loop3A_327 = arith.index_cast %parallel_loop3A_326 : i32 to index
      %parallel_loop3A_328 = arith.constant 48 : index
      %parallel_loop3A_329 = tpu.vector_load %arg7[%parallel_loop3A_327, %parallel_loop3A_328] {strides = array<i32>} : memref<208x128xf32, #tpu.memory_space<vmem>>, vector<1x16xf32>,
      %parallel_loop3A_330 = vector.shape_cast %parallel_loop3A_329 : vector<1x16xf32> to vector<16xf32>
      %parallel_loop3A_331 = arith.constant 0 : i32
      %parallel_loop3A_332 = arith.index_cast %parallel_loop3A_331 : i32 to index
      %parallel_loop3A_333 = arith.index_cast %parallel_loop3A_285 : i32 to index
      %parallel_loop3A_334 = arith.constant 48 : index
      %parallel_loop3A_335 = tpu.vector_load %arg8[%parallel_loop3A_332, %parallel_loop3A_333, %parallel_loop3A_334] {strides = array<i32>} : memref<3x200x128xf32, #tpu.memory_space<vmem>>, vector<1x1x16xf32>,
      %parallel_loop3A_336 = vector.shape_cast %parallel_loop3A_335 : vector<1x1x16xf32> to vector<16xf32>
      %parallel_loop3A_337 = vector.shape_cast %parallel_loop3A_330 : vector<16xf32> to vector<1x1x16xf32>
      tpu.vector_store %arg8[%parallel_loop3A_332, %parallel_loop3A_333, %parallel_loop3A_334], %parallel_loop3A_337 {strides = array<i32>} : memref<3x200x128xf32, #tpu.memory_space<vmem>>, vector<1x1x16xf32>,
      %parallel_loop3A_338 = arith.constant 1 : i32
      %parallel_loop3A_339 = arith.addi %parallel_loop3A_285, %parallel_loop3A_338 : i32
      %parallel_loop3A_340 = arith.index_cast %parallel_loop3A_339 : i32 to index
      %parallel_loop3A_341 = arith.constant 64 : index
      %parallel_loop3A_342 = tpu.vector_load %arg7[%parallel_loop3A_340, %parallel_loop3A_341] {strides = array<i32>} : memref<208x128xf32, #tpu.memory_space<vmem>>, vector<1x16xf32>,
      %parallel_loop3A_343 = vector.shape_cast %parallel_loop3A_342 : vector<1x16xf32> to vector<16xf32>
      %parallel_loop3A_344 = arith.constant 0 : i32
      %parallel_loop3A_345 = arith.index_cast %parallel_loop3A_344 : i32 to index
      %parallel_loop3A_346 = arith.index_cast %parallel_loop3A_285 : i32 to index
      %parallel_loop3A_347 = arith.constant 64 : index
      %parallel_loop3A_348 = tpu.vector_load %arg8[%parallel_loop3A_345, %parallel_loop3A_346, %parallel_loop3A_347] {strides = array<i32>} : memref<3x200x128xf32, #tpu.memory_space<vmem>>, vector<1x1x16xf32>,
      %parallel_loop3A_349 = vector.shape_cast %parallel_loop3A_348 : vector<1x1x16xf32> to vector<16xf32>
      %parallel_loop3A_350 = vector.shape_cast %parallel_loop3A_343 : vector<16xf32> to vector<1x1x16xf32>
      tpu.vector_store %arg8[%parallel_loop3A_345, %parallel_loop3A_346, %parallel_loop3A_347], %parallel_loop3A_350 {strides = array<i32>} : memref<3x200x128xf32, #tpu.memory_space<vmem>>, vector<1x1x16xf32>,
      %parallel_loop3A_351 = arith.constant 1 : i32
      %parallel_loop3A_352 = arith.addi %parallel_loop3A_285, %parallel_loop3A_351 : i32
      %parallel_loop3A_353 = arith.index_cast %parallel_loop3A_352 : i32 to index
      %parallel_loop3A_354 = arith.constant 80 : index
      %parallel_loop3A_355 = tpu.vector_load %arg7[%parallel_loop3A_353, %parallel_loop3A_354] {strides = array<i32>} : memref<208x128xf32, #tpu.memory_space<vmem>>, vector<1x16xf32>,
      %parallel_loop3A_356 = vector.shape_cast %parallel_loop3A_355 : vector<1x16xf32> to vector<16xf32>
      %parallel_loop3A_357 = arith.constant 0 : i32
      %parallel_loop3A_358 = arith.index_cast %parallel_loop3A_357 : i32 to index
      %parallel_loop3A_359 = arith.index_cast %parallel_loop3A_285 : i32 to index
      %parallel_loop3A_360 = arith.constant 80 : index
      %parallel_loop3A_361 = tpu.vector_load %arg8[%parallel_loop3A_358, %parallel_loop3A_359, %parallel_loop3A_360] {strides = array<i32>} : memref<3x200x128xf32, #tpu.memory_space<vmem>>, vector<1x1x16xf32>,
      %parallel_loop3A_362 = vector.shape_cast %parallel_loop3A_361 : vector<1x1x16xf32> to vector<16xf32>
      %parallel_loop3A_363 = vector.shape_cast %parallel_loop3A_356 : vector<16xf32> to vector<1x1x16xf32>
      tpu.vector_store %arg8[%parallel_loop3A_358, %parallel_loop3A_359, %parallel_loop3A_360], %parallel_loop3A_363 {strides = array<i32>} : memref<3x200x128xf32, #tpu.memory_space<vmem>>, vector<1x1x16xf32>,
      %parallel_loop3A_364 = arith.constant 1 : i32
      %parallel_loop3A_365 = arith.addi %parallel_loop3A_285, %parallel_loop3A_364 : i32
      %parallel_loop3A_366 = arith.index_cast %parallel_loop3A_365 : i32 to index
      %parallel_loop3A_367 = arith.constant 96 : index
      %parallel_loop3A_368 = tpu.vector_load %arg7[%parallel_loop3A_366, %parallel_loop3A_367] {strides = array<i32>} : memref<208x128xf32, #tpu.memory_space<vmem>>, vector<1x16xf32>,
      %parallel_loop3A_369 = vector.shape_cast %parallel_loop3A_368 : vector<1x16xf32> to vector<16xf32>
      %parallel_loop3A_370 = arith.constant 0 : i32
      %parallel_loop3A_371 = arith.index_cast %parallel_loop3A_370 : i32 to index
      %parallel_loop3A_372 = arith.index_cast %parallel_loop3A_285 : i32 to index
      %parallel_loop3A_373 = arith.constant 96 : index
      %parallel_loop3A_374 = tpu.vector_load %arg8[%parallel_loop3A_371, %parallel_loop3A_372, %parallel_loop3A_373] {strides = array<i32>} : memref<3x200x128xf32, #tpu.memory_space<vmem>>, vector<1x1x16xf32>,
      %parallel_loop3A_375 = vector.shape_cast %parallel_loop3A_374 : vector<1x1x16xf32> to vector<16xf32>
      %parallel_loop3A_376 = vector.shape_cast %parallel_loop3A_369 : vector<16xf32> to vector<1x1x16xf32>
      tpu.vector_store %arg8[%parallel_loop3A_371, %parallel_loop3A_372, %parallel_loop3A_373], %parallel_loop3A_376 {strides = array<i32>} : memref<3x200x128xf32, #tpu.memory_space<vmem>>, vector<1x1x16xf32>,
      %parallel_loop3A_377 = arith.constant 1 : i32
      %parallel_loop3A_378 = arith.addi %parallel_loop3A_285, %parallel_loop3A_377 : i32
      %parallel_loop3A_379 = arith.index_cast %parallel_loop3A_378 : i32 to index
      %parallel_loop3A_380 = arith.constant 112 : index
      %parallel_loop3A_381 = tpu.vector_load %arg7[%parallel_loop3A_379, %parallel_loop3A_380] {strides = array<i32>} : memref<208x128xf32, #tpu.memory_space<vmem>>, vector<1x16xf32>,
      %parallel_loop3A_382 = vector.shape_cast %parallel_loop3A_381 : vector<1x16xf32> to vector<16xf32>
      %parallel_loop3A_383 = arith.constant 0 : i32
      %parallel_loop3A_384 = arith.index_cast %parallel_loop3A_383 : i32 to index
      %parallel_loop3A_385 = arith.index_cast %parallel_loop3A_285 : i32 to index
      %parallel_loop3A_386 = arith.constant 112 : index
      %parallel_loop3A_387 = tpu.vector_load %arg8[%parallel_loop3A_384, %parallel_loop3A_385, %parallel_loop3A_386] {strides = array<i32>} : memref<3x200x128xf32, #tpu.memory_space<vmem>>, vector<1x1x16xf32>,
      %parallel_loop3A_388 = vector.shape_cast %parallel_loop3A_387 : vector<1x1x16xf32> to vector<16xf32>
      %parallel_loop3A_389 = vector.shape_cast %parallel_loop3A_382 : vector<16xf32> to vector<1x1x16xf32>
      tpu.vector_store %arg8[%parallel_loop3A_384, %parallel_loop3A_385, %parallel_loop3A_386], %parallel_loop3A_389 {strides = array<i32>} : memref<3x200x128xf32, #tpu.memory_space<vmem>>, vector<1x1x16xf32>,
    } {sc.loop_unroll_factor = 8 : i64, sc.parallel_access}
    %dma_start3A_80 = arith.constant 0 : i32
    %dma_start3A_81 = arith.constant 0 : i32
    %dma_start3A_82 = arith.constant 0 : i32
    %dma_start3A_83 = arith.constant 0 : i32
    %dma_start3A_84 = arith.constant 0 : i32
    %dma_start3A_85 = tpu.memref_slice %arg8[%dma_start3A_82, %dma_start3A_83, %dma_start3A_84] : memref<3x200x128xf32, #tpu.memory_space<vmem>> -> memref<1x100x128xf32, #tpu.memory_space<vmem>>
    %dma_start3A_86 = tpu.memref_squeeze %dma_start3A_85 : memref<1x100x128xf32, #tpu.memory_space<vmem>> -> memref<100x128xf32, #tpu.memory_space<vmem>>
    %dma_start3A_87 = arith.constant 0 : i32
    %dma_start3A_88 = tpu.memref_slice %arg6[%dma_start3A_80, %dma_start3A_81, %dma_start3A_87] : memref<3x2x100xi32, #tpu.memory_space<vmem>> -> memref<1x1x100xi32, #tpu.memory_space<vmem>>
    %dma_start3A_89 = tpu.memref_squeeze %dma_start3A_88 : memref<1x1x100xi32, #tpu.memory_space<vmem>> -> memref<100xi32, #tpu.memory_space<vmem>>
    %dma_start3A_90 = arith.constant 0 : i32
    %dma_start3A_91 = arith.constant 0 : i32
    %dma_start3A_92 = tpu.memref_slice %arg4[%dma_start3A_90, %dma_start3A_91] : memref<100000x128xf32, #tpu.memory_space<hbm>> -> memref<100000x128xf32, #tpu.memory_space<hbm>>
    tpu.enqueue_indirect_dma source(%dma_start3A_92 : memref<100000x128xf32, #tpu.memory_space<hbm>>) target(%dma_start3A_86 : memref<100x128xf32, #tpu.memory_space<vmem>>) offsets(%dma_start3A_89 : memref<100xi32, #tpu.memory_space<vmem>>) semaphore(%arg9 : memref<!tpu.dma_semaphore, #tpu.memory_space<semaphore_mem>>) {add = true}
    %dma_start3A_93 = arith.constant 0 : i32
    %dma_start3A_94 = arith.constant 1 : i32
    %dma_start3A_95 = arith.constant 0 : i32
    %dma_start3A_96 = arith.constant 100 : i32
    %dma_start3A_97 = arith.constant 0 : i32
    %dma_start3A_98 = tpu.memref_slice %arg8[%dma_start3A_95, %dma_start3A_96, %dma_start3A_97] : memref<3x200x128xf32, #tpu.memory_space<vmem>> -> memref<1x100x128xf32, #tpu.memory_space<vmem>>
    %dma_start3A_99 = tpu.memref_squeeze %dma_start3A_98 : memref<1x100x128xf32, #tpu.memory_space<vmem>> -> memref<100x128xf32, #tpu.memory_space<vmem>>
    %dma_start3A_100 = arith.constant 0 : i32
    %dma_start3A_101 = tpu.memref_slice %arg6[%dma_start3A_93, %dma_start3A_94, %dma_start3A_100] : memref<3x2x100xi32, #tpu.memory_space<vmem>> -> memref<1x1x100xi32, #tpu.memory_space<vmem>>
    %dma_start3A_102 = tpu.memref_squeeze %dma_start3A_101 : memref<1x1x100xi32, #tpu.memory_space<vmem>> -> memref<100xi32, #tpu.memory_space<vmem>>
    %dma_start3A_103 = arith.constant 0 : i32
    %dma_start3A_104 = arith.constant 0 : i32
    %dma_start3A_105 = tpu.memref_slice %arg4[%dma_start3A_103, %dma_start3A_104] : memref<100000x128xf32, #tpu.memory_space<hbm>> -> memref<100000x128xf32, #tpu.memory_space<hbm>>
    tpu.enqueue_indirect_dma source(%dma_start3A_105 : memref<100000x128xf32, #tpu.memory_space<hbm>>) target(%dma_start3A_99 : memref<100x128xf32, #tpu.memory_space<vmem>>) offsets(%dma_start3A_102 : memref<100xi32, #tpu.memory_space<vmem>>) semaphore(%arg9 : memref<!tpu.dma_semaphore, #tpu.memory_space<semaphore_mem>>) {add = true}
    %dma_wait3A_106 = arith.constant 0 : i32
    %dma_wait3A_107 = arith.constant 1 : i32
    %dma_wait3A_108 = arith.constant 0 : i32
    %dma_wait3A_109 = arith.constant 0 : i32
    %dma_wait3A_110 = tpu.memref_slice %arg6[%dma_wait3A_107, %dma_wait3A_108, %dma_wait3A_109] : memref<3x2x100xi32, #tpu.memory_space<vmem>> -> memref<1x2x100xi32, #tpu.memory_space<vmem>>
    %dma_wait3A_111 = tpu.memref_squeeze %dma_wait3A_110 : memref<1x2x100xi32, #tpu.memory_space<vmem>> -> memref<2x100xi32, #tpu.memory_space<vmem>>
    %dma_wait3A_112 = arith.constant 0 : i32
    %dma_wait3A_113 = arith.constant 0 : i32
    %dma_wait3A_114 = tpu.memref_slice %arg2[%dma_wait3A_106, %dma_wait3A_112, %dma_wait3A_113] : memref<4096x2x100xi32, #tpu.memory_space<hbm>> -> memref<1x2x100xi32, #tpu.memory_space<hbm>>
    %dma_wait3A_115 = tpu.memref_squeeze %dma_wait3A_114 : memref<1x2x100xi32, #tpu.memory_space<hbm>> -> memref<2x100xi32, #tpu.memory_space<hbm>>
    %dma_wait3A_116 = arith.constant 0 : i32
    %dma_wait3A_117 = arith.constant 0 : i32
    %dma_wait3A_118 = tpu.memref_slice %arg6[%dma_wait3A_107, %dma_wait3A_116, %dma_wait3A_117] : memref<3x2x100xi32, #tpu.memory_space<vmem>> -> memref<1x2x100xi32, #tpu.memory_space<vmem>>
    %dma_wait3A_119 = tpu.memref_squeeze %dma_wait3A_118 : memref<1x2x100xi32, #tpu.memory_space<vmem>> -> memref<2x100xi32, #tpu.memory_space<vmem>>
    %dma_wait3A_120 = arith.constant 0 : i32
    %dma_wait3A_121 = arith.constant 0 : i32
    %dma_wait3A_122 = tpu.memref_slice %arg2[%dma_wait3A_106, %dma_wait3A_120, %dma_wait3A_121] : memref<4096x2x100xi32, #tpu.memory_space<hbm>> -> memref<1x2x100xi32, #tpu.memory_space<hbm>>
    %dma_wait3A_123 = tpu.memref_squeeze %dma_wait3A_122 : memref<1x2x100xi32, #tpu.memory_space<hbm>> -> memref<2x100xi32, #tpu.memory_space<hbm>>
    tpu.wait_dma2 semaphore(%arg16 : memref<!tpu.dma_semaphore, #tpu.memory_space<semaphore_mem>>) src(%dma_wait3A_123 : memref<2x100xi32, #tpu.memory_space<hbm>>) dst(%dma_wait3A_119 : memref<2x100xi32, #tpu.memory_space<vmem>>)
    %parallel_loop3A_124 = arith.constant 0 : i32
    %parallel_loop3A_125 = arith.constant 200 : i32
    %parallel_loop3A_126 = arith.constant 1 : i32
    scf.for %parallel_loop3A_285 = %parallel_loop3A_124 to %parallel_loop3A_125 step %parallel_loop3A_126  : i32 {
      %parallel_loop3A_286 = arith.constant 1 : i32
      %parallel_loop3A_287 = arith.addi %parallel_loop3A_285, %parallel_loop3A_286 : i32
      %parallel_loop3A_288 = arith.index_cast %parallel_loop3A_287 : i32 to index
      %parallel_loop3A_289 = arith.constant 0 : index
      %parallel_loop3A_290 = tpu.vector_load %arg7[%parallel_loop3A_288, %parallel_loop3A_289] {strides = array<i32>} : memref<208x128xf32, #tpu.memory_space<vmem>>, vector<1x16xf32>,
      %parallel_loop3A_291 = vector.shape_cast %parallel_loop3A_290 : vector<1x16xf32> to vector<16xf32>
      %parallel_loop3A_292 = arith.constant 1 : i32
      %parallel_loop3A_293 = arith.index_cast %parallel_loop3A_292 : i32 to index
      %parallel_loop3A_294 = arith.index_cast %parallel_loop3A_285 : i32 to index
      %parallel_loop3A_295 = arith.constant 0 : index
      %parallel_loop3A_296 = tpu.vector_load %arg8[%parallel_loop3A_293, %parallel_loop3A_294, %parallel_loop3A_295] {strides = array<i32>} : memref<3x200x128xf32, #tpu.memory_space<vmem>>, vector<1x1x16xf32>,
      %parallel_loop3A_297 = vector.shape_cast %parallel_loop3A_296 : vector<1x1x16xf32> to vector<16xf32>
      %parallel_loop3A_298 = vector.shape_cast %parallel_loop3A_291 : vector<16xf32> to vector<1x1x16xf32>
      tpu.vector_store %arg8[%parallel_loop3A_293, %parallel_loop3A_294, %parallel_loop3A_295], %parallel_loop3A_298 {strides = array<i32>} : memref<3x200x128xf32, #tpu.memory_space<vmem>>, vector<1x1x16xf32>,
      %parallel_loop3A_299 = arith.constant 1 : i32
      %parallel_loop3A_300 = arith.addi %parallel_loop3A_285, %parallel_loop3A_299 : i32
      %parallel_loop3A_301 = arith.index_cast %parallel_loop3A_300 : i32 to index
      %parallel_loop3A_302 = arith.constant 16 : index
      %parallel_loop3A_303 = tpu.vector_load %arg7[%parallel_loop3A_301, %parallel_loop3A_302] {strides = array<i32>} : memref<208x128xf32, #tpu.memory_space<vmem>>, vector<1x16xf32>,
      %parallel_loop3A_304 = vector.shape_cast %parallel_loop3A_303 : vector<1x16xf32> to vector<16xf32>
      %parallel_loop3A_305 = arith.constant 1 : i32
      %parallel_loop3A_306 = arith.index_cast %parallel_loop3A_305 : i32 to index
      %parallel_loop3A_307 = arith.index_cast %parallel_loop3A_285 : i32 to index
      %parallel_loop3A_308 = arith.constant 16 : index
      %parallel_loop3A_309 = tpu.vector_load %arg8[%parallel_loop3A_306, %parallel_loop3A_307, %parallel_loop3A_308] {strides = array<i32>} : memref<3x200x128xf32, #tpu.memory_space<vmem>>, vector<1x1x16xf32>,
      %parallel_loop3A_310 = vector.shape_cast %parallel_loop3A_309 : vector<1x1x16xf32> to vector<16xf32>
      %parallel_loop3A_311 = vector.shape_cast %parallel_loop3A_304 : vector<16xf32> to vector<1x1x16xf32>
      tpu.vector_store %arg8[%parallel_loop3A_306, %parallel_loop3A_307, %parallel_loop3A_308], %parallel_loop3A_311 {strides = array<i32>} : memref<3x200x128xf32, #tpu.memory_space<vmem>>, vector<1x1x16xf32>,
      %parallel_loop3A_312 = arith.constant 1 : i32
      %parallel_loop3A_313 = arith.addi %parallel_loop3A_285, %parallel_loop3A_312 : i32
      %parallel_loop3A_314 = arith.index_cast %parallel_loop3A_313 : i32 to index
      %parallel_loop3A_315 = arith.constant 32 : index
      %parallel_loop3A_316 = tpu.vector_load %arg7[%parallel_loop3A_314, %parallel_loop3A_315] {strides = array<i32>} : memref<208x128xf32, #tpu.memory_space<vmem>>, vector<1x16xf32>,
      %parallel_loop3A_317 = vector.shape_cast %parallel_loop3A_316 : vector<1x16xf32> to vector<16xf32>
      %parallel_loop3A_318 = arith.constant 1 : i32
      %parallel_loop3A_319 = arith.index_cast %parallel_loop3A_318 : i32 to index
      %parallel_loop3A_320 = arith.index_cast %parallel_loop3A_285 : i32 to index
      %parallel_loop3A_321 = arith.constant 32 : index
      %parallel_loop3A_322 = tpu.vector_load %arg8[%parallel_loop3A_319, %parallel_loop3A_320, %parallel_loop3A_321] {strides = array<i32>} : memref<3x200x128xf32, #tpu.memory_space<vmem>>, vector<1x1x16xf32>,
      %parallel_loop3A_323 = vector.shape_cast %parallel_loop3A_322 : vector<1x1x16xf32> to vector<16xf32>
      %parallel_loop3A_324 = vector.shape_cast %parallel_loop3A_317 : vector<16xf32> to vector<1x1x16xf32>
      tpu.vector_store %arg8[%parallel_loop3A_319, %parallel_loop3A_320, %parallel_loop3A_321], %parallel_loop3A_324 {strides = array<i32>} : memref<3x200x128xf32, #tpu.memory_space<vmem>>, vector<1x1x16xf32>,
      %parallel_loop3A_325 = arith.constant 1 : i32
      %parallel_loop3A_326 = arith.addi %parallel_loop3A_285, %parallel_loop3A_325 : i32
      %parallel_loop3A_327 = arith.index_cast %parallel_loop3A_326 : i32 to index
      %parallel_loop3A_328 = arith.constant 48 : index
      %parallel_loop3A_329 = tpu.vector_load %arg7[%parallel_loop3A_327, %parallel_loop3A_328] {strides = array<i32>} : memref<208x128xf32, #tpu.memory_space<vmem>>, vector<1x16xf32>,
      %parallel_loop3A_330 = vector.shape_cast %parallel_loop3A_329 : vector<1x16xf32> to vector<16xf32>
      %parallel_loop3A_331 = arith.constant 1 : i32
      %parallel_loop3A_332 = arith.index_cast %parallel_loop3A_331 : i32 to index
      %parallel_loop3A_333 = arith.index_cast %parallel_loop3A_285 : i32 to index
      %parallel_loop3A_334 = arith.constant 48 : index
      %parallel_loop3A_335 = tpu.vector_load %arg8[%parallel_loop3A_332, %parallel_loop3A_333, %parallel_loop3A_334] {strides = array<i32>} : memref<3x200x128xf32, #tpu.memory_space<vmem>>, vector<1x1x16xf32>,
      %parallel_loop3A_336 = vector.shape_cast %parallel_loop3A_335 : vector<1x1x16xf32> to vector<16xf32>
      %parallel_loop3A_337 = vector.shape_cast %parallel_loop3A_330 : vector<16xf32> to vector<1x1x16xf32>
      tpu.vector_store %arg8[%parallel_loop3A_332, %parallel_loop3A_333, %parallel_loop3A_334], %parallel_loop3A_337 {strides = array<i32>} : memref<3x200x128xf32, #tpu.memory_space<vmem>>, vector<1x1x16xf32>,
      %parallel_loop3A_338 = arith.constant 1 : i32
      %parallel_loop3A_339 = arith.addi %parallel_loop3A_285, %parallel_loop3A_338 : i32
      %parallel_loop3A_340 = arith.index_cast %parallel_loop3A_339 : i32 to index
      %parallel_loop3A_341 = arith.constant 64 : index
      %parallel_loop3A_342 = tpu.vector_load %arg7[%parallel_loop3A_340, %parallel_loop3A_341] {strides = array<i32>} : memref<208x128xf32, #tpu.memory_space<vmem>>, vector<1x16xf32>,
      %parallel_loop3A_343 = vector.shape_cast %parallel_loop3A_342 : vector<1x16xf32> to vector<16xf32>
      %parallel_loop3A_344 = arith.constant 1 : i32
      %parallel_loop3A_345 = arith.index_cast %parallel_loop3A_344 : i32 to index
      %parallel_loop3A_346 = arith.index_cast %parallel_loop3A_285 : i32 to index
      %parallel_loop3A_347 = arith.constant 64 : index
      %parallel_loop3A_348 = tpu.vector_load %arg8[%parallel_loop3A_345, %parallel_loop3A_346, %parallel_loop3A_347] {strides = array<i32>} : memref<3x200x128xf32, #tpu.memory_space<vmem>>, vector<1x1x16xf32>,
      %parallel_loop3A_349 = vector.shape_cast %parallel_loop3A_348 : vector<1x1x16xf32> to vector<16xf32>
      %parallel_loop3A_350 = vector.shape_cast %parallel_loop3A_343 : vector<16xf32> to vector<1x1x16xf32>
      tpu.vector_store %arg8[%parallel_loop3A_345, %parallel_loop3A_346, %parallel_loop3A_347], %parallel_loop3A_350 {strides = array<i32>} : memref<3x200x128xf32, #tpu.memory_space<vmem>>, vector<1x1x16xf32>,
      %parallel_loop3A_351 = arith.constant 1 : i32
      %parallel_loop3A_352 = arith.addi %parallel_loop3A_285, %parallel_loop3A_351 : i32
      %parallel_loop3A_353 = arith.index_cast %parallel_loop3A_352 : i32 to index
      %parallel_loop3A_354 = arith.constant 80 : index
      %parallel_loop3A_355 = tpu.vector_load %arg7[%parallel_loop3A_353, %parallel_loop3A_354] {strides = array<i32>} : memref<208x128xf32, #tpu.memory_space<vmem>>, vector<1x16xf32>,
      %parallel_loop3A_356 = vector.shape_cast %parallel_loop3A_355 : vector<1x16xf32> to vector<16xf32>
      %parallel_loop3A_357 = arith.constant 1 : i32
      %parallel_loop3A_358 = arith.index_cast %parallel_loop3A_357 : i32 to index
      %parallel_loop3A_359 = arith.index_cast %parallel_loop3A_285 : i32 to index
      %parallel_loop3A_360 = arith.constant 80 : index
      %parallel_loop3A_361 = tpu.vector_load %arg8[%parallel_loop3A_358, %parallel_loop3A_359, %parallel_loop3A_360] {strides = array<i32>} : memref<3x200x128xf32, #tpu.memory_space<vmem>>, vector<1x1x16xf32>,
      %parallel_loop3A_362 = vector.shape_cast %parallel_loop3A_361 : vector<1x1x16xf32> to vector<16xf32>
      %parallel_loop3A_363 = vector.shape_cast %parallel_loop3A_356 : vector<16xf32> to vector<1x1x16xf32>
      tpu.vector_store %arg8[%parallel_loop3A_358, %parallel_loop3A_359, %parallel_loop3A_360], %parallel_loop3A_363 {strides = array<i32>} : memref<3x200x128xf32, #tpu.memory_space<vmem>>, vector<1x1x16xf32>,
      %parallel_loop3A_364 = arith.constant 1 : i32
      %parallel_loop3A_365 = arith.addi %parallel_loop3A_285, %parallel_loop3A_364 : i32
      %parallel_loop3A_366 = arith.index_cast %parallel_loop3A_365 : i32 to index
      %parallel_loop3A_367 = arith.constant 96 : index
      %parallel_loop3A_368 = tpu.vector_load %arg7[%parallel_loop3A_366, %parallel_loop3A_367] {strides = array<i32>} : memref<208x128xf32, #tpu.memory_space<vmem>>, vector<1x16xf32>,
      %parallel_loop3A_369 = vector.shape_cast %parallel_loop3A_368 : vector<1x16xf32> to vector<16xf32>
      %parallel_loop3A_370 = arith.constant 1 : i32
      %parallel_loop3A_371 = arith.index_cast %parallel_loop3A_370 : i32 to index
      %parallel_loop3A_372 = arith.index_cast %parallel_loop3A_285 : i32 to index
      %parallel_loop3A_373 = arith.constant 96 : index
      %parallel_loop3A_374 = tpu.vector_load %arg8[%parallel_loop3A_371, %parallel_loop3A_372, %parallel_loop3A_373] {strides = array<i32>} : memref<3x200x128xf32, #tpu.memory_space<vmem>>, vector<1x1x16xf32>,
      %parallel_loop3A_375 = vector.shape_cast %parallel_loop3A_374 : vector<1x1x16xf32> to vector<16xf32>
      %parallel_loop3A_376 = vector.shape_cast %parallel_loop3A_369 : vector<16xf32> to vector<1x1x16xf32>
      tpu.vector_store %arg8[%parallel_loop3A_371, %parallel_loop3A_372, %parallel_loop3A_373], %parallel_loop3A_376 {strides = array<i32>} : memref<3x200x128xf32, #tpu.memory_space<vmem>>, vector<1x1x16xf32>,
      %parallel_loop3A_377 = arith.constant 1 : i32
      %parallel_loop3A_378 = arith.addi %parallel_loop3A_285, %parallel_loop3A_377 : i32
      %parallel_loop3A_379 = arith.index_cast %parallel_loop3A_378 : i32 to index
      %parallel_loop3A_380 = arith.constant 112 : index
      %parallel_loop3A_381 = tpu.vector_load %arg7[%parallel_loop3A_379, %parallel_loop3A_380] {strides = array<i32>} : memref<208x128xf32, #tpu.memory_space<vmem>>, vector<1x16xf32>,
      %parallel_loop3A_382 = vector.shape_cast %parallel_loop3A_381 : vector<1x16xf32> to vector<16xf32>
      %parallel_loop3A_383 = arith.constant 1 : i32
      %parallel_loop3A_384 = arith.index_cast %parallel_loop3A_383 : i32 to index
      %parallel_loop3A_385 = arith.index_cast %parallel_loop3A_285 : i32 to index
      %parallel_loop3A_386 = arith.constant 112 : index
      %parallel_loop3A_387 = tpu.vector_load %arg8[%parallel_loop3A_384, %parallel_loop3A_385, %parallel_loop3A_386] {strides = array<i32>} : memref<3x200x128xf32, #tpu.memory_space<vmem>>, vector<1x1x16xf32>,
      %parallel_loop3A_388 = vector.shape_cast %parallel_loop3A_387 : vector<1x1x16xf32> to vector<16xf32>
      %parallel_loop3A_389 = vector.shape_cast %parallel_loop3A_382 : vector<16xf32> to vector<1x1x16xf32>
      tpu.vector_store %arg8[%parallel_loop3A_384, %parallel_loop3A_385, %parallel_loop3A_386], %parallel_loop3A_389 {strides = array<i32>} : memref<3x200x128xf32, #tpu.memory_space<vmem>>, vector<1x1x16xf32>,
    } {sc.loop_unroll_factor = 8 : i64, sc.parallel_access}
    %dma_start3A_127 = arith.constant 1 : i32
    %dma_start3A_128 = arith.constant 0 : i32
    %dma_start3A_129 = arith.constant 1 : i32
    %dma_start3A_130 = arith.constant 0 : i32
    %dma_start3A_131 = arith.constant 0 : i32
    %dma_start3A_132 = tpu.memref_slice %arg8[%dma_start3A_129, %dma_start3A_130, %dma_start3A_131] : memref<3x200x128xf32, #tpu.memory_space<vmem>> -> memref<1x100x128xf32, #tpu.memory_space<vmem>>
    %dma_start3A_133 = tpu.memref_squeeze %dma_start3A_132 : memref<1x100x128xf32, #tpu.memory_space<vmem>> -> memref<100x128xf32, #tpu.memory_space<vmem>>
    %dma_start3A_134 = arith.constant 0 : i32
    %dma_start3A_135 = tpu.memref_slice %arg6[%dma_start3A_127, %dma_start3A_128, %dma_start3A_134] : memref<3x2x100xi32, #tpu.memory_space<vmem>> -> memref<1x1x100xi32, #tpu.memory_space<vmem>>
    %dma_start3A_136 = tpu.memref_squeeze %dma_start3A_135 : memref<1x1x100xi32, #tpu.memory_space<vmem>> -> memref<100xi32, #tpu.memory_space<vmem>>
    %dma_start3A_137 = arith.constant 0 : i32
    %dma_start3A_138 = arith.constant 0 : i32
    %dma_start3A_139 = tpu.memref_slice %arg4[%dma_start3A_137, %dma_start3A_138] : memref<100000x128xf32, #tpu.memory_space<hbm>> -> memref<100000x128xf32, #tpu.memory_space<hbm>>
    tpu.enqueue_indirect_dma source(%dma_start3A_139 : memref<100000x128xf32, #tpu.memory_space<hbm>>) target(%dma_start3A_133 : memref<100x128xf32, #tpu.memory_space<vmem>>) offsets(%dma_start3A_136 : memref<100xi32, #tpu.memory_space<vmem>>) semaphore(%arg10 : memref<!tpu.dma_semaphore, #tpu.memory_space<semaphore_mem>>) {add = true}
    %dma_start3A_140 = arith.constant 1 : i32
    %dma_start3A_141 = arith.constant 1 : i32
    %dma_start3A_142 = arith.constant 1 : i32
    %dma_start3A_143 = arith.constant 100 : i32
    %dma_start3A_144 = arith.constant 0 : i32
    %dma_start3A_145 = tpu.memref_slice %arg8[%dma_start3A_142, %dma_start3A_143, %dma_start3A_144] : memref<3x200x128xf32, #tpu.memory_space<vmem>> -> memref<1x100x128xf32, #tpu.memory_space<vmem>>
    %dma_start3A_146 = tpu.memref_squeeze %dma_start3A_145 : memref<1x100x128xf32, #tpu.memory_space<vmem>> -> memref<100x128xf32, #tpu.memory_space<vmem>>
    %dma_start3A_147 = arith.constant 0 : i32
    %dma_start3A_148 = tpu.memref_slice %arg6[%dma_start3A_140, %dma_start3A_141, %dma_start3A_147] : memref<3x2x100xi32, #tpu.memory_space<vmem>> -> memref<1x1x100xi32, #tpu.memory_space<vmem>>
    %dma_start3A_149 = tpu.memref_squeeze %dma_start3A_148 : memref<1x1x100xi32, #tpu.memory_space<vmem>> -> memref<100xi32, #tpu.memory_space<vmem>>
    %dma_start3A_150 = arith.constant 0 : i32
    %dma_start3A_151 = arith.constant 0 : i32
    %dma_start3A_152 = tpu.memref_slice %arg4[%dma_start3A_150, %dma_start3A_151] : memref<100000x128xf32, #tpu.memory_space<hbm>> -> memref<100000x128xf32, #tpu.memory_space<hbm>>
    tpu.enqueue_indirect_dma source(%dma_start3A_152 : memref<100000x128xf32, #tpu.memory_space<hbm>>) target(%dma_start3A_146 : memref<100x128xf32, #tpu.memory_space<vmem>>) offsets(%dma_start3A_149 : memref<100xi32, #tpu.memory_space<vmem>>) semaphore(%arg10 : memref<!tpu.dma_semaphore, #tpu.memory_space<semaphore_mem>>) {add = true}
    %scan3A = arith.constant 0 : i32
    %scan3A_153 = arith.constant 0 : i32
    %scan3A_154 = arith.constant 42 : i32
    %scan3A_155 = arith.addi %scan3A_153, %scan3A_154 : i32
    %scan3A_156 = arith.constant 1 : i32
    scf.for %scan3A_285 = %scan3A_153 to %scan3A_155 step %scan3A_156  : i32 {
      %mul3A_286 = arith.constant 3 : i32
      %mul3A_287 = arith.muli %mul3A_286, %scan3A_285 : i32
      %add3A_288 = arith.constant 0 : i32
      %add3A_289 = arith.addi %mul3A_287, %add3A_288 : i32
      %dma_wait3A_290 = arith.constant 0 : i32
      %dma_wait3A_291 = arith.constant 0 : i32
      %dma_wait3A_292 = arith.constant 0 : i32
      %dma_wait3A_293 = arith.constant 0 : i32
      %dma_wait3A_294 = arith.constant 0 : i32
      %dma_wait3A_295 = tpu.memref_slice %arg8[%dma_wait3A_292, %dma_wait3A_293, %dma_wait3A_294] : memref<3x200x128xf32, #tpu.memory_space<vmem>> -> memref<1x100x128xf32, #tpu.memory_space<vmem>>
      %dma_wait3A_296 = tpu.memref_squeeze %dma_wait3A_295 : memref<1x100x128xf32, #tpu.memory_space<vmem>> -> memref<100x128xf32, #tpu.memory_space<vmem>>
      %dma_wait3A_297 = arith.constant 0 : i32
      %dma_wait3A_298 = tpu.memref_slice %arg6[%dma_wait3A_290, %dma_wait3A_291, %dma_wait3A_297] : memref<3x2x100xi32, #tpu.memory_space<vmem>> -> memref<1x1x100xi32, #tpu.memory_space<vmem>>
      %dma_wait3A_299 = tpu.memref_squeeze %dma_wait3A_298 : memref<1x1x100xi32, #tpu.memory_space<vmem>> -> memref<100xi32, #tpu.memory_space<vmem>>
      %dma_wait3A_300 = arith.constant 0 : i32
      %dma_wait3A_301 = arith.constant 0 : i32
      %dma_wait3A_302 = tpu.memref_slice %arg4[%dma_wait3A_300, %dma_wait3A_301] : memref<100000x128xf32, #tpu.memory_space<hbm>> -> memref<100000x128xf32, #tpu.memory_space<hbm>>
      tpu.wait_indirect_dma semaphore(%arg9 : memref<!tpu.dma_semaphore, #tpu.memory_space<semaphore_mem>>) src(%dma_wait3A_302 : memref<100000x128xf32, #tpu.memory_space<hbm>>) dst(%dma_wait3A_296 : memref<100x128xf32, #tpu.memory_space<vmem>>)
      %dma_wait3A_303 = arith.constant 0 : i32
      %dma_wait3A_304 = arith.constant 0 : i32
      %dma_wait3A_305 = arith.constant 0 : i32
      %dma_wait3A_306 = arith.constant 100 : i32
      %dma_wait3A_307 = arith.constant 0 : i32
      %dma_wait3A_308 = tpu.memref_slice %arg8[%dma_wait3A_305, %dma_wait3A_306, %dma_wait3A_307] : memref<3x200x128xf32, #tpu.memory_space<vmem>> -> memref<1x100x128xf32, #tpu.memory_space<vmem>>
      %dma_wait3A_309 = tpu.memref_squeeze %dma_wait3A_308 : memref<1x100x128xf32, #tpu.memory_space<vmem>> -> memref<100x128xf32, #tpu.memory_space<vmem>>
      %dma_wait3A_310 = arith.constant 0 : i32
      %dma_wait3A_311 = tpu.memref_slice %arg6[%dma_wait3A_303, %dma_wait3A_304, %dma_wait3A_310] : memref<3x2x100xi32, #tpu.memory_space<vmem>> -> memref<1x1x100xi32, #tpu.memory_space<vmem>>
      %dma_wait3A_312 = tpu.memref_squeeze %dma_wait3A_311 : memref<1x1x100xi32, #tpu.memory_space<vmem>> -> memref<100xi32, #tpu.memory_space<vmem>>
      %dma_wait3A_313 = arith.constant 0 : i32
      %dma_wait3A_314 = arith.constant 0 : i32
      %dma_wait3A_315 = tpu.memref_slice %arg4[%dma_wait3A_313, %dma_wait3A_314] : memref<100000x128xf32, #tpu.memory_space<hbm>> -> memref<100000x128xf32, #tpu.memory_space<hbm>>
      tpu.wait_indirect_dma semaphore(%arg9 : memref<!tpu.dma_semaphore, #tpu.memory_space<semaphore_mem>>) src(%dma_wait3A_315 : memref<100000x128xf32, #tpu.memory_space<hbm>>) dst(%dma_wait3A_309 : memref<100x128xf32, #tpu.memory_space<vmem>>)
      %add3A_316 = arith.constant 3 : i32
      %add3A_317 = arith.addi %add3A_289, %add3A_316 : i32
      %add3A_318 = arith.addi %mul3A_2, %add3A_317 : i32
      %dma_start3A_319 = arith.constant 0 : i32
      %dma_start3A_320 = arith.constant 0 : i32
      %dma_start3A_321 = arith.constant 0 : i32
      %dma_start3A_322 = tpu.memref_slice %arg6[%dma_start3A_319, %dma_start3A_320, %dma_start3A_321] : memref<3x2x100xi32, #tpu.memory_space<vmem>> -> memref<1x2x100xi32, #tpu.memory_space<vmem>>
      %dma_start3A_323 = tpu.memref_squeeze %dma_start3A_322 : memref<1x2x100xi32, #tpu.memory_space<vmem>> -> memref<2x100xi32, #tpu.memory_space<vmem>>
      %dma_start3A_324 = arith.constant 0 : i32
      %dma_start3A_325 = arith.constant 0 : i32
      %dma_start3A_326 = tpu.memref_slice %arg2[%add3A_318, %dma_start3A_324, %dma_start3A_325] : memref<4096x2x100xi32, #tpu.memory_space<hbm>> -> memref<1x2x100xi32, #tpu.memory_space<hbm>>
      %dma_start3A_327 = tpu.memref_squeeze %dma_start3A_326 : memref<1x2x100xi32, #tpu.memory_space<hbm>> -> memref<2x100xi32, #tpu.memory_space<hbm>>
      %dma_start3A_328 = arith.constant 0 : i32
      %dma_start3A_329 = arith.constant 0 : i32
      %dma_start3A_330 = tpu.memref_slice %arg6[%dma_start3A_319, %dma_start3A_328, %dma_start3A_329] : memref<3x2x100xi32, #tpu.memory_space<vmem>> -> memref<1x2x100xi32, #tpu.memory_space<vmem>>
      %dma_start3A_331 = tpu.memref_squeeze %dma_start3A_330 : memref<1x2x100xi32, #tpu.memory_space<vmem>> -> memref<2x100xi32, #tpu.memory_space<vmem>>
      %dma_start3A_332 = arith.constant 0 : i32
      %dma_start3A_333 = arith.constant 0 : i32
      %dma_start3A_334 = tpu.memref_slice %arg2[%add3A_318, %dma_start3A_332, %dma_start3A_333] : memref<4096x2x100xi32, #tpu.memory_space<hbm>> -> memref<1x2x100xi32, #tpu.memory_space<hbm>>
      %dma_start3A_335 = tpu.memref_squeeze %dma_start3A_334 : memref<1x2x100xi32, #tpu.memory_space<hbm>> -> memref<2x100xi32, #tpu.memory_space<hbm>>
      tpu.enqueue_dma source(%dma_start3A_335 : memref<2x100xi32, #tpu.memory_space<hbm>>) target(%dma_start3A_331 : memref<2x100xi32, #tpu.memory_space<vmem>>) target_semaphore(%arg15 : memref<!tpu.dma_semaphore, #tpu.memory_space<semaphore_mem>>)
      %mul3A_336 = arith.constant 200 : i32
      %mul3A_337 = arith.muli %add3A_289, %mul3A_336 : i32
      %add3A_338 = arith.addi %mul3A_4, %mul3A_337 : i32
      %dma_start3A_339 = arith.constant 0 : i32
      %dma_start3A_340 = arith.constant 0 : i32
      %dma_start3A_341 = arith.constant 0 : i32
      %dma_start3A_342 = tpu.memref_slice %arg8[%dma_start3A_339, %dma_start3A_340, %dma_start3A_341] : memref<3x200x128xf32, #tpu.memory_space<vmem>> -> memref<1x200x128xf32, #tpu.memory_space<vmem>>
      %dma_start3A_343 = tpu.memref_squeeze %dma_start3A_342 : memref<1x200x128xf32, #tpu.memory_space<vmem>> -> memref<200x128xf32, #tpu.memory_space<vmem>>
      %dma_start3A_344 = arith.constant 0 : i32
      %dma_start3A_345 = tpu.memref_slice %arg5[%add3A_338, %dma_start3A_344] : memref<819200x128xf32, #tpu.memory_space<hbm>> -> memref<200x128xf32, #tpu.memory_space<hbm>>
      %dma_start3A_346 = arith.constant 0 : i32
      %dma_start3A_347 = tpu.memref_slice %arg5[%add3A_338, %dma_start3A_346] : memref<819200x128xf32, #tpu.memory_space<hbm>> -> memref<200x128xf32, #tpu.memory_space<hbm>>
      %dma_start3A_348 = arith.constant 0 : i32
      %dma_start3A_349 = arith.constant 0 : i32
      %dma_start3A_350 = tpu.memref_slice %arg8[%dma_start3A_339, %dma_start3A_348, %dma_start3A_349] : memref<3x200x128xf32, #tpu.memory_space<vmem>> -> memref<1x200x128xf32, #tpu.memory_space<vmem>>
      %dma_start3A_351 = tpu.memref_squeeze %dma_start3A_350 : memref<1x200x128xf32, #tpu.memory_space<vmem>> -> memref<200x128xf32, #tpu.memory_space<vmem>>
      tpu.enqueue_dma source(%dma_start3A_351 : memref<200x128xf32, #tpu.memory_space<vmem>>) target(%dma_start3A_347 : memref<200x128xf32, #tpu.memory_space<hbm>>) target_semaphore(%arg12 : memref<!tpu.dma_semaphore, #tpu.memory_space<semaphore_mem>>)
      %gt3A = arith.constant 0 : i32
      %gt3A_352 = arith.cmpi sgt, %scan3A_285, %gt3A : i32
      %convert_element_type3A = arith.extui %gt3A_352 : i1 to i32
      %cond3A = arith.constant 0 : i32
      %cond3A_353 = arith.cmpi ne, %convert_element_type3A, %cond3A : i32
      scf.if %cond3A_353 {
        %dma_wait3A_647 = arith.constant 2 : i32
        %dma_wait3A_648 = arith.constant 0 : i32
        %dma_wait3A_649 = arith.constant 0 : i32
        %dma_wait3A_650 = tpu.memref_slice %arg8[%dma_wait3A_647, %dma_wait3A_648, %dma_wait3A_649] : memref<3x200x128xf32, #tpu.memory_space<vmem>> -> memref<1x200x128xf32, #tpu.memory_space<vmem>>
        %dma_wait3A_651 = tpu.memref_squeeze %dma_wait3A_650 : memref<1x200x128xf32, #tpu.memory_space<vmem>> -> memref<200x128xf32, #tpu.memory_space<vmem>>
        %dma_wait3A_652 = arith.constant 0 : i32
        %dma_wait3A_653 = arith.constant 0 : i32
        %dma_wait3A_654 = tpu.memref_slice %arg5[%dma_wait3A_652, %dma_wait3A_653] : memref<819200x128xf32, #tpu.memory_space<hbm>> -> memref<200x128xf32, #tpu.memory_space<hbm>>
        %dma_wait3A_655 = arith.constant 0 : i32
        %dma_wait3A_656 = arith.constant 0 : i32
        %dma_wait3A_657 = tpu.memref_slice %arg5[%dma_wait3A_655, %dma_wait3A_656] : memref<819200x128xf32, #tpu.memory_space<hbm>> -> memref<200x128xf32, #tpu.memory_space<hbm>>
        %dma_wait3A_658 = arith.constant 0 : i32
        %dma_wait3A_659 = arith.constant 0 : i32
        %dma_wait3A_660 = tpu.memref_slice %arg8[%dma_wait3A_647, %dma_wait3A_658, %dma_wait3A_659] : memref<3x200x128xf32, #tpu.memory_space<vmem>> -> memref<1x200x128xf32, #tpu.memory_space<vmem>>
        %dma_wait3A_661 = tpu.memref_squeeze %dma_wait3A_660 : memref<1x200x128xf32, #tpu.memory_space<vmem>> -> memref<200x128xf32, #tpu.memory_space<vmem>>
        tpu.wait_dma2 semaphore(%arg14 : memref<!tpu.dma_semaphore, #tpu.memory_space<semaphore_mem>>) src(%dma_wait3A_661 : memref<200x128xf32, #tpu.memory_space<vmem>>) dst(%dma_wait3A_657 : memref<200x128xf32, #tpu.memory_space<hbm>>)
      } else {
      }
      %parallel_loop3A_354 = arith.constant 0 : i32
      %parallel_loop3A_355 = arith.constant 200 : i32
      %parallel_loop3A_356 = arith.constant 1 : i32
      scf.for %parallel_loop3A_647 = %parallel_loop3A_354 to %parallel_loop3A_355 step %parallel_loop3A_356  : i32 {
        %parallel_loop3A_648 = arith.constant 1 : i32
        %parallel_loop3A_649 = arith.addi %parallel_loop3A_647, %parallel_loop3A_648 : i32
        %parallel_loop3A_650 = arith.index_cast %parallel_loop3A_649 : i32 to index
        %parallel_loop3A_651 = arith.constant 0 : index
        %parallel_loop3A_652 = tpu.vector_load %arg7[%parallel_loop3A_650, %parallel_loop3A_651] {strides = array<i32>} : memref<208x128xf32, #tpu.memory_space<vmem>>, vector<1x16xf32>,
        %parallel_loop3A_653 = vector.shape_cast %parallel_loop3A_652 : vector<1x16xf32> to vector<16xf32>
        %parallel_loop3A_654 = arith.constant 2 : i32
        %parallel_loop3A_655 = arith.index_cast %parallel_loop3A_654 : i32 to index
        %parallel_loop3A_656 = arith.index_cast %parallel_loop3A_647 : i32 to index
        %parallel_loop3A_657 = arith.constant 0 : index
        %parallel_loop3A_658 = tpu.vector_load %arg8[%parallel_loop3A_655, %parallel_loop3A_656, %parallel_loop3A_657] {strides = array<i32>} : memref<3x200x128xf32, #tpu.memory_space<vmem>>, vector<1x1x16xf32>,
        %parallel_loop3A_659 = vector.shape_cast %parallel_loop3A_658 : vector<1x1x16xf32> to vector<16xf32>
        %parallel_loop3A_660 = vector.shape_cast %parallel_loop3A_653 : vector<16xf32> to vector<1x1x16xf32>
        tpu.vector_store %arg8[%parallel_loop3A_655, %parallel_loop3A_656, %parallel_loop3A_657], %parallel_loop3A_660 {strides = array<i32>} : memref<3x200x128xf32, #tpu.memory_space<vmem>>, vector<1x1x16xf32>,
        %parallel_loop3A_661 = arith.constant 1 : i32
        %parallel_loop3A_662 = arith.addi %parallel_loop3A_647, %parallel_loop3A_661 : i32
        %parallel_loop3A_663 = arith.index_cast %parallel_loop3A_662 : i32 to index
        %parallel_loop3A_664 = arith.constant 16 : index
        %parallel_loop3A_665 = tpu.vector_load %arg7[%parallel_loop3A_663, %parallel_loop3A_664] {strides = array<i32>} : memref<208x128xf32, #tpu.memory_space<vmem>>, vector<1x16xf32>,
        %parallel_loop3A_666 = vector.shape_cast %parallel_loop3A_665 : vector<1x16xf32> to vector<16xf32>
        %parallel_loop3A_667 = arith.constant 2 : i32
        %parallel_loop3A_668 = arith.index_cast %parallel_loop3A_667 : i32 to index
        %parallel_loop3A_669 = arith.index_cast %parallel_loop3A_647 : i32 to index
        %parallel_loop3A_670 = arith.constant 16 : index
        %parallel_loop3A_671 = tpu.vector_load %arg8[%parallel_loop3A_668, %parallel_loop3A_669, %parallel_loop3A_670] {strides = array<i32>} : memref<3x200x128xf32, #tpu.memory_space<vmem>>, vector<1x1x16xf32>,
        %parallel_loop3A_672 = vector.shape_cast %parallel_loop3A_671 : vector<1x1x16xf32> to vector<16xf32>
        %parallel_loop3A_673 = vector.shape_cast %parallel_loop3A_666 : vector<16xf32> to vector<1x1x16xf32>
        tpu.vector_store %arg8[%parallel_loop3A_668, %parallel_loop3A_669, %parallel_loop3A_670], %parallel_loop3A_673 {strides = array<i32>} : memref<3x200x128xf32, #tpu.memory_space<vmem>>, vector<1x1x16xf32>,
        %parallel_loop3A_674 = arith.constant 1 : i32
        %parallel_loop3A_675 = arith.addi %parallel_loop3A_647, %parallel_loop3A_674 : i32
        %parallel_loop3A_676 = arith.index_cast %parallel_loop3A_675 : i32 to index
        %parallel_loop3A_677 = arith.constant 32 : index
        %parallel_loop3A_678 = tpu.vector_load %arg7[%parallel_loop3A_676, %parallel_loop3A_677] {strides = array<i32>} : memref<208x128xf32, #tpu.memory_space<vmem>>, vector<1x16xf32>,
        %parallel_loop3A_679 = vector.shape_cast %parallel_loop3A_678 : vector<1x16xf32> to vector<16xf32>
        %parallel_loop3A_680 = arith.constant 2 : i32
        %parallel_loop3A_681 = arith.index_cast %parallel_loop3A_680 : i32 to index
        %parallel_loop3A_682 = arith.index_cast %parallel_loop3A_647 : i32 to index
        %parallel_loop3A_683 = arith.constant 32 : index
        %parallel_loop3A_684 = tpu.vector_load %arg8[%parallel_loop3A_681, %parallel_loop3A_682, %parallel_loop3A_683] {strides = array<i32>} : memref<3x200x128xf32, #tpu.memory_space<vmem>>, vector<1x1x16xf32>,
        %parallel_loop3A_685 = vector.shape_cast %parallel_loop3A_684 : vector<1x1x16xf32> to vector<16xf32>
        %parallel_loop3A_686 = vector.shape_cast %parallel_loop3A_679 : vector<16xf32> to vector<1x1x16xf32>
        tpu.vector_store %arg8[%parallel_loop3A_681, %parallel_loop3A_682, %parallel_loop3A_683], %parallel_loop3A_686 {strides = array<i32>} : memref<3x200x128xf32, #tpu.memory_space<vmem>>, vector<1x1x16xf32>,
        %parallel_loop3A_687 = arith.constant 1 : i32
        %parallel_loop3A_688 = arith.addi %parallel_loop3A_647, %parallel_loop3A_687 : i32
        %parallel_loop3A_689 = arith.index_cast %parallel_loop3A_688 : i32 to index
        %parallel_loop3A_690 = arith.constant 48 : index
        %parallel_loop3A_691 = tpu.vector_load %arg7[%parallel_loop3A_689, %parallel_loop3A_690] {strides = array<i32>} : memref<208x128xf32, #tpu.memory_space<vmem>>, vector<1x16xf32>,
        %parallel_loop3A_692 = vector.shape_cast %parallel_loop3A_691 : vector<1x16xf32> to vector<16xf32>
        %parallel_loop3A_693 = arith.constant 2 : i32
        %parallel_loop3A_694 = arith.index_cast %parallel_loop3A_693 : i32 to index
        %parallel_loop3A_695 = arith.index_cast %parallel_loop3A_647 : i32 to index
        %parallel_loop3A_696 = arith.constant 48 : index
        %parallel_loop3A_697 = tpu.vector_load %arg8[%parallel_loop3A_694, %parallel_loop3A_695, %parallel_loop3A_696] {strides = array<i32>} : memref<3x200x128xf32, #tpu.memory_space<vmem>>, vector<1x1x16xf32>,
        %parallel_loop3A_698 = vector.shape_cast %parallel_loop3A_697 : vector<1x1x16xf32> to vector<16xf32>
        %parallel_loop3A_699 = vector.shape_cast %parallel_loop3A_692 : vector<16xf32> to vector<1x1x16xf32>
        tpu.vector_store %arg8[%parallel_loop3A_694, %parallel_loop3A_695, %parallel_loop3A_696], %parallel_loop3A_699 {strides = array<i32>} : memref<3x200x128xf32, #tpu.memory_space<vmem>>, vector<1x1x16xf32>,
        %parallel_loop3A_700 = arith.constant 1 : i32
        %parallel_loop3A_701 = arith.addi %parallel_loop3A_647, %parallel_loop3A_700 : i32
        %parallel_loop3A_702 = arith.index_cast %parallel_loop3A_701 : i32 to index
        %parallel_loop3A_703 = arith.constant 64 : index
        %parallel_loop3A_704 = tpu.vector_load %arg7[%parallel_loop3A_702, %parallel_loop3A_703] {strides = array<i32>} : memref<208x128xf32, #tpu.memory_space<vmem>>, vector<1x16xf32>,
        %parallel_loop3A_705 = vector.shape_cast %parallel_loop3A_704 : vector<1x16xf32> to vector<16xf32>
        %parallel_loop3A_706 = arith.constant 2 : i32
        %parallel_loop3A_707 = arith.index_cast %parallel_loop3A_706 : i32 to index
        %parallel_loop3A_708 = arith.index_cast %parallel_loop3A_647 : i32 to index
        %parallel_loop3A_709 = arith.constant 64 : index
        %parallel_loop3A_710 = tpu.vector_load %arg8[%parallel_loop3A_707, %parallel_loop3A_708, %parallel_loop3A_709] {strides = array<i32>} : memref<3x200x128xf32, #tpu.memory_space<vmem>>, vector<1x1x16xf32>,
        %parallel_loop3A_711 = vector.shape_cast %parallel_loop3A_710 : vector<1x1x16xf32> to vector<16xf32>
        %parallel_loop3A_712 = vector.shape_cast %parallel_loop3A_705 : vector<16xf32> to vector<1x1x16xf32>
        tpu.vector_store %arg8[%parallel_loop3A_707, %parallel_loop3A_708, %parallel_loop3A_709], %parallel_loop3A_712 {strides = array<i32>} : memref<3x200x128xf32, #tpu.memory_space<vmem>>, vector<1x1x16xf32>,
        %parallel_loop3A_713 = arith.constant 1 : i32
        %parallel_loop3A_714 = arith.addi %parallel_loop3A_647, %parallel_loop3A_713 : i32
        %parallel_loop3A_715 = arith.index_cast %parallel_loop3A_714 : i32 to index
        %parallel_loop3A_716 = arith.constant 80 : index
        %parallel_loop3A_717 = tpu.vector_load %arg7[%parallel_loop3A_715, %parallel_loop3A_716] {strides = array<i32>} : memref<208x128xf32, #tpu.memory_space<vmem>>, vector<1x16xf32>,
        %parallel_loop3A_718 = vector.shape_cast %parallel_loop3A_717 : vector<1x16xf32> to vector<16xf32>
        %parallel_loop3A_719 = arith.constant 2 : i32
        %parallel_loop3A_720 = arith.index_cast %parallel_loop3A_719 : i32 to index
        %parallel_loop3A_721 = arith.index_cast %parallel_loop3A_647 : i32 to index
        %parallel_loop3A_722 = arith.constant 80 : index
        %parallel_loop3A_723 = tpu.vector_load %arg8[%parallel_loop3A_720, %parallel_loop3A_721, %parallel_loop3A_722] {strides = array<i32>} : memref<3x200x128xf32, #tpu.memory_space<vmem>>, vector<1x1x16xf32>,
        %parallel_loop3A_724 = vector.shape_cast %parallel_loop3A_723 : vector<1x1x16xf32> to vector<16xf32>
        %parallel_loop3A_725 = vector.shape_cast %parallel_loop3A_718 : vector<16xf32> to vector<1x1x16xf32>
        tpu.vector_store %arg8[%parallel_loop3A_720, %parallel_loop3A_721, %parallel_loop3A_722], %parallel_loop3A_725 {strides = array<i32>} : memref<3x200x128xf32, #tpu.memory_space<vmem>>, vector<1x1x16xf32>,
        %parallel_loop3A_726 = arith.constant 1 : i32
        %parallel_loop3A_727 = arith.addi %parallel_loop3A_647, %parallel_loop3A_726 : i32
        %parallel_loop3A_728 = arith.index_cast %parallel_loop3A_727 : i32 to index
        %parallel_loop3A_729 = arith.constant 96 : index
        %parallel_loop3A_730 = tpu.vector_load %arg7[%parallel_loop3A_728, %parallel_loop3A_729] {strides = array<i32>} : memref<208x128xf32, #tpu.memory_space<vmem>>, vector<1x16xf32>,
        %parallel_loop3A_731 = vector.shape_cast %parallel_loop3A_730 : vector<1x16xf32> to vector<16xf32>
        %parallel_loop3A_732 = arith.constant 2 : i32
        %parallel_loop3A_733 = arith.index_cast %parallel_loop3A_732 : i32 to index
        %parallel_loop3A_734 = arith.index_cast %parallel_loop3A_647 : i32 to index
        %parallel_loop3A_735 = arith.constant 96 : index
        %parallel_loop3A_736 = tpu.vector_load %arg8[%parallel_loop3A_733, %parallel_loop3A_734, %parallel_loop3A_735] {strides = array<i32>} : memref<3x200x128xf32, #tpu.memory_space<vmem>>, vector<1x1x16xf32>,
        %parallel_loop3A_737 = vector.shape_cast %parallel_loop3A_736 : vector<1x1x16xf32> to vector<16xf32>
        %parallel_loop3A_738 = vector.shape_cast %parallel_loop3A_731 : vector<16xf32> to vector<1x1x16xf32>
        tpu.vector_store %arg8[%parallel_loop3A_733, %parallel_loop3A_734, %parallel_loop3A_735], %parallel_loop3A_738 {strides = array<i32>} : memref<3x200x128xf32, #tpu.memory_space<vmem>>, vector<1x1x16xf32>,
        %parallel_loop3A_739 = arith.constant 1 : i32
        %parallel_loop3A_740 = arith.addi %parallel_loop3A_647, %parallel_loop3A_739 : i32
        %parallel_loop3A_741 = arith.index_cast %parallel_loop3A_740 : i32 to index
        %parallel_loop3A_742 = arith.constant 112 : index
        %parallel_loop3A_743 = tpu.vector_load %arg7[%parallel_loop3A_741, %parallel_loop3A_742] {strides = array<i32>} : memref<208x128xf32, #tpu.memory_space<vmem>>, vector<1x16xf32>,
        %parallel_loop3A_744 = vector.shape_cast %parallel_loop3A_743 : vector<1x16xf32> to vector<16xf32>
        %parallel_loop3A_745 = arith.constant 2 : i32
        %parallel_loop3A_746 = arith.index_cast %parallel_loop3A_745 : i32 to index
        %parallel_loop3A_747 = arith.index_cast %parallel_loop3A_647 : i32 to index
        %parallel_loop3A_748 = arith.constant 112 : index
        %parallel_loop3A_749 = tpu.vector_load %arg8[%parallel_loop3A_746, %parallel_loop3A_747, %parallel_loop3A_748] {strides = array<i32>} : memref<3x200x128xf32, #tpu.memory_space<vmem>>, vector<1x1x16xf32>,
        %parallel_loop3A_750 = vector.shape_cast %parallel_loop3A_749 : vector<1x1x16xf32> to vector<16xf32>
        %parallel_loop3A_751 = vector.shape_cast %parallel_loop3A_744 : vector<16xf32> to vector<1x1x16xf32>
        tpu.vector_store %arg8[%parallel_loop3A_746, %parallel_loop3A_747, %parallel_loop3A_748], %parallel_loop3A_751 {strides = array<i32>} : memref<3x200x128xf32, #tpu.memory_space<vmem>>, vector<1x1x16xf32>,
      } {sc.loop_unroll_factor = 8 : i64, sc.parallel_access}
      %dma_wait3A_357 = arith.constant 0 : i32
      %dma_wait3A_358 = arith.constant 2 : i32
      %dma_wait3A_359 = arith.constant 0 : i32
      %dma_wait3A_360 = arith.constant 0 : i32
      %dma_wait3A_361 = tpu.memref_slice %arg6[%dma_wait3A_358, %dma_wait3A_359, %dma_wait3A_360] : memref<3x2x100xi32, #tpu.memory_space<vmem>> -> memref<1x2x100xi32, #tpu.memory_space<vmem>>
      %dma_wait3A_362 = tpu.memref_squeeze %dma_wait3A_361 : memref<1x2x100xi32, #tpu.memory_space<vmem>> -> memref<2x100xi32, #tpu.memory_space<vmem>>
      %dma_wait3A_363 = arith.constant 0 : i32
      %dma_wait3A_364 = arith.constant 0 : i32
      %dma_wait3A_365 = tpu.memref_slice %arg2[%dma_wait3A_357, %dma_wait3A_363, %dma_wait3A_364] : memref<4096x2x100xi32, #tpu.memory_space<hbm>> -> memref<1x2x100xi32, #tpu.memory_space<hbm>>
      %dma_wait3A_366 = tpu.memref_squeeze %dma_wait3A_365 : memref<1x2x100xi32, #tpu.memory_space<hbm>> -> memref<2x100xi32, #tpu.memory_space<hbm>>
      %dma_wait3A_367 = arith.constant 0 : i32
      %dma_wait3A_368 = arith.constant 0 : i32
      %dma_wait3A_369 = tpu.memref_slice %arg6[%dma_wait3A_358, %dma_wait3A_367, %dma_wait3A_368] : memref<3x2x100xi32, #tpu.memory_space<vmem>> -> memref<1x2x100xi32, #tpu.memory_space<vmem>>
      %dma_wait3A_370 = tpu.memref_squeeze %dma_wait3A_369 : memref<1x2x100xi32, #tpu.memory_space<vmem>> -> memref<2x100xi32, #tpu.memory_space<vmem>>
      %dma_wait3A_371 = arith.constant 0 : i32
      %dma_wait3A_372 = arith.constant 0 : i32
      %dma_wait3A_373 = tpu.memref_slice %arg2[%dma_wait3A_357, %dma_wait3A_371, %dma_wait3A_372] : memref<4096x2x100xi32, #tpu.memory_space<hbm>> -> memref<1x2x100xi32, #tpu.memory_space<hbm>>
      %dma_wait3A_374 = tpu.memref_squeeze %dma_wait3A_373 : memref<1x2x100xi32, #tpu.memory_space<hbm>> -> memref<2x100xi32, #tpu.memory_space<hbm>>
      tpu.wait_dma2 semaphore(%arg17 : memref<!tpu.dma_semaphore, #tpu.memory_space<semaphore_mem>>) src(%dma_wait3A_374 : memref<2x100xi32, #tpu.memory_space<hbm>>) dst(%dma_wait3A_370 : memref<2x100xi32, #tpu.memory_space<vmem>>)
      %add3A_375 = arith.constant 2 : i32
      %add3A_376 = arith.addi %add3A_289, %add3A_375 : i32
      %dma_start3A_377 = arith.constant 2 : i32
      %dma_start3A_378 = arith.constant 0 : i32
      %dma_start3A_379 = arith.constant 2 : i32
      %dma_start3A_380 = arith.constant 0 : i32
      %dma_start3A_381 = arith.constant 0 : i32
      %dma_start3A_382 = tpu.memref_slice %arg8[%dma_start3A_379, %dma_start3A_380, %dma_start3A_381] : memref<3x200x128xf32, #tpu.memory_space<vmem>> -> memref<1x100x128xf32, #tpu.memory_space<vmem>>
      %dma_start3A_383 = tpu.memref_squeeze %dma_start3A_382 : memref<1x100x128xf32, #tpu.memory_space<vmem>> -> memref<100x128xf32, #tpu.memory_space<vmem>>
      %dma_start3A_384 = arith.constant 0 : i32
      %dma_start3A_385 = tpu.memref_slice %arg6[%dma_start3A_377, %dma_start3A_378, %dma_start3A_384] : memref<3x2x100xi32, #tpu.memory_space<vmem>> -> memref<1x1x100xi32, #tpu.memory_space<vmem>>
      %dma_start3A_386 = tpu.memref_squeeze %dma_start3A_385 : memref<1x1x100xi32, #tpu.memory_space<vmem>> -> memref<100xi32, #tpu.memory_space<vmem>>
      %dma_start3A_387 = arith.constant 0 : i32
      %dma_start3A_388 = arith.constant 0 : i32
      %dma_start3A_389 = tpu.memref_slice %arg4[%dma_start3A_387, %dma_start3A_388] : memref<100000x128xf32, #tpu.memory_space<hbm>> -> memref<100000x128xf32, #tpu.memory_space<hbm>>
      tpu.enqueue_indirect_dma source(%dma_start3A_389 : memref<100000x128xf32, #tpu.memory_space<hbm>>) target(%dma_start3A_383 : memref<100x128xf32, #tpu.memory_space<vmem>>) offsets(%dma_start3A_386 : memref<100xi32, #tpu.memory_space<vmem>>) semaphore(%arg11 : memref<!tpu.dma_semaphore, #tpu.memory_space<semaphore_mem>>) {add = true}
      %dma_start3A_390 = arith.constant 2 : i32
      %dma_start3A_391 = arith.constant 1 : i32
      %dma_start3A_392 = arith.constant 2 : i32
      %dma_start3A_393 = arith.constant 100 : i32
      %dma_start3A_394 = arith.constant 0 : i32
      %dma_start3A_395 = tpu.memref_slice %arg8[%dma_start3A_392, %dma_start3A_393, %dma_start3A_394] : memref<3x200x128xf32, #tpu.memory_space<vmem>> -> memref<1x100x128xf32, #tpu.memory_space<vmem>>
      %dma_start3A_396 = tpu.memref_squeeze %dma_start3A_395 : memref<1x100x128xf32, #tpu.memory_space<vmem>> -> memref<100x128xf32, #tpu.memory_space<vmem>>
      %dma_start3A_397 = arith.constant 0 : i32
      %dma_start3A_398 = tpu.memref_slice %arg6[%dma_start3A_390, %dma_start3A_391, %dma_start3A_397] : memref<3x2x100xi32, #tpu.memory_space<vmem>> -> memref<1x1x100xi32, #tpu.memory_space<vmem>>
      %dma_start3A_399 = tpu.memref_squeeze %dma_start3A_398 : memref<1x1x100xi32, #tpu.memory_space<vmem>> -> memref<100xi32, #tpu.memory_space<vmem>>
      %dma_start3A_400 = arith.constant 0 : i32
      %dma_start3A_401 = arith.constant 0 : i32
      %dma_start3A_402 = tpu.memref_slice %arg4[%dma_start3A_400, %dma_start3A_401] : memref<100000x128xf32, #tpu.memory_space<hbm>> -> memref<100000x128xf32, #tpu.memory_space<hbm>>
      tpu.enqueue_indirect_dma source(%dma_start3A_402 : memref<100000x128xf32, #tpu.memory_space<hbm>>) target(%dma_start3A_396 : memref<100x128xf32, #tpu.memory_space<vmem>>) offsets(%dma_start3A_399 : memref<100xi32, #tpu.memory_space<vmem>>) semaphore(%arg11 : memref<!tpu.dma_semaphore, #tpu.memory_space<semaphore_mem>>) {add = true}
      %mul3A_403 = arith.constant 3 : i32
      %mul3A_404 = arith.muli %mul3A_403, %scan3A_285 : i32
      %add3A_405 = arith.constant 1 : i32
      %add3A_406 = arith.addi %mul3A_404, %add3A_405 : i32
      %dma_wait3A_407 = arith.constant 0 : i32
      %dma_wait3A_408 = arith.constant 0 : i32
      %dma_wait3A_409 = arith.constant 1 : i32
      %dma_wait3A_410 = arith.constant 0 : i32
      %dma_wait3A_411 = arith.constant 0 : i32
      %dma_wait3A_412 = tpu.memref_slice %arg8[%dma_wait3A_409, %dma_wait3A_410, %dma_wait3A_411] : memref<3x200x128xf32, #tpu.memory_space<vmem>> -> memref<1x100x128xf32, #tpu.memory_space<vmem>>
      %dma_wait3A_413 = tpu.memref_squeeze %dma_wait3A_412 : memref<1x100x128xf32, #tpu.memory_space<vmem>> -> memref<100x128xf32, #tpu.memory_space<vmem>>
      %dma_wait3A_414 = arith.constant 0 : i32
      %dma_wait3A_415 = tpu.memref_slice %arg6[%dma_wait3A_407, %dma_wait3A_408, %dma_wait3A_414] : memref<3x2x100xi32, #tpu.memory_space<vmem>> -> memref<1x1x100xi32, #tpu.memory_space<vmem>>
      %dma_wait3A_416 = tpu.memref_squeeze %dma_wait3A_415 : memref<1x1x100xi32, #tpu.memory_space<vmem>> -> memref<100xi32, #tpu.memory_space<vmem>>
      %dma_wait3A_417 = arith.constant 0 : i32
      %dma_wait3A_418 = arith.constant 0 : i32
      %dma_wait3A_419 = tpu.memref_slice %arg4[%dma_wait3A_417, %dma_wait3A_418] : memref<100000x128xf32, #tpu.memory_space<hbm>> -> memref<100000x128xf32, #tpu.memory_space<hbm>>
      tpu.wait_indirect_dma semaphore(%arg10 : memref<!tpu.dma_semaphore, #tpu.memory_space<semaphore_mem>>) src(%dma_wait3A_419 : memref<100000x128xf32, #tpu.memory_space<hbm>>) dst(%dma_wait3A_413 : memref<100x128xf32, #tpu.memory_space<vmem>>)
      %dma_wait3A_420 = arith.constant 0 : i32
      %dma_wait3A_421 = arith.constant 0 : i32
      %dma_wait3A_422 = arith.constant 1 : i32
      %dma_wait3A_423 = arith.constant 100 : i32
      %dma_wait3A_424 = arith.constant 0 : i32
      %dma_wait3A_425 = tpu.memref_slice %arg8[%dma_wait3A_422, %dma_wait3A_423, %dma_wait3A_424] : memref<3x200x128xf32, #tpu.memory_space<vmem>> -> memref<1x100x128xf32, #tpu.memory_space<vmem>>
      %dma_wait3A_426 = tpu.memref_squeeze %dma_wait3A_425 : memref<1x100x128xf32, #tpu.memory_space<vmem>> -> memref<100x128xf32, #tpu.memory_space<vmem>>
      %dma_wait3A_427 = arith.constant 0 : i32
      %dma_wait3A_428 = tpu.memref_slice %arg6[%dma_wait3A_420, %dma_wait3A_421, %dma_wait3A_427] : memref<3x2x100xi32, #tpu.memory_space<vmem>> -> memref<1x1x100xi32, #tpu.memory_space<vmem>>
      %dma_wait3A_429 = tpu.memref_squeeze %dma_wait3A_428 : memref<1x1x100xi32, #tpu.memory_space<vmem>> -> memref<100xi32, #tpu.memory_space<vmem>>
      %dma_wait3A_430 = arith.constant 0 : i32
      %dma_wait3A_431 = arith.constant 0 : i32
      %dma_wait3A_432 = tpu.memref_slice %arg4[%dma_wait3A_430, %dma_wait3A_431] : memref<100000x128xf32, #tpu.memory_space<hbm>> -> memref<100000x128xf32, #tpu.memory_space<hbm>>
      tpu.wait_indirect_dma semaphore(%arg10 : memref<!tpu.dma_semaphore, #tpu.memory_space<semaphore_mem>>) src(%dma_wait3A_432 : memref<100000x128xf32, #tpu.memory_space<hbm>>) dst(%dma_wait3A_426 : memref<100x128xf32, #tpu.memory_space<vmem>>)
      %add3A_433 = arith.constant 3 : i32
      %add3A_434 = arith.addi %add3A_406, %add3A_433 : i32
      %add3A_435 = arith.addi %mul3A_2, %add3A_434 : i32
      %dma_start3A_436 = arith.constant 1 : i32
      %dma_start3A_437 = arith.constant 0 : i32
      %dma_start3A_438 = arith.constant 0 : i32
      %dma_start3A_439 = tpu.memref_slice %arg6[%dma_start3A_436, %dma_start3A_437, %dma_start3A_438] : memref<3x2x100xi32, #tpu.memory_space<vmem>> -> memref<1x2x100xi32, #tpu.memory_space<vmem>>
      %dma_start3A_440 = tpu.memref_squeeze %dma_start3A_439 : memref<1x2x100xi32, #tpu.memory_space<vmem>> -> memref<2x100xi32, #tpu.memory_space<vmem>>
      %dma_start3A_441 = arith.constant 0 : i32
      %dma_start3A_442 = arith.constant 0 : i32
      %dma_start3A_443 = tpu.memref_slice %arg2[%add3A_435, %dma_start3A_441, %dma_start3A_442] : memref<4096x2x100xi32, #tpu.memory_space<hbm>> -> memref<1x2x100xi32, #tpu.memory_space<hbm>>
      %dma_start3A_444 = tpu.memref_squeeze %dma_start3A_443 : memref<1x2x100xi32, #tpu.memory_space<hbm>> -> memref<2x100xi32, #tpu.memory_space<hbm>>
      %dma_start3A_445 = arith.constant 0 : i32
      %dma_start3A_446 = arith.constant 0 : i32
      %dma_start3A_447 = tpu.memref_slice %arg6[%dma_start3A_436, %dma_start3A_445, %dma_start3A_446] : memref<3x2x100xi32, #tpu.memory_space<vmem>> -> memref<1x2x100xi32, #tpu.memory_space<vmem>>
      %dma_start3A_448 = tpu.memref_squeeze %dma_start3A_447 : memref<1x2x100xi32, #tpu.memory_space<vmem>> -> memref<2x100xi32, #tpu.memory_space<vmem>>
      %dma_start3A_449 = arith.constant 0 : i32
      %dma_start3A_450 = arith.constant 0 : i32
      %dma_start3A_451 = tpu.memref_slice %arg2[%add3A_435, %dma_start3A_449, %dma_start3A_450] : memref<4096x2x100xi32, #tpu.memory_space<hbm>> -> memref<1x2x100xi32, #tpu.memory_space<hbm>>
      %dma_start3A_452 = tpu.memref_squeeze %dma_start3A_451 : memref<1x2x100xi32, #tpu.memory_space<hbm>> -> memref<2x100xi32, #tpu.memory_space<hbm>>
      tpu.enqueue_dma source(%dma_start3A_452 : memref<2x100xi32, #tpu.memory_space<hbm>>) target(%dma_start3A_448 : memref<2x100xi32, #tpu.memory_space<vmem>>) target_semaphore(%arg16 : memref<!tpu.dma_semaphore, #tpu.memory_space<semaphore_mem>>)
      %mul3A_453 = arith.constant 200 : i32
      %mul3A_454 = arith.muli %add3A_406, %mul3A_453 : i32
      %add3A_455 = arith.addi %mul3A_4, %mul3A_454 : i32
      %dma_start3A_456 = arith.constant 1 : i32
      %dma_start3A_457 = arith.constant 0 : i32
      %dma_start3A_458 = arith.constant 0 : i32
      %dma_start3A_459 = tpu.memref_slice %arg8[%dma_start3A_456, %dma_start3A_457, %dma_start3A_458] : memref<3x200x128xf32, #tpu.memory_space<vmem>> -> memref<1x200x128xf32, #tpu.memory_space<vmem>>
      %dma_start3A_460 = tpu.memref_squeeze %dma_start3A_459 : memref<1x200x128xf32, #tpu.memory_space<vmem>> -> memref<200x128xf32, #tpu.memory_space<vmem>>
      %dma_start3A_461 = arith.constant 0 : i32
      %dma_start3A_462 = tpu.memref_slice %arg5[%add3A_455, %dma_start3A_461] : memref<819200x128xf32, #tpu.memory_space<hbm>> -> memref<200x128xf32, #tpu.memory_space<hbm>>
      %dma_start3A_463 = arith.constant 0 : i32
      %dma_start3A_464 = tpu.memref_slice %arg5[%add3A_455, %dma_start3A_463] : memref<819200x128xf32, #tpu.memory_space<hbm>> -> memref<200x128xf32, #tpu.memory_space<hbm>>
      %dma_start3A_465 = arith.constant 0 : i32
      %dma_start3A_466 = arith.constant 0 : i32
      %dma_start3A_467 = tpu.memref_slice %arg8[%dma_start3A_456, %dma_start3A_465, %dma_start3A_466] : memref<3x200x128xf32, #tpu.memory_space<vmem>> -> memref<1x200x128xf32, #tpu.memory_space<vmem>>
      %dma_start3A_468 = tpu.memref_squeeze %dma_start3A_467 : memref<1x200x128xf32, #tpu.memory_space<vmem>> -> memref<200x128xf32, #tpu.memory_space<vmem>>
      tpu.enqueue_dma source(%dma_start3A_468 : memref<200x128xf32, #tpu.memory_space<vmem>>) target(%dma_start3A_464 : memref<200x128xf32, #tpu.memory_space<hbm>>) target_semaphore(%arg13 : memref<!tpu.dma_semaphore, #tpu.memory_space<semaphore_mem>>)
      %dma_wait3A_469 = arith.constant 0 : i32
      %dma_wait3A_470 = arith.constant 0 : i32
      %dma_wait3A_471 = arith.constant 0 : i32
      %dma_wait3A_472 = tpu.memref_slice %arg8[%dma_wait3A_469, %dma_wait3A_470, %dma_wait3A_471] : memref<3x200x128xf32, #tpu.memory_space<vmem>> -> memref<1x200x128xf32, #tpu.memory_space<vmem>>
      %dma_wait3A_473 = tpu.memref_squeeze %dma_wait3A_472 : memref<1x200x128xf32, #tpu.memory_space<vmem>> -> memref<200x128xf32, #tpu.memory_space<vmem>>
      %dma_wait3A_474 = arith.constant 0 : i32
      %dma_wait3A_475 = arith.constant 0 : i32
      %dma_wait3A_476 = tpu.memref_slice %arg5[%dma_wait3A_474, %dma_wait3A_475] : memref<819200x128xf32, #tpu.memory_space<hbm>> -> memref<200x128xf32, #tpu.memory_space<hbm>>
      %dma_wait3A_477 = arith.constant 0 : i32
      %dma_wait3A_478 = arith.constant 0 : i32
      %dma_wait3A_479 = tpu.memref_slice %arg5[%dma_wait3A_477, %dma_wait3A_478] : memref<819200x128xf32, #tpu.memory_space<hbm>> -> memref<200x128xf32, #tpu.memory_space<hbm>>
      %dma_wait3A_480 = arith.constant 0 : i32
      %dma_wait3A_481 = arith.constant 0 : i32
      %dma_wait3A_482 = tpu.memref_slice %arg8[%dma_wait3A_469, %dma_wait3A_480, %dma_wait3A_481] : memref<3x200x128xf32, #tpu.memory_space<vmem>> -> memref<1x200x128xf32, #tpu.memory_space<vmem>>
      %dma_wait3A_483 = tpu.memref_squeeze %dma_wait3A_482 : memref<1x200x128xf32, #tpu.memory_space<vmem>> -> memref<200x128xf32, #tpu.memory_space<vmem>>
      tpu.wait_dma2 semaphore(%arg12 : memref<!tpu.dma_semaphore, #tpu.memory_space<semaphore_mem>>) src(%dma_wait3A_483 : memref<200x128xf32, #tpu.memory_space<vmem>>) dst(%dma_wait3A_479 : memref<200x128xf32, #tpu.memory_space<hbm>>)
      %parallel_loop3A_484 = arith.constant 0 : i32
      %parallel_loop3A_485 = arith.constant 200 : i32
      %parallel_loop3A_486 = arith.constant 1 : i32
      scf.for %parallel_loop3A_647 = %parallel_loop3A_484 to %parallel_loop3A_485 step %parallel_loop3A_486  : i32 {
        %parallel_loop3A_648 = arith.constant 1 : i32
        %parallel_loop3A_649 = arith.addi %parallel_loop3A_647, %parallel_loop3A_648 : i32
        %parallel_loop3A_650 = arith.index_cast %parallel_loop3A_649 : i32 to index
        %parallel_loop3A_651 = arith.constant 0 : index
        %parallel_loop3A_652 = tpu.vector_load %arg7[%parallel_loop3A_650, %parallel_loop3A_651] {strides = array<i32>} : memref<208x128xf32, #tpu.memory_space<vmem>>, vector<1x16xf32>,
        %parallel_loop3A_653 = vector.shape_cast %parallel_loop3A_652 : vector<1x16xf32> to vector<16xf32>
        %parallel_loop3A_654 = arith.constant 0 : i32
        %parallel_loop3A_655 = arith.index_cast %parallel_loop3A_654 : i32 to index
        %parallel_loop3A_656 = arith.index_cast %parallel_loop3A_647 : i32 to index
        %parallel_loop3A_657 = arith.constant 0 : index
        %parallel_loop3A_658 = tpu.vector_load %arg8[%parallel_loop3A_655, %parallel_loop3A_656, %parallel_loop3A_657] {strides = array<i32>} : memref<3x200x128xf32, #tpu.memory_space<vmem>>, vector<1x1x16xf32>,
        %parallel_loop3A_659 = vector.shape_cast %parallel_loop3A_658 : vector<1x1x16xf32> to vector<16xf32>
        %parallel_loop3A_660 = vector.shape_cast %parallel_loop3A_653 : vector<16xf32> to vector<1x1x16xf32>
        tpu.vector_store %arg8[%parallel_loop3A_655, %parallel_loop3A_656, %parallel_loop3A_657], %parallel_loop3A_660 {strides = array<i32>} : memref<3x200x128xf32, #tpu.memory_space<vmem>>, vector<1x1x16xf32>,
        %parallel_loop3A_661 = arith.constant 1 : i32
        %parallel_loop3A_662 = arith.addi %parallel_loop3A_647, %parallel_loop3A_661 : i32
        %parallel_loop3A_663 = arith.index_cast %parallel_loop3A_662 : i32 to index
        %parallel_loop3A_664 = arith.constant 16 : index
        %parallel_loop3A_665 = tpu.vector_load %arg7[%parallel_loop3A_663, %parallel_loop3A_664] {strides = array<i32>} : memref<208x128xf32, #tpu.memory_space<vmem>>, vector<1x16xf32>,
        %parallel_loop3A_666 = vector.shape_cast %parallel_loop3A_665 : vector<1x16xf32> to vector<16xf32>
        %parallel_loop3A_667 = arith.constant 0 : i32
        %parallel_loop3A_668 = arith.index_cast %parallel_loop3A_667 : i32 to index
        %parallel_loop3A_669 = arith.index_cast %parallel_loop3A_647 : i32 to index
        %parallel_loop3A_670 = arith.constant 16 : index
        %parallel_loop3A_671 = tpu.vector_load %arg8[%parallel_loop3A_668, %parallel_loop3A_669, %parallel_loop3A_670] {strides = array<i32>} : memref<3x200x128xf32, #tpu.memory_space<vmem>>, vector<1x1x16xf32>,
        %parallel_loop3A_672 = vector.shape_cast %parallel_loop3A_671 : vector<1x1x16xf32> to vector<16xf32>
        %parallel_loop3A_673 = vector.shape_cast %parallel_loop3A_666 : vector<16xf32> to vector<1x1x16xf32>
        tpu.vector_store %arg8[%parallel_loop3A_668, %parallel_loop3A_669, %parallel_loop3A_670], %parallel_loop3A_673 {strides = array<i32>} : memref<3x200x128xf32, #tpu.memory_space<vmem>>, vector<1x1x16xf32>,
        %parallel_loop3A_674 = arith.constant 1 : i32
        %parallel_loop3A_675 = arith.addi %parallel_loop3A_647, %parallel_loop3A_674 : i32
        %parallel_loop3A_676 = arith.index_cast %parallel_loop3A_675 : i32 to index
        %parallel_loop3A_677 = arith.constant 32 : index
        %parallel_loop3A_678 = tpu.vector_load %arg7[%parallel_loop3A_676, %parallel_loop3A_677] {strides = array<i32>} : memref<208x128xf32, #tpu.memory_space<vmem>>, vector<1x16xf32>,
        %parallel_loop3A_679 = vector.shape_cast %parallel_loop3A_678 : vector<1x16xf32> to vector<16xf32>
        %parallel_loop3A_680 = arith.constant 0 : i32
        %parallel_loop3A_681 = arith.index_cast %parallel_loop3A_680 : i32 to index
        %parallel_loop3A_682 = arith.index_cast %parallel_loop3A_647 : i32 to index
        %parallel_loop3A_683 = arith.constant 32 : index
        %parallel_loop3A_684 = tpu.vector_load %arg8[%parallel_loop3A_681, %parallel_loop3A_682, %parallel_loop3A_683] {strides = array<i32>} : memref<3x200x128xf32, #tpu.memory_space<vmem>>, vector<1x1x16xf32>,
        %parallel_loop3A_685 = vector.shape_cast %parallel_loop3A_684 : vector<1x1x16xf32> to vector<16xf32>
        %parallel_loop3A_686 = vector.shape_cast %parallel_loop3A_679 : vector<16xf32> to vector<1x1x16xf32>
        tpu.vector_store %arg8[%parallel_loop3A_681, %parallel_loop3A_682, %parallel_loop3A_683], %parallel_loop3A_686 {strides = array<i32>} : memref<3x200x128xf32, #tpu.memory_space<vmem>>, vector<1x1x16xf32>,
        %parallel_loop3A_687 = arith.constant 1 : i32
        %parallel_loop3A_688 = arith.addi %parallel_loop3A_647, %parallel_loop3A_687 : i32
        %parallel_loop3A_689 = arith.index_cast %parallel_loop3A_688 : i32 to index
        %parallel_loop3A_690 = arith.constant 48 : index
        %parallel_loop3A_691 = tpu.vector_load %arg7[%parallel_loop3A_689, %parallel_loop3A_690] {strides = array<i32>} : memref<208x128xf32, #tpu.memory_space<vmem>>, vector<1x16xf32>,
        %parallel_loop3A_692 = vector.shape_cast %parallel_loop3A_691 : vector<1x16xf32> to vector<16xf32>
        %parallel_loop3A_693 = arith.constant 0 : i32
        %parallel_loop3A_694 = arith.index_cast %parallel_loop3A_693 : i32 to index
        %parallel_loop3A_695 = arith.index_cast %parallel_loop3A_647 : i32 to index
        %parallel_loop3A_696 = arith.constant 48 : index
        %parallel_loop3A_697 = tpu.vector_load %arg8[%parallel_loop3A_694, %parallel_loop3A_695, %parallel_loop3A_696] {strides = array<i32>} : memref<3x200x128xf32, #tpu.memory_space<vmem>>, vector<1x1x16xf32>,
        %parallel_loop3A_698 = vector.shape_cast %parallel_loop3A_697 : vector<1x1x16xf32> to vector<16xf32>
        %parallel_loop3A_699 = vector.shape_cast %parallel_loop3A_692 : vector<16xf32> to vector<1x1x16xf32>
        tpu.vector_store %arg8[%parallel_loop3A_694, %parallel_loop3A_695, %parallel_loop3A_696], %parallel_loop3A_699 {strides = array<i32>} : memref<3x200x128xf32, #tpu.memory_space<vmem>>, vector<1x1x16xf32>,
        %parallel_loop3A_700 = arith.constant 1 : i32
        %parallel_loop3A_701 = arith.addi %parallel_loop3A_647, %parallel_loop3A_700 : i32
        %parallel_loop3A_702 = arith.index_cast %parallel_loop3A_701 : i32 to index
        %parallel_loop3A_703 = arith.constant 64 : index
        %parallel_loop3A_704 = tpu.vector_load %arg7[%parallel_loop3A_702, %parallel_loop3A_703] {strides = array<i32>} : memref<208x128xf32, #tpu.memory_space<vmem>>, vector<1x16xf32>,
        %parallel_loop3A_705 = vector.shape_cast %parallel_loop3A_704 : vector<1x16xf32> to vector<16xf32>
        %parallel_loop3A_706 = arith.constant 0 : i32
        %parallel_loop3A_707 = arith.index_cast %parallel_loop3A_706 : i32 to index
        %parallel_loop3A_708 = arith.index_cast %parallel_loop3A_647 : i32 to index
        %parallel_loop3A_709 = arith.constant 64 : index
        %parallel_loop3A_710 = tpu.vector_load %arg8[%parallel_loop3A_707, %parallel_loop3A_708, %parallel_loop3A_709] {strides = array<i32>} : memref<3x200x128xf32, #tpu.memory_space<vmem>>, vector<1x1x16xf32>,
        %parallel_loop3A_711 = vector.shape_cast %parallel_loop3A_710 : vector<1x1x16xf32> to vector<16xf32>
        %parallel_loop3A_712 = vector.shape_cast %parallel_loop3A_705 : vector<16xf32> to vector<1x1x16xf32>
        tpu.vector_store %arg8[%parallel_loop3A_707, %parallel_loop3A_708, %parallel_loop3A_709], %parallel_loop3A_712 {strides = array<i32>} : memref<3x200x128xf32, #tpu.memory_space<vmem>>, vector<1x1x16xf32>,
        %parallel_loop3A_713 = arith.constant 1 : i32
        %parallel_loop3A_714 = arith.addi %parallel_loop3A_647, %parallel_loop3A_713 : i32
        %parallel_loop3A_715 = arith.index_cast %parallel_loop3A_714 : i32 to index
        %parallel_loop3A_716 = arith.constant 80 : index
        %parallel_loop3A_717 = tpu.vector_load %arg7[%parallel_loop3A_715, %parallel_loop3A_716] {strides = array<i32>} : memref<208x128xf32, #tpu.memory_space<vmem>>, vector<1x16xf32>,
        %parallel_loop3A_718 = vector.shape_cast %parallel_loop3A_717 : vector<1x16xf32> to vector<16xf32>
        %parallel_loop3A_719 = arith.constant 0 : i32
        %parallel_loop3A_720 = arith.index_cast %parallel_loop3A_719 : i32 to index
        %parallel_loop3A_721 = arith.index_cast %parallel_loop3A_647 : i32 to index
        %parallel_loop3A_722 = arith.constant 80 : index
        %parallel_loop3A_723 = tpu.vector_load %arg8[%parallel_loop3A_720, %parallel_loop3A_721, %parallel_loop3A_722] {strides = array<i32>} : memref<3x200x128xf32, #tpu.memory_space<vmem>>, vector<1x1x16xf32>,
        %parallel_loop3A_724 = vector.shape_cast %parallel_loop3A_723 : vector<1x1x16xf32> to vector<16xf32>
        %parallel_loop3A_725 = vector.shape_cast %parallel_loop3A_718 : vector<16xf32> to vector<1x1x16xf32>
        tpu.vector_store %arg8[%parallel_loop3A_720, %parallel_loop3A_721, %parallel_loop3A_722], %parallel_loop3A_725 {strides = array<i32>} : memref<3x200x128xf32, #tpu.memory_space<vmem>>, vector<1x1x16xf32>,
        %parallel_loop3A_726 = arith.constant 1 : i32
        %parallel_loop3A_727 = arith.addi %parallel_loop3A_647, %parallel_loop3A_726 : i32
        %parallel_loop3A_728 = arith.index_cast %parallel_loop3A_727 : i32 to index
        %parallel_loop3A_729 = arith.constant 96 : index
        %parallel_loop3A_730 = tpu.vector_load %arg7[%parallel_loop3A_728, %parallel_loop3A_729] {strides = array<i32>} : memref<208x128xf32, #tpu.memory_space<vmem>>, vector<1x16xf32>,
        %parallel_loop3A_731 = vector.shape_cast %parallel_loop3A_730 : vector<1x16xf32> to vector<16xf32>
        %parallel_loop3A_732 = arith.constant 0 : i32
        %parallel_loop3A_733 = arith.index_cast %parallel_loop3A_732 : i32 to index
        %parallel_loop3A_734 = arith.index_cast %parallel_loop3A_647 : i32 to index
        %parallel_loop3A_735 = arith.constant 96 : index
        %parallel_loop3A_736 = tpu.vector_load %arg8[%parallel_loop3A_733, %parallel_loop3A_734, %parallel_loop3A_735] {strides = array<i32>} : memref<3x200x128xf32, #tpu.memory_space<vmem>>, vector<1x1x16xf32>,
        %parallel_loop3A_737 = vector.shape_cast %parallel_loop3A_736 : vector<1x1x16xf32> to vector<16xf32>
        %parallel_loop3A_738 = vector.shape_cast %parallel_loop3A_731 : vector<16xf32> to vector<1x1x16xf32>
        tpu.vector_store %arg8[%parallel_loop3A_733, %parallel_loop3A_734, %parallel_loop3A_735], %parallel_loop3A_738 {strides = array<i32>} : memref<3x200x128xf32, #tpu.memory_space<vmem>>, vector<1x1x16xf32>,
        %parallel_loop3A_739 = arith.constant 1 : i32
        %parallel_loop3A_740 = arith.addi %parallel_loop3A_647, %parallel_loop3A_739 : i32
        %parallel_loop3A_741 = arith.index_cast %parallel_loop3A_740 : i32 to index
        %parallel_loop3A_742 = arith.constant 112 : index
        %parallel_loop3A_743 = tpu.vector_load %arg7[%parallel_loop3A_741, %parallel_loop3A_742] {strides = array<i32>} : memref<208x128xf32, #tpu.memory_space<vmem>>, vector<1x16xf32>,
        %parallel_loop3A_744 = vector.shape_cast %parallel_loop3A_743 : vector<1x16xf32> to vector<16xf32>
        %parallel_loop3A_745 = arith.constant 0 : i32
        %parallel_loop3A_746 = arith.index_cast %parallel_loop3A_745 : i32 to index
        %parallel_loop3A_747 = arith.index_cast %parallel_loop3A_647 : i32 to index
        %parallel_loop3A_748 = arith.constant 112 : index
        %parallel_loop3A_749 = tpu.vector_load %arg8[%parallel_loop3A_746, %parallel_loop3A_747, %parallel_loop3A_748] {strides = array<i32>} : memref<3x200x128xf32, #tpu.memory_space<vmem>>, vector<1x1x16xf32>,
        %parallel_loop3A_750 = vector.shape_cast %parallel_loop3A_749 : vector<1x1x16xf32> to vector<16xf32>
        %parallel_loop3A_751 = vector.shape_cast %parallel_loop3A_744 : vector<16xf32> to vector<1x1x16xf32>
        tpu.vector_store %arg8[%parallel_loop3A_746, %parallel_loop3A_747, %parallel_loop3A_748], %parallel_loop3A_751 {strides = array<i32>} : memref<3x200x128xf32, #tpu.memory_space<vmem>>, vector<1x1x16xf32>,
      } {sc.loop_unroll_factor = 8 : i64, sc.parallel_access}
      %dma_wait3A_487 = arith.constant 0 : i32
      %dma_wait3A_488 = arith.constant 0 : i32
      %dma_wait3A_489 = arith.constant 0 : i32
      %dma_wait3A_490 = arith.constant 0 : i32
      %dma_wait3A_491 = tpu.memref_slice %arg6[%dma_wait3A_488, %dma_wait3A_489, %dma_wait3A_490] : memref<3x2x100xi32, #tpu.memory_space<vmem>> -> memref<1x2x100xi32, #tpu.memory_space<vmem>>
      %dma_wait3A_492 = tpu.memref_squeeze %dma_wait3A_491 : memref<1x2x100xi32, #tpu.memory_space<vmem>> -> memref<2x100xi32, #tpu.memory_space<vmem>>
      %dma_wait3A_493 = arith.constant 0 : i32
      %dma_wait3A_494 = arith.constant 0 : i32
      %dma_wait3A_495 = tpu.memref_slice %arg2[%dma_wait3A_487, %dma_wait3A_493, %dma_wait3A_494] : memref<4096x2x100xi32, #tpu.memory_space<hbm>> -> memref<1x2x100xi32, #tpu.memory_space<hbm>>
      %dma_wait3A_496 = tpu.memref_squeeze %dma_wait3A_495 : memref<1x2x100xi32, #tpu.memory_space<hbm>> -> memref<2x100xi32, #tpu.memory_space<hbm>>
      %dma_wait3A_497 = arith.constant 0 : i32
      %dma_wait3A_498 = arith.constant 0 : i32
      %dma_wait3A_499 = tpu.memref_slice %arg6[%dma_wait3A_488, %dma_wait3A_497, %dma_wait3A_498] : memref<3x2x100xi32, #tpu.memory_space<vmem>> -> memref<1x2x100xi32, #tpu.memory_space<vmem>>
      %dma_wait3A_500 = tpu.memref_squeeze %dma_wait3A_499 : memref<1x2x100xi32, #tpu.memory_space<vmem>> -> memref<2x100xi32, #tpu.memory_space<vmem>>
      %dma_wait3A_501 = arith.constant 0 : i32
      %dma_wait3A_502 = arith.constant 0 : i32
      %dma_wait3A_503 = tpu.memref_slice %arg2[%dma_wait3A_487, %dma_wait3A_501, %dma_wait3A_502] : memref<4096x2x100xi32, #tpu.memory_space<hbm>> -> memref<1x2x100xi32, #tpu.memory_space<hbm>>
      %dma_wait3A_504 = tpu.memref_squeeze %dma_wait3A_503 : memref<1x2x100xi32, #tpu.memory_space<hbm>> -> memref<2x100xi32, #tpu.memory_space<hbm>>
      tpu.wait_dma2 semaphore(%arg15 : memref<!tpu.dma_semaphore, #tpu.memory_space<semaphore_mem>>) src(%dma_wait3A_504 : memref<2x100xi32, #tpu.memory_space<hbm>>) dst(%dma_wait3A_500 : memref<2x100xi32, #tpu.memory_space<vmem>>)
      %add3A_505 = arith.constant 2 : i32
      %add3A_506 = arith.addi %add3A_406, %add3A_505 : i32
      %dma_start3A_507 = arith.constant 0 : i32
      %dma_start3A_508 = arith.constant 0 : i32
      %dma_start3A_509 = arith.constant 0 : i32
      %dma_start3A_510 = arith.constant 0 : i32
      %dma_start3A_511 = arith.constant 0 : i32
      %dma_start3A_512 = tpu.memref_slice %arg8[%dma_start3A_509, %dma_start3A_510, %dma_start3A_511] : memref<3x200x128xf32, #tpu.memory_space<vmem>> -> memref<1x100x128xf32, #tpu.memory_space<vmem>>
      %dma_start3A_513 = tpu.memref_squeeze %dma_start3A_512 : memref<1x100x128xf32, #tpu.memory_space<vmem>> -> memref<100x128xf32, #tpu.memory_space<vmem>>
      %dma_start3A_514 = arith.constant 0 : i32
      %dma_start3A_515 = tpu.memref_slice %arg6[%dma_start3A_507, %dma_start3A_508, %dma_start3A_514] : memref<3x2x100xi32, #tpu.memory_space<vmem>> -> memref<1x1x100xi32, #tpu.memory_space<vmem>>
      %dma_start3A_516 = tpu.memref_squeeze %dma_start3A_515 : memref<1x1x100xi32, #tpu.memory_space<vmem>> -> memref<100xi32, #tpu.memory_space<vmem>>
      %dma_start3A_517 = arith.constant 0 : i32
      %dma_start3A_518 = arith.constant 0 : i32
      %dma_start3A_519 = tpu.memref_slice %arg4[%dma_start3A_517, %dma_start3A_518] : memref<100000x128xf32, #tpu.memory_space<hbm>> -> memref<100000x128xf32, #tpu.memory_space<hbm>>
      tpu.enqueue_indirect_dma source(%dma_start3A_519 : memref<100000x128xf32, #tpu.memory_space<hbm>>) target(%dma_start3A_513 : memref<100x128xf32, #tpu.memory_space<vmem>>) offsets(%dma_start3A_516 : memref<100xi32, #tpu.memory_space<vmem>>) semaphore(%arg9 : memref<!tpu.dma_semaphore, #tpu.memory_space<semaphore_mem>>) {add = true}
      %dma_start3A_520 = arith.constant 0 : i32
      %dma_start3A_521 = arith.constant 1 : i32
      %dma_start3A_522 = arith.constant 0 : i32
      %dma_start3A_523 = arith.constant 100 : i32
      %dma_start3A_524 = arith.constant 0 : i32
      %dma_start3A_525 = tpu.memref_slice %arg8[%dma_start3A_522, %dma_start3A_523, %dma_start3A_524] : memref<3x200x128xf32, #tpu.memory_space<vmem>> -> memref<1x100x128xf32, #tpu.memory_space<vmem>>
      %dma_start3A_526 = tpu.memref_squeeze %dma_start3A_525 : memref<1x100x128xf32, #tpu.memory_space<vmem>> -> memref<100x128xf32, #tpu.memory_space<vmem>>
      %dma_start3A_527 = arith.constant 0 : i32
      %dma_start3A_528 = tpu.memref_slice %arg6[%dma_start3A_520, %dma_start3A_521, %dma_start3A_527] : memref<3x2x100xi32, #tpu.memory_space<vmem>> -> memref<1x1x100xi32, #tpu.memory_space<vmem>>
      %dma_start3A_529 = tpu.memref_squeeze %dma_start3A_528 : memref<1x1x100xi32, #tpu.memory_space<vmem>> -> memref<100xi32, #tpu.memory_space<vmem>>
      %dma_start3A_530 = arith.constant 0 : i32
      %dma_start3A_531 = arith.constant 0 : i32
      %dma_start3A_532 = tpu.memref_slice %arg4[%dma_start3A_530, %dma_start3A_531] : memref<100000x128xf32, #tpu.memory_space<hbm>> -> memref<100000x128xf32, #tpu.memory_space<hbm>>
      tpu.enqueue_indirect_dma source(%dma_start3A_532 : memref<100000x128xf32, #tpu.memory_space<hbm>>) target(%dma_start3A_526 : memref<100x128xf32, #tpu.memory_space<vmem>>) offsets(%dma_start3A_529 : memref<100xi32, #tpu.memory_space<vmem>>) semaphore(%arg9 : memref<!tpu.dma_semaphore, #tpu.memory_space<semaphore_mem>>) {add = true}
      %mul3A_533 = arith.constant 3 : i32
      %mul3A_534 = arith.muli %mul3A_533, %scan3A_285 : i32
      %add3A_535 = arith.constant 2 : i32
      %add3A_536 = arith.addi %mul3A_534, %add3A_535 : i32
      %dma_wait3A_537 = arith.constant 0 : i32
      %dma_wait3A_538 = arith.constant 0 : i32
      %dma_wait3A_539 = arith.constant 2 : i32
      %dma_wait3A_540 = arith.constant 0 : i32
      %dma_wait3A_541 = arith.constant 0 : i32
      %dma_wait3A_542 = tpu.memref_slice %arg8[%dma_wait3A_539, %dma_wait3A_540, %dma_wait3A_541] : memref<3x200x128xf32, #tpu.memory_space<vmem>> -> memref<1x100x128xf32, #tpu.memory_space<vmem>>
      %dma_wait3A_543 = tpu.memref_squeeze %dma_wait3A_542 : memref<1x100x128xf32, #tpu.memory_space<vmem>> -> memref<100x128xf32, #tpu.memory_space<vmem>>
      %dma_wait3A_544 = arith.constant 0 : i32
      %dma_wait3A_545 = tpu.memref_slice %arg6[%dma_wait3A_537, %dma_wait3A_538, %dma_wait3A_544] : memref<3x2x100xi32, #tpu.memory_space<vmem>> -> memref<1x1x100xi32, #tpu.memory_space<vmem>>
      %dma_wait3A_546 = tpu.memref_squeeze %dma_wait3A_545 : memref<1x1x100xi32, #tpu.memory_space<vmem>> -> memref<100xi32, #tpu.memory_space<vmem>>
      %dma_wait3A_547 = arith.constant 0 : i32
      %dma_wait3A_548 = arith.constant 0 : i32
      %dma_wait3A_549 = tpu.memref_slice %arg4[%dma_wait3A_547, %dma_wait3A_548] : memref<100000x128xf32, #tpu.memory_space<hbm>> -> memref<100000x128xf32, #tpu.memory_space<hbm>>
      tpu.wait_indirect_dma semaphore(%arg11 : memref<!tpu.dma_semaphore, #tpu.memory_space<semaphore_mem>>) src(%dma_wait3A_549 : memref<100000x128xf32, #tpu.memory_space<hbm>>) dst(%dma_wait3A_543 : memref<100x128xf32, #tpu.memory_space<vmem>>)
      %dma_wait3A_550 = arith.constant 0 : i32
      %dma_wait3A_551 = arith.constant 0 : i32
      %dma_wait3A_552 = arith.constant 2 : i32
      %dma_wait3A_553 = arith.constant 100 : i32
      %dma_wait3A_554 = arith.constant 0 : i32
      %dma_wait3A_555 = tpu.memref_slice %arg8[%dma_wait3A_552, %dma_wait3A_553, %dma_wait3A_554] : memref<3x200x128xf32, #tpu.memory_space<vmem>> -> memref<1x100x128xf32, #tpu.memory_space<vmem>>
      %dma_wait3A_556 = tpu.memref_squeeze %dma_wait3A_555 : memref<1x100x128xf32, #tpu.memory_space<vmem>> -> memref<100x128xf32, #tpu.memory_space<vmem>>
      %dma_wait3A_557 = arith.constant 0 : i32
      %dma_wait3A_558 = tpu.memref_slice %arg6[%dma_wait3A_550, %dma_wait3A_551, %dma_wait3A_557] : memref<3x2x100xi32, #tpu.memory_space<vmem>> -> memref<1x1x100xi32, #tpu.memory_space<vmem>>
      %dma_wait3A_559 = tpu.memref_squeeze %dma_wait3A_558 : memref<1x1x100xi32, #tpu.memory_space<vmem>> -> memref<100xi32, #tpu.memory_space<vmem>>
      %dma_wait3A_560 = arith.constant 0 : i32
      %dma_wait3A_561 = arith.constant 0 : i32
      %dma_wait3A_562 = tpu.memref_slice %arg4[%dma_wait3A_560, %dma_wait3A_561] : memref<100000x128xf32, #tpu.memory_space<hbm>> -> memref<100000x128xf32, #tpu.memory_space<hbm>>
      tpu.wait_indirect_dma semaphore(%arg11 : memref<!tpu.dma_semaphore, #tpu.memory_space<semaphore_mem>>) src(%dma_wait3A_562 : memref<100000x128xf32, #tpu.memory_space<hbm>>) dst(%dma_wait3A_556 : memref<100x128xf32, #tpu.memory_space<vmem>>)
      %lt3A = arith.constant 41 : i32
      %lt3A_563 = arith.cmpi slt, %scan3A_285, %lt3A : i32
      %convert_element_type3A_564 = arith.extui %lt3A_563 : i1 to i32
      %cond3A_565 = arith.constant 0 : i32
      %cond3A_566 = arith.cmpi ne, %convert_element_type3A_564, %cond3A_565 : i32
      scf.if %cond3A_566 {
        %add3A_647 = arith.constant 3 : i32
        %add3A_648 = arith.addi %add3A_536, %add3A_647 : i32
        %add3A_649 = arith.addi %mul3A_2, %add3A_648 : i32
        %dma_start3A_650 = arith.constant 2 : i32
        %dma_start3A_651 = arith.constant 0 : i32
        %dma_start3A_652 = arith.constant 0 : i32
        %dma_start3A_653 = tpu.memref_slice %arg6[%dma_start3A_650, %dma_start3A_651, %dma_start3A_652] : memref<3x2x100xi32, #tpu.memory_space<vmem>> -> memref<1x2x100xi32, #tpu.memory_space<vmem>>
        %dma_start3A_654 = tpu.memref_squeeze %dma_start3A_653 : memref<1x2x100xi32, #tpu.memory_space<vmem>> -> memref<2x100xi32, #tpu.memory_space<vmem>>
        %dma_start3A_655 = arith.constant 0 : i32
        %dma_start3A_656 = arith.constant 0 : i32
        %dma_start3A_657 = tpu.memref_slice %arg2[%add3A_649, %dma_start3A_655, %dma_start3A_656] : memref<4096x2x100xi32, #tpu.memory_space<hbm>> -> memref<1x2x100xi32, #tpu.memory_space<hbm>>
        %dma_start3A_658 = tpu.memref_squeeze %dma_start3A_657 : memref<1x2x100xi32, #tpu.memory_space<hbm>> -> memref<2x100xi32, #tpu.memory_space<hbm>>
        %dma_start3A_659 = arith.constant 0 : i32
        %dma_start3A_660 = arith.constant 0 : i32
        %dma_start3A_661 = tpu.memref_slice %arg6[%dma_start3A_650, %dma_start3A_659, %dma_start3A_660] : memref<3x2x100xi32, #tpu.memory_space<vmem>> -> memref<1x2x100xi32, #tpu.memory_space<vmem>>
        %dma_start3A_662 = tpu.memref_squeeze %dma_start3A_661 : memref<1x2x100xi32, #tpu.memory_space<vmem>> -> memref<2x100xi32, #tpu.memory_space<vmem>>
        %dma_start3A_663 = arith.constant 0 : i32
        %dma_start3A_664 = arith.constant 0 : i32
        %dma_start3A_665 = tpu.memref_slice %arg2[%add3A_649, %dma_start3A_663, %dma_start3A_664] : memref<4096x2x100xi32, #tpu.memory_space<hbm>> -> memref<1x2x100xi32, #tpu.memory_space<hbm>>
        %dma_start3A_666 = tpu.memref_squeeze %dma_start3A_665 : memref<1x2x100xi32, #tpu.memory_space<hbm>> -> memref<2x100xi32, #tpu.memory_space<hbm>>
        tpu.enqueue_dma source(%dma_start3A_666 : memref<2x100xi32, #tpu.memory_space<hbm>>) target(%dma_start3A_662 : memref<2x100xi32, #tpu.memory_space<vmem>>) target_semaphore(%arg17 : memref<!tpu.dma_semaphore, #tpu.memory_space<semaphore_mem>>)
      } else {
      }
      %mul3A_567 = arith.constant 200 : i32
      %mul3A_568 = arith.muli %add3A_536, %mul3A_567 : i32
      %add3A_569 = arith.addi %mul3A_4, %mul3A_568 : i32
      %dma_start3A_570 = arith.constant 2 : i32
      %dma_start3A_571 = arith.constant 0 : i32
      %dma_start3A_572 = arith.constant 0 : i32
      %dma_start3A_573 = tpu.memref_slice %arg8[%dma_start3A_570, %dma_start3A_571, %dma_start3A_572] : memref<3x200x128xf32, #tpu.memory_space<vmem>> -> memref<1x200x128xf32, #tpu.memory_space<vmem>>
      %dma_start3A_574 = tpu.memref_squeeze %dma_start3A_573 : memref<1x200x128xf32, #tpu.memory_space<vmem>> -> memref<200x128xf32, #tpu.memory_space<vmem>>
      %dma_start3A_575 = arith.constant 0 : i32
      %dma_start3A_576 = tpu.memref_slice %arg5[%add3A_569, %dma_start3A_575] : memref<819200x128xf32, #tpu.memory_space<hbm>> -> memref<200x128xf32, #tpu.memory_space<hbm>>
      %dma_start3A_577 = arith.constant 0 : i32
      %dma_start3A_578 = tpu.memref_slice %arg5[%add3A_569, %dma_start3A_577] : memref<819200x128xf32, #tpu.memory_space<hbm>> -> memref<200x128xf32, #tpu.memory_space<hbm>>
      %dma_start3A_579 = arith.constant 0 : i32
      %dma_start3A_580 = arith.constant 0 : i32
      %dma_start3A_581 = tpu.memref_slice %arg8[%dma_start3A_570, %dma_start3A_579, %dma_start3A_580] : memref<3x200x128xf32, #tpu.memory_space<vmem>> -> memref<1x200x128xf32, #tpu.memory_space<vmem>>
      %dma_start3A_582 = tpu.memref_squeeze %dma_start3A_581 : memref<1x200x128xf32, #tpu.memory_space<vmem>> -> memref<200x128xf32, #tpu.memory_space<vmem>>
      tpu.enqueue_dma source(%dma_start3A_582 : memref<200x128xf32, #tpu.memory_space<vmem>>) target(%dma_start3A_578 : memref<200x128xf32, #tpu.memory_space<hbm>>) target_semaphore(%arg14 : memref<!tpu.dma_semaphore, #tpu.memory_space<semaphore_mem>>)
      %dma_wait3A_583 = arith.constant 1 : i32
      %dma_wait3A_584 = arith.constant 0 : i32
      %dma_wait3A_585 = arith.constant 0 : i32
      %dma_wait3A_586 = tpu.memref_slice %arg8[%dma_wait3A_583, %dma_wait3A_584, %dma_wait3A_585] : memref<3x200x128xf32, #tpu.memory_space<vmem>> -> memref<1x200x128xf32, #tpu.memory_space<vmem>>
      %dma_wait3A_587 = tpu.memref_squeeze %dma_wait3A_586 : memref<1x200x128xf32, #tpu.memory_space<vmem>> -> memref<200x128xf32, #tpu.memory_space<vmem>>
      %dma_wait3A_588 = arith.constant 0 : i32
      %dma_wait3A_589 = arith.constant 0 : i32
      %dma_wait3A_590 = tpu.memref_slice %arg5[%dma_wait3A_588, %dma_wait3A_589] : memref<819200x128xf32, #tpu.memory_space<hbm>> -> memref<200x128xf32, #tpu.memory_space<hbm>>
      %dma_wait3A_591 = arith.constant 0 : i32
      %dma_wait3A_592 = arith.constant 0 : i32
      %dma_wait3A_593 = tpu.memref_slice %arg5[%dma_wait3A_591, %dma_wait3A_592] : memref<819200x128xf32, #tpu.memory_space<hbm>> -> memref<200x128xf32, #tpu.memory_space<hbm>>
      %dma_wait3A_594 = arith.constant 0 : i32
      %dma_wait3A_595 = arith.constant 0 : i32
      %dma_wait3A_596 = tpu.memref_slice %arg8[%dma_wait3A_583, %dma_wait3A_594, %dma_wait3A_595] : memref<3x200x128xf32, #tpu.memory_space<vmem>> -> memref<1x200x128xf32, #tpu.memory_space<vmem>>
      %dma_wait3A_597 = tpu.memref_squeeze %dma_wait3A_596 : memref<1x200x128xf32, #tpu.memory_space<vmem>> -> memref<200x128xf32, #tpu.memory_space<vmem>>
      tpu.wait_dma2 semaphore(%arg13 : memref<!tpu.dma_semaphore, #tpu.memory_space<semaphore_mem>>) src(%dma_wait3A_597 : memref<200x128xf32, #tpu.memory_space<vmem>>) dst(%dma_wait3A_593 : memref<200x128xf32, #tpu.memory_space<hbm>>)
      %parallel_loop3A_598 = arith.constant 0 : i32
      %parallel_loop3A_599 = arith.constant 200 : i32
      %parallel_loop3A_600 = arith.constant 1 : i32
      scf.for %parallel_loop3A_647 = %parallel_loop3A_598 to %parallel_loop3A_599 step %parallel_loop3A_600  : i32 {
        %parallel_loop3A_648 = arith.constant 1 : i32
        %parallel_loop3A_649 = arith.addi %parallel_loop3A_647, %parallel_loop3A_648 : i32
        %parallel_loop3A_650 = arith.index_cast %parallel_loop3A_649 : i32 to index
        %parallel_loop3A_651 = arith.constant 0 : index
        %parallel_loop3A_652 = tpu.vector_load %arg7[%parallel_loop3A_650, %parallel_loop3A_651] {strides = array<i32>} : memref<208x128xf32, #tpu.memory_space<vmem>>, vector<1x16xf32>,
        %parallel_loop3A_653 = vector.shape_cast %parallel_loop3A_652 : vector<1x16xf32> to vector<16xf32>
        %parallel_loop3A_654 = arith.constant 1 : i32
        %parallel_loop3A_655 = arith.index_cast %parallel_loop3A_654 : i32 to index
        %parallel_loop3A_656 = arith.index_cast %parallel_loop3A_647 : i32 to index
        %parallel_loop3A_657 = arith.constant 0 : index
        %parallel_loop3A_658 = tpu.vector_load %arg8[%parallel_loop3A_655, %parallel_loop3A_656, %parallel_loop3A_657] {strides = array<i32>} : memref<3x200x128xf32, #tpu.memory_space<vmem>>, vector<1x1x16xf32>,
        %parallel_loop3A_659 = vector.shape_cast %parallel_loop3A_658 : vector<1x1x16xf32> to vector<16xf32>
        %parallel_loop3A_660 = vector.shape_cast %parallel_loop3A_653 : vector<16xf32> to vector<1x1x16xf32>
        tpu.vector_store %arg8[%parallel_loop3A_655, %parallel_loop3A_656, %parallel_loop3A_657], %parallel_loop3A_660 {strides = array<i32>} : memref<3x200x128xf32, #tpu.memory_space<vmem>>, vector<1x1x16xf32>,
        %parallel_loop3A_661 = arith.constant 1 : i32
        %parallel_loop3A_662 = arith.addi %parallel_loop3A_647, %parallel_loop3A_661 : i32
        %parallel_loop3A_663 = arith.index_cast %parallel_loop3A_662 : i32 to index
        %parallel_loop3A_664 = arith.constant 16 : index
        %parallel_loop3A_665 = tpu.vector_load %arg7[%parallel_loop3A_663, %parallel_loop3A_664] {strides = array<i32>} : memref<208x128xf32, #tpu.memory_space<vmem>>, vector<1x16xf32>,
        %parallel_loop3A_666 = vector.shape_cast %parallel_loop3A_665 : vector<1x16xf32> to vector<16xf32>
        %parallel_loop3A_667 = arith.constant 1 : i32
        %parallel_loop3A_668 = arith.index_cast %parallel_loop3A_667 : i32 to index
        %parallel_loop3A_669 = arith.index_cast %parallel_loop3A_647 : i32 to index
        %parallel_loop3A_670 = arith.constant 16 : index
        %parallel_loop3A_671 = tpu.vector_load %arg8[%parallel_loop3A_668, %parallel_loop3A_669, %parallel_loop3A_670] {strides = array<i32>} : memref<3x200x128xf32, #tpu.memory_space<vmem>>, vector<1x1x16xf32>,
        %parallel_loop3A_672 = vector.shape_cast %parallel_loop3A_671 : vector<1x1x16xf32> to vector<16xf32>
        %parallel_loop3A_673 = vector.shape_cast %parallel_loop3A_666 : vector<16xf32> to vector<1x1x16xf32>
        tpu.vector_store %arg8[%parallel_loop3A_668, %parallel_loop3A_669, %parallel_loop3A_670], %parallel_loop3A_673 {strides = array<i32>} : memref<3x200x128xf32, #tpu.memory_space<vmem>>, vector<1x1x16xf32>,
        %parallel_loop3A_674 = arith.constant 1 : i32
        %parallel_loop3A_675 = arith.addi %parallel_loop3A_647, %parallel_loop3A_674 : i32
        %parallel_loop3A_676 = arith.index_cast %parallel_loop3A_675 : i32 to index
        %parallel_loop3A_677 = arith.constant 32 : index
        %parallel_loop3A_678 = tpu.vector_load %arg7[%parallel_loop3A_676, %parallel_loop3A_677] {strides = array<i32>} : memref<208x128xf32, #tpu.memory_space<vmem>>, vector<1x16xf32>,
        %parallel_loop3A_679 = vector.shape_cast %parallel_loop3A_678 : vector<1x16xf32> to vector<16xf32>
        %parallel_loop3A_680 = arith.constant 1 : i32
        %parallel_loop3A_681 = arith.index_cast %parallel_loop3A_680 : i32 to index
        %parallel_loop3A_682 = arith.index_cast %parallel_loop3A_647 : i32 to index
        %parallel_loop3A_683 = arith.constant 32 : index
        %parallel_loop3A_684 = tpu.vector_load %arg8[%parallel_loop3A_681, %parallel_loop3A_682, %parallel_loop3A_683] {strides = array<i32>} : memref<3x200x128xf32, #tpu.memory_space<vmem>>, vector<1x1x16xf32>,
        %parallel_loop3A_685 = vector.shape_cast %parallel_loop3A_684 : vector<1x1x16xf32> to vector<16xf32>
        %parallel_loop3A_686 = vector.shape_cast %parallel_loop3A_679 : vector<16xf32> to vector<1x1x16xf32>
        tpu.vector_store %arg8[%parallel_loop3A_681, %parallel_loop3A_682, %parallel_loop3A_683], %parallel_loop3A_686 {strides = array<i32>} : memref<3x200x128xf32, #tpu.memory_space<vmem>>, vector<1x1x16xf32>,
        %parallel_loop3A_687 = arith.constant 1 : i32
        %parallel_loop3A_688 = arith.addi %parallel_loop3A_647, %parallel_loop3A_687 : i32
        %parallel_loop3A_689 = arith.index_cast %parallel_loop3A_688 : i32 to index
        %parallel_loop3A_690 = arith.constant 48 : index
        %parallel_loop3A_691 = tpu.vector_load %arg7[%parallel_loop3A_689, %parallel_loop3A_690] {strides = array<i32>} : memref<208x128xf32, #tpu.memory_space<vmem>>, vector<1x16xf32>,
        %parallel_loop3A_692 = vector.shape_cast %parallel_loop3A_691 : vector<1x16xf32> to vector<16xf32>
        %parallel_loop3A_693 = arith.constant 1 : i32
        %parallel_loop3A_694 = arith.index_cast %parallel_loop3A_693 : i32 to index
        %parallel_loop3A_695 = arith.index_cast %parallel_loop3A_647 : i32 to index
        %parallel_loop3A_696 = arith.constant 48 : index
        %parallel_loop3A_697 = tpu.vector_load %arg8[%parallel_loop3A_694, %parallel_loop3A_695, %parallel_loop3A_696] {strides = array<i32>} : memref<3x200x128xf32, #tpu.memory_space<vmem>>, vector<1x1x16xf32>,
        %parallel_loop3A_698 = vector.shape_cast %parallel_loop3A_697 : vector<1x1x16xf32> to vector<16xf32>
        %parallel_loop3A_699 = vector.shape_cast %parallel_loop3A_692 : vector<16xf32> to vector<1x1x16xf32>
        tpu.vector_store %arg8[%parallel_loop3A_694, %parallel_loop3A_695, %parallel_loop3A_696], %parallel_loop3A_699 {strides = array<i32>} : memref<3x200x128xf32, #tpu.memory_space<vmem>>, vector<1x1x16xf32>,
        %parallel_loop3A_700 = arith.constant 1 : i32
        %parallel_loop3A_701 = arith.addi %parallel_loop3A_647, %parallel_loop3A_700 : i32
        %parallel_loop3A_702 = arith.index_cast %parallel_loop3A_701 : i32 to index
        %parallel_loop3A_703 = arith.constant 64 : index
        %parallel_loop3A_704 = tpu.vector_load %arg7[%parallel_loop3A_702, %parallel_loop3A_703] {strides = array<i32>} : memref<208x128xf32, #tpu.memory_space<vmem>>, vector<1x16xf32>,
        %parallel_loop3A_705 = vector.shape_cast %parallel_loop3A_704 : vector<1x16xf32> to vector<16xf32>
        %parallel_loop3A_706 = arith.constant 1 : i32
        %parallel_loop3A_707 = arith.index_cast %parallel_loop3A_706 : i32 to index
        %parallel_loop3A_708 = arith.index_cast %parallel_loop3A_647 : i32 to index
        %parallel_loop3A_709 = arith.constant 64 : index
        %parallel_loop3A_710 = tpu.vector_load %arg8[%parallel_loop3A_707, %parallel_loop3A_708, %parallel_loop3A_709] {strides = array<i32>} : memref<3x200x128xf32, #tpu.memory_space<vmem>>, vector<1x1x16xf32>,
        %parallel_loop3A_711 = vector.shape_cast %parallel_loop3A_710 : vector<1x1x16xf32> to vector<16xf32>
        %parallel_loop3A_712 = vector.shape_cast %parallel_loop3A_705 : vector<16xf32> to vector<1x1x16xf32>
        tpu.vector_store %arg8[%parallel_loop3A_707, %parallel_loop3A_708, %parallel_loop3A_709], %parallel_loop3A_712 {strides = array<i32>} : memref<3x200x128xf32, #tpu.memory_space<vmem>>, vector<1x1x16xf32>,
        %parallel_loop3A_713 = arith.constant 1 : i32
        %parallel_loop3A_714 = arith.addi %parallel_loop3A_647, %parallel_loop3A_713 : i32
        %parallel_loop3A_715 = arith.index_cast %parallel_loop3A_714 : i32 to index
        %parallel_loop3A_716 = arith.constant 80 : index
        %parallel_loop3A_717 = tpu.vector_load %arg7[%parallel_loop3A_715, %parallel_loop3A_716] {strides = array<i32>} : memref<208x128xf32, #tpu.memory_space<vmem>>, vector<1x16xf32>,
        %parallel_loop3A_718 = vector.shape_cast %parallel_loop3A_717 : vector<1x16xf32> to vector<16xf32>
        %parallel_loop3A_719 = arith.constant 1 : i32
        %parallel_loop3A_720 = arith.index_cast %parallel_loop3A_719 : i32 to index
        %parallel_loop3A_721 = arith.index_cast %parallel_loop3A_647 : i32 to index
        %parallel_loop3A_722 = arith.constant 80 : index
        %parallel_loop3A_723 = tpu.vector_load %arg8[%parallel_loop3A_720, %parallel_loop3A_721, %parallel_loop3A_722] {strides = array<i32>} : memref<3x200x128xf32, #tpu.memory_space<vmem>>, vector<1x1x16xf32>,
        %parallel_loop3A_724 = vector.shape_cast %parallel_loop3A_723 : vector<1x1x16xf32> to vector<16xf32>
        %parallel_loop3A_725 = vector.shape_cast %parallel_loop3A_718 : vector<16xf32> to vector<1x1x16xf32>
        tpu.vector_store %arg8[%parallel_loop3A_720, %parallel_loop3A_721, %parallel_loop3A_722], %parallel_loop3A_725 {strides = array<i32>} : memref<3x200x128xf32, #tpu.memory_space<vmem>>, vector<1x1x16xf32>,
        %parallel_loop3A_726 = arith.constant 1 : i32
        %parallel_loop3A_727 = arith.addi %parallel_loop3A_647, %parallel_loop3A_726 : i32
        %parallel_loop3A_728 = arith.index_cast %parallel_loop3A_727 : i32 to index
        %parallel_loop3A_729 = arith.constant 96 : index
        %parallel_loop3A_730 = tpu.vector_load %arg7[%parallel_loop3A_728, %parallel_loop3A_729] {strides = array<i32>} : memref<208x128xf32, #tpu.memory_space<vmem>>, vector<1x16xf32>,
        %parallel_loop3A_731 = vector.shape_cast %parallel_loop3A_730 : vector<1x16xf32> to vector<16xf32>
        %parallel_loop3A_732 = arith.constant 1 : i32
        %parallel_loop3A_733 = arith.index_cast %parallel_loop3A_732 : i32 to index
        %parallel_loop3A_734 = arith.index_cast %parallel_loop3A_647 : i32 to index
        %parallel_loop3A_735 = arith.constant 96 : index
        %parallel_loop3A_736 = tpu.vector_load %arg8[%parallel_loop3A_733, %parallel_loop3A_734, %parallel_loop3A_735] {strides = array<i32>} : memref<3x200x128xf32, #tpu.memory_space<vmem>>, vector<1x1x16xf32>,
        %parallel_loop3A_737 = vector.shape_cast %parallel_loop3A_736 : vector<1x1x16xf32> to vector<16xf32>
        %parallel_loop3A_738 = vector.shape_cast %parallel_loop3A_731 : vector<16xf32> to vector<1x1x16xf32>
        tpu.vector_store %arg8[%parallel_loop3A_733, %parallel_loop3A_734, %parallel_loop3A_735], %parallel_loop3A_738 {strides = array<i32>} : memref<3x200x128xf32, #tpu.memory_space<vmem>>, vector<1x1x16xf32>,
        %parallel_loop3A_739 = arith.constant 1 : i32
        %parallel_loop3A_740 = arith.addi %parallel_loop3A_647, %parallel_loop3A_739 : i32
        %parallel_loop3A_741 = arith.index_cast %parallel_loop3A_740 : i32 to index
        %parallel_loop3A_742 = arith.constant 112 : index
        %parallel_loop3A_743 = tpu.vector_load %arg7[%parallel_loop3A_741, %parallel_loop3A_742] {strides = array<i32>} : memref<208x128xf32, #tpu.memory_space<vmem>>, vector<1x16xf32>,
        %parallel_loop3A_744 = vector.shape_cast %parallel_loop3A_743 : vector<1x16xf32> to vector<16xf32>
        %parallel_loop3A_745 = arith.constant 1 : i32
        %parallel_loop3A_746 = arith.index_cast %parallel_loop3A_745 : i32 to index
        %parallel_loop3A_747 = arith.index_cast %parallel_loop3A_647 : i32 to index
        %parallel_loop3A_748 = arith.constant 112 : index
        %parallel_loop3A_749 = tpu.vector_load %arg8[%parallel_loop3A_746, %parallel_loop3A_747, %parallel_loop3A_748] {strides = array<i32>} : memref<3x200x128xf32, #tpu.memory_space<vmem>>, vector<1x1x16xf32>,
        %parallel_loop3A_750 = vector.shape_cast %parallel_loop3A_749 : vector<1x1x16xf32> to vector<16xf32>
        %parallel_loop3A_751 = vector.shape_cast %parallel_loop3A_744 : vector<16xf32> to vector<1x1x16xf32>
        tpu.vector_store %arg8[%parallel_loop3A_746, %parallel_loop3A_747, %parallel_loop3A_748], %parallel_loop3A_751 {strides = array<i32>} : memref<3x200x128xf32, #tpu.memory_space<vmem>>, vector<1x1x16xf32>,
      } {sc.loop_unroll_factor = 8 : i64, sc.parallel_access}
      %dma_wait3A_601 = arith.constant 0 : i32
      %dma_wait3A_602 = arith.constant 1 : i32
      %dma_wait3A_603 = arith.constant 0 : i32
      %dma_wait3A_604 = arith.constant 0 : i32
      %dma_wait3A_605 = tpu.memref_slice %arg6[%dma_wait3A_602, %dma_wait3A_603, %dma_wait3A_604] : memref<3x2x100xi32, #tpu.memory_space<vmem>> -> memref<1x2x100xi32, #tpu.memory_space<vmem>>
      %dma_wait3A_606 = tpu.memref_squeeze %dma_wait3A_605 : memref<1x2x100xi32, #tpu.memory_space<vmem>> -> memref<2x100xi32, #tpu.memory_space<vmem>>
      %dma_wait3A_607 = arith.constant 0 : i32
      %dma_wait3A_608 = arith.constant 0 : i32
      %dma_wait3A_609 = tpu.memref_slice %arg2[%dma_wait3A_601, %dma_wait3A_607, %dma_wait3A_608] : memref<4096x2x100xi32, #tpu.memory_space<hbm>> -> memref<1x2x100xi32, #tpu.memory_space<hbm>>
      %dma_wait3A_610 = tpu.memref_squeeze %dma_wait3A_609 : memref<1x2x100xi32, #tpu.memory_space<hbm>> -> memref<2x100xi32, #tpu.memory_space<hbm>>
      %dma_wait3A_611 = arith.constant 0 : i32
      %dma_wait3A_612 = arith.constant 0 : i32
      %dma_wait3A_613 = tpu.memref_slice %arg6[%dma_wait3A_602, %dma_wait3A_611, %dma_wait3A_612] : memref<3x2x100xi32, #tpu.memory_space<vmem>> -> memref<1x2x100xi32, #tpu.memory_space<vmem>>
      %dma_wait3A_614 = tpu.memref_squeeze %dma_wait3A_613 : memref<1x2x100xi32, #tpu.memory_space<vmem>> -> memref<2x100xi32, #tpu.memory_space<vmem>>
      %dma_wait3A_615 = arith.constant 0 : i32
      %dma_wait3A_616 = arith.constant 0 : i32
      %dma_wait3A_617 = tpu.memref_slice %arg2[%dma_wait3A_601, %dma_wait3A_615, %dma_wait3A_616] : memref<4096x2x100xi32, #tpu.memory_space<hbm>> -> memref<1x2x100xi32, #tpu.memory_space<hbm>>
      %dma_wait3A_618 = tpu.memref_squeeze %dma_wait3A_617 : memref<1x2x100xi32, #tpu.memory_space<hbm>> -> memref<2x100xi32, #tpu.memory_space<hbm>>
      tpu.wait_dma2 semaphore(%arg16 : memref<!tpu.dma_semaphore, #tpu.memory_space<semaphore_mem>>) src(%dma_wait3A_618 : memref<2x100xi32, #tpu.memory_space<hbm>>) dst(%dma_wait3A_614 : memref<2x100xi32, #tpu.memory_space<vmem>>)
      %add3A_619 = arith.constant 2 : i32
      %add3A_620 = arith.addi %add3A_536, %add3A_619 : i32
      %dma_start3A_621 = arith.constant 1 : i32
      %dma_start3A_622 = arith.constant 0 : i32
      %dma_start3A_623 = arith.constant 1 : i32
      %dma_start3A_624 = arith.constant 0 : i32
      %dma_start3A_625 = arith.constant 0 : i32
      %dma_start3A_626 = tpu.memref_slice %arg8[%dma_start3A_623, %dma_start3A_624, %dma_start3A_625] : memref<3x200x128xf32, #tpu.memory_space<vmem>> -> memref<1x100x128xf32, #tpu.memory_space<vmem>>
      %dma_start3A_627 = tpu.memref_squeeze %dma_start3A_626 : memref<1x100x128xf32, #tpu.memory_space<vmem>> -> memref<100x128xf32, #tpu.memory_space<vmem>>
      %dma_start3A_628 = arith.constant 0 : i32
      %dma_start3A_629 = tpu.memref_slice %arg6[%dma_start3A_621, %dma_start3A_622, %dma_start3A_628] : memref<3x2x100xi32, #tpu.memory_space<vmem>> -> memref<1x1x100xi32, #tpu.memory_space<vmem>>
      %dma_start3A_630 = tpu.memref_squeeze %dma_start3A_629 : memref<1x1x100xi32, #tpu.memory_space<vmem>> -> memref<100xi32, #tpu.memory_space<vmem>>
      %dma_start3A_631 = arith.constant 0 : i32
      %dma_start3A_632 = arith.constant 0 : i32
      %dma_start3A_633 = tpu.memref_slice %arg4[%dma_start3A_631, %dma_start3A_632] : memref<100000x128xf32, #tpu.memory_space<hbm>> -> memref<100000x128xf32, #tpu.memory_space<hbm>>
      tpu.enqueue_indirect_dma source(%dma_start3A_633 : memref<100000x128xf32, #tpu.memory_space<hbm>>) target(%dma_start3A_627 : memref<100x128xf32, #tpu.memory_space<vmem>>) offsets(%dma_start3A_630 : memref<100xi32, #tpu.memory_space<vmem>>) semaphore(%arg10 : memref<!tpu.dma_semaphore, #tpu.memory_space<semaphore_mem>>) {add = true}
      %dma_start3A_634 = arith.constant 1 : i32
      %dma_start3A_635 = arith.constant 1 : i32
      %dma_start3A_636 = arith.constant 1 : i32
      %dma_start3A_637 = arith.constant 100 : i32
      %dma_start3A_638 = arith.constant 0 : i32
      %dma_start3A_639 = tpu.memref_slice %arg8[%dma_start3A_636, %dma_start3A_637, %dma_start3A_638] : memref<3x200x128xf32, #tpu.memory_space<vmem>> -> memref<1x100x128xf32, #tpu.memory_space<vmem>>
      %dma_start3A_640 = tpu.memref_squeeze %dma_start3A_639 : memref<1x100x128xf32, #tpu.memory_space<vmem>> -> memref<100x128xf32, #tpu.memory_space<vmem>>
      %dma_start3A_641 = arith.constant 0 : i32
      %dma_start3A_642 = tpu.memref_slice %arg6[%dma_start3A_634, %dma_start3A_635, %dma_start3A_641] : memref<3x2x100xi32, #tpu.memory_space<vmem>> -> memref<1x1x100xi32, #tpu.memory_space<vmem>>
      %dma_start3A_643 = tpu.memref_squeeze %dma_start3A_642 : memref<1x1x100xi32, #tpu.memory_space<vmem>> -> memref<100xi32, #tpu.memory_space<vmem>>
      %dma_start3A_644 = arith.constant 0 : i32
      %dma_start3A_645 = arith.constant 0 : i32
      %dma_start3A_646 = tpu.memref_slice %arg4[%dma_start3A_644, %dma_start3A_645] : memref<100000x128xf32, #tpu.memory_space<hbm>> -> memref<100000x128xf32, #tpu.memory_space<hbm>>
      tpu.enqueue_indirect_dma source(%dma_start3A_646 : memref<100000x128xf32, #tpu.memory_space<hbm>>) target(%dma_start3A_640 : memref<100x128xf32, #tpu.memory_space<vmem>>) offsets(%dma_start3A_643 : memref<100xi32, #tpu.memory_space<vmem>>) semaphore(%arg10 : memref<!tpu.dma_semaphore, #tpu.memory_space<semaphore_mem>>) {add = true}
    }
    %scan3A_157 = arith.constant 42 : i32
    %dma_wait3A_158 = arith.constant 0 : i32
    %dma_wait3A_159 = arith.constant 0 : i32
    %dma_wait3A_160 = arith.constant 0 : i32
    %dma_wait3A_161 = arith.constant 0 : i32
    %dma_wait3A_162 = arith.constant 0 : i32
    %dma_wait3A_163 = tpu.memref_slice %arg8[%dma_wait3A_160, %dma_wait3A_161, %dma_wait3A_162] : memref<3x200x128xf32, #tpu.memory_space<vmem>> -> memref<1x100x128xf32, #tpu.memory_space<vmem>>
    %dma_wait3A_164 = tpu.memref_squeeze %dma_wait3A_163 : memref<1x100x128xf32, #tpu.memory_space<vmem>> -> memref<100x128xf32, #tpu.memory_space<vmem>>
    %dma_wait3A_165 = arith.constant 0 : i32
    %dma_wait3A_166 = tpu.memref_slice %arg6[%dma_wait3A_158, %dma_wait3A_159, %dma_wait3A_165] : memref<3x2x100xi32, #tpu.memory_space<vmem>> -> memref<1x1x100xi32, #tpu.memory_space<vmem>>
    %dma_wait3A_167 = tpu.memref_squeeze %dma_wait3A_166 : memref<1x1x100xi32, #tpu.memory_space<vmem>> -> memref<100xi32, #tpu.memory_space<vmem>>
    %dma_wait3A_168 = arith.constant 0 : i32
    %dma_wait3A_169 = arith.constant 0 : i32
    %dma_wait3A_170 = tpu.memref_slice %arg4[%dma_wait3A_168, %dma_wait3A_169] : memref<100000x128xf32, #tpu.memory_space<hbm>> -> memref<100000x128xf32, #tpu.memory_space<hbm>>
    tpu.wait_indirect_dma semaphore(%arg9 : memref<!tpu.dma_semaphore, #tpu.memory_space<semaphore_mem>>) src(%dma_wait3A_170 : memref<100000x128xf32, #tpu.memory_space<hbm>>) dst(%dma_wait3A_164 : memref<100x128xf32, #tpu.memory_space<vmem>>)
    %dma_wait3A_171 = arith.constant 0 : i32
    %dma_wait3A_172 = arith.constant 0 : i32
    %dma_wait3A_173 = arith.constant 0 : i32
    %dma_wait3A_174 = arith.constant 100 : i32
    %dma_wait3A_175 = arith.constant 0 : i32
    %dma_wait3A_176 = tpu.memref_slice %arg8[%dma_wait3A_173, %dma_wait3A_174, %dma_wait3A_175] : memref<3x200x128xf32, #tpu.memory_space<vmem>> -> memref<1x100x128xf32, #tpu.memory_space<vmem>>
    %dma_wait3A_177 = tpu.memref_squeeze %dma_wait3A_176 : memref<1x100x128xf32, #tpu.memory_space<vmem>> -> memref<100x128xf32, #tpu.memory_space<vmem>>
    %dma_wait3A_178 = arith.constant 0 : i32
    %dma_wait3A_179 = tpu.memref_slice %arg6[%dma_wait3A_171, %dma_wait3A_172, %dma_wait3A_178] : memref<3x2x100xi32, #tpu.memory_space<vmem>> -> memref<1x1x100xi32, #tpu.memory_space<vmem>>
    %dma_wait3A_180 = tpu.memref_squeeze %dma_wait3A_179 : memref<1x1x100xi32, #tpu.memory_space<vmem>> -> memref<100xi32, #tpu.memory_space<vmem>>
    %dma_wait3A_181 = arith.constant 0 : i32
    %dma_wait3A_182 = arith.constant 0 : i32
    %dma_wait3A_183 = tpu.memref_slice %arg4[%dma_wait3A_181, %dma_wait3A_182] : memref<100000x128xf32, #tpu.memory_space<hbm>> -> memref<100000x128xf32, #tpu.memory_space<hbm>>
    tpu.wait_indirect_dma semaphore(%arg9 : memref<!tpu.dma_semaphore, #tpu.memory_space<semaphore_mem>>) src(%dma_wait3A_183 : memref<100000x128xf32, #tpu.memory_space<hbm>>) dst(%dma_wait3A_177 : memref<100x128xf32, #tpu.memory_space<vmem>>)
    %add3A_184 = arith.constant 25200 : i32
    %add3A_185 = arith.addi %mul3A_4, %add3A_184 : i32
    %dma_start3A_186 = arith.constant 0 : i32
    %dma_start3A_187 = arith.constant 0 : i32
    %dma_start3A_188 = arith.constant 0 : i32
    %dma_start3A_189 = tpu.memref_slice %arg8[%dma_start3A_186, %dma_start3A_187, %dma_start3A_188] : memref<3x200x128xf32, #tpu.memory_space<vmem>> -> memref<1x200x128xf32, #tpu.memory_space<vmem>>
    %dma_start3A_190 = tpu.memref_squeeze %dma_start3A_189 : memref<1x200x128xf32, #tpu.memory_space<vmem>> -> memref<200x128xf32, #tpu.memory_space<vmem>>
    %dma_start3A_191 = arith.constant 0 : i32
    %dma_start3A_192 = tpu.memref_slice %arg5[%add3A_185, %dma_start3A_191] : memref<819200x128xf32, #tpu.memory_space<hbm>> -> memref<200x128xf32, #tpu.memory_space<hbm>>
    %dma_start3A_193 = arith.constant 0 : i32
    %dma_start3A_194 = tpu.memref_slice %arg5[%add3A_185, %dma_start3A_193] : memref<819200x128xf32, #tpu.memory_space<hbm>> -> memref<200x128xf32, #tpu.memory_space<hbm>>
    %dma_start3A_195 = arith.constant 0 : i32
    %dma_start3A_196 = arith.constant 0 : i32
    %dma_start3A_197 = tpu.memref_slice %arg8[%dma_start3A_186, %dma_start3A_195, %dma_start3A_196] : memref<3x200x128xf32, #tpu.memory_space<vmem>> -> memref<1x200x128xf32, #tpu.memory_space<vmem>>
    %dma_start3A_198 = tpu.memref_squeeze %dma_start3A_197 : memref<1x200x128xf32, #tpu.memory_space<vmem>> -> memref<200x128xf32, #tpu.memory_space<vmem>>
    tpu.enqueue_dma source(%dma_start3A_198 : memref<200x128xf32, #tpu.memory_space<vmem>>) target(%dma_start3A_194 : memref<200x128xf32, #tpu.memory_space<hbm>>) target_semaphore(%arg12 : memref<!tpu.dma_semaphore, #tpu.memory_space<semaphore_mem>>)
    %dma_wait3A_199 = arith.constant 2 : i32
    %dma_wait3A_200 = arith.constant 0 : i32
    %dma_wait3A_201 = arith.constant 0 : i32
    %dma_wait3A_202 = tpu.memref_slice %arg8[%dma_wait3A_199, %dma_wait3A_200, %dma_wait3A_201] : memref<3x200x128xf32, #tpu.memory_space<vmem>> -> memref<1x200x128xf32, #tpu.memory_space<vmem>>
    %dma_wait3A_203 = tpu.memref_squeeze %dma_wait3A_202 : memref<1x200x128xf32, #tpu.memory_space<vmem>> -> memref<200x128xf32, #tpu.memory_space<vmem>>
    %dma_wait3A_204 = arith.constant 0 : i32
    %dma_wait3A_205 = arith.constant 0 : i32
    %dma_wait3A_206 = tpu.memref_slice %arg5[%dma_wait3A_204, %dma_wait3A_205] : memref<819200x128xf32, #tpu.memory_space<hbm>> -> memref<200x128xf32, #tpu.memory_space<hbm>>
    %dma_wait3A_207 = arith.constant 0 : i32
    %dma_wait3A_208 = arith.constant 0 : i32
    %dma_wait3A_209 = tpu.memref_slice %arg5[%dma_wait3A_207, %dma_wait3A_208] : memref<819200x128xf32, #tpu.memory_space<hbm>> -> memref<200x128xf32, #tpu.memory_space<hbm>>
    %dma_wait3A_210 = arith.constant 0 : i32
    %dma_wait3A_211 = arith.constant 0 : i32
    %dma_wait3A_212 = tpu.memref_slice %arg8[%dma_wait3A_199, %dma_wait3A_210, %dma_wait3A_211] : memref<3x200x128xf32, #tpu.memory_space<vmem>> -> memref<1x200x128xf32, #tpu.memory_space<vmem>>
    %dma_wait3A_213 = tpu.memref_squeeze %dma_wait3A_212 : memref<1x200x128xf32, #tpu.memory_space<vmem>> -> memref<200x128xf32, #tpu.memory_space<vmem>>
    tpu.wait_dma2 semaphore(%arg14 : memref<!tpu.dma_semaphore, #tpu.memory_space<semaphore_mem>>) src(%dma_wait3A_213 : memref<200x128xf32, #tpu.memory_space<vmem>>) dst(%dma_wait3A_209 : memref<200x128xf32, #tpu.memory_space<hbm>>)
    %dma_wait3A_214 = arith.constant 0 : i32
    %dma_wait3A_215 = arith.constant 0 : i32
    %dma_wait3A_216 = arith.constant 1 : i32
    %dma_wait3A_217 = arith.constant 0 : i32
    %dma_wait3A_218 = arith.constant 0 : i32
    %dma_wait3A_219 = tpu.memref_slice %arg8[%dma_wait3A_216, %dma_wait3A_217, %dma_wait3A_218] : memref<3x200x128xf32, #tpu.memory_space<vmem>> -> memref<1x100x128xf32, #tpu.memory_space<vmem>>
    %dma_wait3A_220 = tpu.memref_squeeze %dma_wait3A_219 : memref<1x100x128xf32, #tpu.memory_space<vmem>> -> memref<100x128xf32, #tpu.memory_space<vmem>>
    %dma_wait3A_221 = arith.constant 0 : i32
    %dma_wait3A_222 = tpu.memref_slice %arg6[%dma_wait3A_214, %dma_wait3A_215, %dma_wait3A_221] : memref<3x2x100xi32, #tpu.memory_space<vmem>> -> memref<1x1x100xi32, #tpu.memory_space<vmem>>
    %dma_wait3A_223 = tpu.memref_squeeze %dma_wait3A_222 : memref<1x1x100xi32, #tpu.memory_space<vmem>> -> memref<100xi32, #tpu.memory_space<vmem>>
    %dma_wait3A_224 = arith.constant 0 : i32
    %dma_wait3A_225 = arith.constant 0 : i32
    %dma_wait3A_226 = tpu.memref_slice %arg4[%dma_wait3A_224, %dma_wait3A_225] : memref<100000x128xf32, #tpu.memory_space<hbm>> -> memref<100000x128xf32, #tpu.memory_space<hbm>>
    tpu.wait_indirect_dma semaphore(%arg10 : memref<!tpu.dma_semaphore, #tpu.memory_space<semaphore_mem>>) src(%dma_wait3A_226 : memref<100000x128xf32, #tpu.memory_space<hbm>>) dst(%dma_wait3A_220 : memref<100x128xf32, #tpu.memory_space<vmem>>)
    %dma_wait3A_227 = arith.constant 0 : i32
    %dma_wait3A_228 = arith.constant 0 : i32
    %dma_wait3A_229 = arith.constant 1 : i32
    %dma_wait3A_230 = arith.constant 100 : i32
    %dma_wait3A_231 = arith.constant 0 : i32
    %dma_wait3A_232 = tpu.memref_slice %arg8[%dma_wait3A_229, %dma_wait3A_230, %dma_wait3A_231] : memref<3x200x128xf32, #tpu.memory_space<vmem>> -> memref<1x100x128xf32, #tpu.memory_space<vmem>>
    %dma_wait3A_233 = tpu.memref_squeeze %dma_wait3A_232 : memref<1x100x128xf32, #tpu.memory_space<vmem>> -> memref<100x128xf32, #tpu.memory_space<vmem>>
    %dma_wait3A_234 = arith.constant 0 : i32
    %dma_wait3A_235 = tpu.memref_slice %arg6[%dma_wait3A_227, %dma_wait3A_228, %dma_wait3A_234] : memref<3x2x100xi32, #tpu.memory_space<vmem>> -> memref<1x1x100xi32, #tpu.memory_space<vmem>>
    %dma_wait3A_236 = tpu.memref_squeeze %dma_wait3A_235 : memref<1x1x100xi32, #tpu.memory_space<vmem>> -> memref<100xi32, #tpu.memory_space<vmem>>
    %dma_wait3A_237 = arith.constant 0 : i32
    %dma_wait3A_238 = arith.constant 0 : i32
    %dma_wait3A_239 = tpu.memref_slice %arg4[%dma_wait3A_237, %dma_wait3A_238] : memref<100000x128xf32, #tpu.memory_space<hbm>> -> memref<100000x128xf32, #tpu.memory_space<hbm>>
    tpu.wait_indirect_dma semaphore(%arg10 : memref<!tpu.dma_semaphore, #tpu.memory_space<semaphore_mem>>) src(%dma_wait3A_239 : memref<100000x128xf32, #tpu.memory_space<hbm>>) dst(%dma_wait3A_233 : memref<100x128xf32, #tpu.memory_space<vmem>>)
    %add3A_240 = arith.constant 25400 : i32
    %add3A_241 = arith.addi %mul3A_4, %add3A_240 : i32
    %dma_start3A_242 = arith.constant 1 : i32
    %dma_start3A_243 = arith.constant 0 : i32
    %dma_start3A_244 = arith.constant 0 : i32
    %dma_start3A_245 = tpu.memref_slice %arg8[%dma_start3A_242, %dma_start3A_243, %dma_start3A_244] : memref<3x200x128xf32, #tpu.memory_space<vmem>> -> memref<1x200x128xf32, #tpu.memory_space<vmem>>
    %dma_start3A_246 = tpu.memref_squeeze %dma_start3A_245 : memref<1x200x128xf32, #tpu.memory_space<vmem>> -> memref<200x128xf32, #tpu.memory_space<vmem>>
    %dma_start3A_247 = arith.constant 0 : i32
    %dma_start3A_248 = tpu.memref_slice %arg5[%add3A_241, %dma_start3A_247] : memref<819200x128xf32, #tpu.memory_space<hbm>> -> memref<200x128xf32, #tpu.memory_space<hbm>>
    %dma_start3A_249 = arith.constant 0 : i32
    %dma_start3A_250 = tpu.memref_slice %arg5[%add3A_241, %dma_start3A_249] : memref<819200x128xf32, #tpu.memory_space<hbm>> -> memref<200x128xf32, #tpu.memory_space<hbm>>
    %dma_start3A_251 = arith.constant 0 : i32
    %dma_start3A_252 = arith.constant 0 : i32
    %dma_start3A_253 = tpu.memref_slice %arg8[%dma_start3A_242, %dma_start3A_251, %dma_start3A_252] : memref<3x200x128xf32, #tpu.memory_space<vmem>> -> memref<1x200x128xf32, #tpu.memory_space<vmem>>
    %dma_start3A_254 = tpu.memref_squeeze %dma_start3A_253 : memref<1x200x128xf32, #tpu.memory_space<vmem>> -> memref<200x128xf32, #tpu.memory_space<vmem>>
    tpu.enqueue_dma source(%dma_start3A_254 : memref<200x128xf32, #tpu.memory_space<vmem>>) target(%dma_start3A_250 : memref<200x128xf32, #tpu.memory_space<hbm>>) target_semaphore(%arg13 : memref<!tpu.dma_semaphore, #tpu.memory_space<semaphore_mem>>)
    %dma_wait3A_255 = arith.constant 0 : i32
    %dma_wait3A_256 = arith.constant 0 : i32
    %dma_wait3A_257 = arith.constant 0 : i32
    %dma_wait3A_258 = tpu.memref_slice %arg8[%dma_wait3A_255, %dma_wait3A_256, %dma_wait3A_257] : memref<3x200x128xf32, #tpu.memory_space<vmem>> -> memref<1x200x128xf32, #tpu.memory_space<vmem>>
    %dma_wait3A_259 = tpu.memref_squeeze %dma_wait3A_258 : memref<1x200x128xf32, #tpu.memory_space<vmem>> -> memref<200x128xf32, #tpu.memory_space<vmem>>
    %dma_wait3A_260 = arith.constant 0 : i32
    %dma_wait3A_261 = arith.constant 0 : i32
    %dma_wait3A_262 = tpu.memref_slice %arg5[%dma_wait3A_260, %dma_wait3A_261] : memref<819200x128xf32, #tpu.memory_space<hbm>> -> memref<200x128xf32, #tpu.memory_space<hbm>>
    %dma_wait3A_263 = arith.constant 0 : i32
    %dma_wait3A_264 = arith.constant 0 : i32
    %dma_wait3A_265 = tpu.memref_slice %arg5[%dma_wait3A_263, %dma_wait3A_264] : memref<819200x128xf32, #tpu.memory_space<hbm>> -> memref<200x128xf32, #tpu.memory_space<hbm>>
    %dma_wait3A_266 = arith.constant 0 : i32
    %dma_wait3A_267 = arith.constant 0 : i32
    %dma_wait3A_268 = tpu.memref_slice %arg8[%dma_wait3A_255, %dma_wait3A_266, %dma_wait3A_267] : memref<3x200x128xf32, #tpu.memory_space<vmem>> -> memref<1x200x128xf32, #tpu.memory_space<vmem>>
    %dma_wait3A_269 = tpu.memref_squeeze %dma_wait3A_268 : memref<1x200x128xf32, #tpu.memory_space<vmem>> -> memref<200x128xf32, #tpu.memory_space<vmem>>
    tpu.wait_dma2 semaphore(%arg12 : memref<!tpu.dma_semaphore, #tpu.memory_space<semaphore_mem>>) src(%dma_wait3A_269 : memref<200x128xf32, #tpu.memory_space<vmem>>) dst(%dma_wait3A_265 : memref<200x128xf32, #tpu.memory_space<hbm>>)
    %dma_wait3A_270 = arith.constant 1 : i32
    %dma_wait3A_271 = arith.constant 0 : i32
    %dma_wait3A_272 = arith.constant 0 : i32
    %dma_wait3A_273 = tpu.memref_slice %arg8[%dma_wait3A_270, %dma_wait3A_271, %dma_wait3A_272] : memref<3x200x128xf32, #tpu.memory_space<vmem>> -> memref<1x200x128xf32, #tpu.memory_space<vmem>>
    %dma_wait3A_274 = tpu.memref_squeeze %dma_wait3A_273 : memref<1x200x128xf32, #tpu.memory_space<vmem>> -> memref<200x128xf32, #tpu.memory_space<vmem>>
    %dma_wait3A_275 = arith.constant 0 : i32
    %dma_wait3A_276 = arith.constant 0 : i32
    %dma_wait3A_277 = tpu.memref_slice %arg5[%dma_wait3A_275, %dma_wait3A_276] : memref<819200x128xf32, #tpu.memory_space<hbm>> -> memref<200x128xf32, #tpu.memory_space<hbm>>
    %dma_wait3A_278 = arith.constant 0 : i32
    %dma_wait3A_279 = arith.constant 0 : i32
    %dma_wait3A_280 = tpu.memref_slice %arg5[%dma_wait3A_278, %dma_wait3A_279] : memref<819200x128xf32, #tpu.memory_space<hbm>> -> memref<200x128xf32, #tpu.memory_space<hbm>>
    %dma_wait3A_281 = arith.constant 0 : i32
    %dma_wait3A_282 = arith.constant 0 : i32
    %dma_wait3A_283 = tpu.memref_slice %arg8[%dma_wait3A_270, %dma_wait3A_281, %dma_wait3A_282] : memref<3x200x128xf32, #tpu.memory_space<vmem>> -> memref<1x200x128xf32, #tpu.memory_space<vmem>>
    %dma_wait3A_284 = tpu.memref_squeeze %dma_wait3A_283 : memref<1x200x128xf32, #tpu.memory_space<vmem>> -> memref<200x128xf32, #tpu.memory_space<vmem>>
    tpu.wait_dma2 semaphore(%arg13 : memref<!tpu.dma_semaphore, #tpu.memory_space<semaphore_mem>>) src(%dma_wait3A_284 : memref<200x128xf32, #tpu.memory_space<vmem>>) dst(%dma_wait3A_280 : memref<200x128xf32, #tpu.memory_space<hbm>>)
    return
  }
}

</mosaic_0001>

<sc_bundles>
// kernel: kernel.3.cloned.1.call-start
scs
__scs_entry_jumppad:
0x0: {  	(pc) =	sbr.rel $0x88, $3  }
0x1: {  	(tag) =	ssettag $0x0;
	lr =	simm.s32 $0x1  }
0x2: {  	[smem:$0x3F9E] =	sst lr;
	_ =	strace $0xD0000000  }
0x3: {  	_ = 	snop  }
0x4: {  	_ = 	snop  }
0x5: {  	_ = 	snop  }
0x6: {  	_ = 	snop  }
0x7: {  	_ = 	snop  }
__scs_overlays_trampoline_lowered:
0x8: {  	[smem:$0x3FAD] =	sst s0  }
0x9: {  	[smem:$0x3FAE] =	sst s1  }
0xa: {  	[smem:$0x3FAF] =	sst s2  }
0xb: {  	[smem:$0x3FB0] =	sst s3  }
0xc: {  	[smem:$0x3FB1] =	sst s4  }
0xd: {  	[smem:$0x3FB2] =	sst s5  }
0xe: {  	[smem:$0x3FB3] =	sst s6  }
0xf: {  	[smem:$0x3FB4] =	sst s7  }
0x10: {  	[smem:$0x3FB5] =	sst s8  }
0x11: {  	[smem:$0x3FB6] =	sst s9;
	s0 =	simm.s32 @!p0 $0x0  }
0x12: {  	s1 =	sld [smem:$0x3F9C];
	s0 =	simm.s32 @p0 $0x1  }
0x13: {  	[smem:$0x3FB7] =	sst s0;
	s0 =	simm.s32 @!p1 $0x0  }
0x14: {  	s2 =	sld [smem:$0x3F9B];
	s0 =	simm.s32 @p1 $0x1  }
0x15: {  	[smem:$0x3FB8] =	sst s0;
	s0 =	simm.s32 @!p2 $0x0  }
0x16: {  	s3 =	sld [smem:$0x3FDB];
	s0 =	simm.s32 @p2 $0x1  }
0x17: {  	s4 =	simm.s32 $0x1BF5;
	[smem:$0x3FBA] =	sst s0  }
0x18: {  	s0 =	sld [smem:$0x3F9D];
	_ =	swait.ge [sflag:s4], $0x0  }
0x19: {  	s7 =	sld [smem:$0x3F9E]  }
0x1a: {  	s8 =	sadd.s32 $0xFFFFE003, lr  }
0x1b: {  	s9 =	sadd.s32 $0xFFFFFEF7, lr;
	s5 =	simm.s32 $0xFFFFFFFF;
	p2 =	slt.u32 s8, $0xFFFFF086  }
0x1c: {  	p1 =	slt.u32 s9, $0xF7A;
	s5 =	simm.s32 @!p2 $0x0  }
0x1d: {  	s5 =	simm.s32 @p1 $0x1;
	p0 =	seq.s32 s7, s2  }
0x1e: {  	s7 =	smul.u32 @!p0 $0xF7A, s2;
	p2 =	seq.s32 @!p0 s5, $0x0  }
0x1f: {  	s9 =	smul.u32 $0xF7A, s1;
	s8 =	simm.s32 @!p0 $0x1BF5;
	p2 =	por !p2, p0  }
0x20: {  	[sflag:s8] =	ssyncset.s32 @!p0 $0xFFFFF086;
	s6 =	sadd.s32 @!p0 s3, s7;
	s7 =	simm.s32 @!p0 $0x108  }
0x21: {  	s3 =	sadd.s32 s3, s9;
	s6 =	sadd.s32 @!p0 $0x88, s6;
	s7 =	simm.s32 @p2 $0x1082  }
0x22: {  	[simem:s7], [sflag:s8] =	dma.local @!p0 [hbm:s6], $0xF7A  }
0x23: {  	s9 =	sor.u32 $0xD0000000, s2;
	s6 =	simm.s32 $0x108;
	_ =	swait.ge @!p0 [sflag:s8], $0x0  }
0x24: {  	s3 =	sadd.s32 $0x88, s3;
	s6 =	simm.s32 @!p1 $0x1082;
	[sflag:s4] =	ssyncset.s32 $0xFFFFF086  }
0x25: {  	[simem:s6], [sflag:s4] =	dma.local [hbm:s3], $0xF7A  }
0x26: {  	[smem:$0x3F9E] =	sst s1;
	(tag) =	ssettag s2;
	_ =	strace s9  }
0x27: {  	s1 =	sld [smem:$0x3FAE]  }
0x28: {  	s2 =	sld [smem:$0x3FAF]  }
0x29: {  	s4 =	sld [smem:$0x3FB1]  }
0x2a: {  	p0 =	seq.s32 s5, $0x0;
	s5 =	sld [smem:$0x3FB2]  }
0x2b: {  	s6 =	sld [smem:$0x3FB3]  }
0x2c: {  	s7 =	sld [smem:$0x3FB4]  }
0x2d: {  	s3 =	simm.s32 $0x108;
	s8 =	sld [smem:$0x3FB5]  }
0x2e: {  	s3 =	simm.s32 @!p0 $0x1082;
	s9 =	sld [smem:$0x3FB6]  }
0x2f: {  	lr =	sadd.s32 s0, s3;
	s0 =	sld [smem:$0x3FAD]  }
0x30: {  	s3 =	sld [smem:$0x3FB0]  }
0x31: {  	[smem:$0x3FB9] =	sst s10  }
0x32: {  	s10 =	sld [smem:$0x3FB7];
	_ =	sdelay $0x3  }
0x33: {  	p0 =	seq.s32 s10, $0x1;
	s10 =	sld [smem:$0x3FB9];
	_ =	sdelay $0x3  }
0x34: {  	[smem:$0x3FB9] =	sst s10  }
0x35: {  	s10 =	sld [smem:$0x3FB8];
	_ =	sdelay $0x3  }
0x36: {  	p1 =	seq.s32 s10, $0x1;
	s10 =	sld [smem:$0x3FB9];
	_ =	sdelay $0x3  }
0x37: {  	[smem:$0x3FB9] =	sst s10  }
0x38: {  	s10 =	sld [smem:$0x3FBA]  }
0x39: {  	_ = 	snop;
	(pc) =	sbr.ind lr, $3  }
0x3a: {  	_ = 	snop  }
0x3b: {  	_ = 	snop  }
0x3c: {  	p2 =	seq.s32 s10, $0x1;
	s10 =	sld [smem:$0x3FB9]  }
0x3d: {  	_ =	shalt  }
0x3e: {  	_ =	shalt  }
0x3f: {  	_ =	shalt  }
0x40: {  	_ =	shalt  }
0x41: {  	_ =	shalt  }
0x42: {  	_ =	shalt  }
0x43: {  	_ =	shalt  }
0x44: {  	_ =	shalt  }
0x45: {  	_ =	shalt  }
0x46: {  	_ =	shalt  }
0x47: {  	_ =	shalt  }
0x48: {  	_ =	shalt  }
0x49: {  	_ =	shalt  }
0x4a: {  	_ =	shalt  }
0x4b: {  	_ =	shalt  }
0x4c: {  	_ =	shalt  }
0x4d: {  	_ =	shalt  }
0x4e: {  	_ =	shalt  }
0x4f: {  	_ =	shalt  }
0x50: {  	_ =	shalt  }
0x51: {  	_ =	shalt  }
0x52: {  	_ =	shalt  }
0x53: {  	_ =	shalt  }
0x54: {  	_ =	shalt  }
0x55: {  	_ =	shalt  }
0x56: {  	_ =	shalt  }
0x57: {  	_ =	shalt  }
0x58: {  	_ =	shalt  }
0x59: {  	_ =	shalt  }
0x5a: {  	_ =	shalt  }
0x5b: {  	_ =	shalt  }
0x5c: {  	_ =	shalt  }
0x5d: {  	_ =	shalt  }
0x5e: {  	_ =	shalt  }
0x5f: {  	_ =	shalt  }
0x60: {  	_ =	shalt  }
0x61: {  	_ =	shalt  }
0x62: {  	_ =	shalt  }
0x63: {  	_ =	shalt  }
0x64: {  	_ =	shalt  }
0x65: {  	_ =	shalt  }
0x66: {  	_ =	shalt  }
0x67: {  	_ =	shalt  }
0x68: {  	_ =	shalt  }
0x69: {  	_ =	shalt  }
0x6a: {  	_ =	shalt  }
0x6b: {  	_ =	shalt  }
0x6c: {  	_ =	shalt  }
0x6d: {  	_ =	shalt  }
0x6e: {  	_ =	shalt  }
0x6f: {  	_ =	shalt  }
0x70: {  	_ =	shalt  }
0x71: {  	_ =	shalt  }
0x72: {  	_ =	shalt  }
0x73: {  	_ =	shalt  }
0x74: {  	_ =	shalt  }
0x75: {  	_ =	shalt  }
0x76: {  	_ =	shalt  }
0x77: {  	_ =	shalt  }
0x78: {  	_ =	shalt  }
0x79: {  	_ =	shalt  }
0x7a: {  	_ =	shalt  }
0x7b: {  	_ =	shalt  }
0x7c: {  	_ =	shalt  }
0x7d: {  	_ =	shalt  }
0x7e: {  	_ =	shalt  }
0x7f: {  	_ =	shalt  }
0x80: {  	_ =	shalt  }
0x81: {  	_ =	shalt  }
0x82: {  	_ =	shalt  }
0x83: {  	_ =	shalt  }
0x84: {  	_ =	shalt  }
0x85: {  	_ =	shalt  }
0x86: {  	_ =	shalt  }
0x87: {  	_ =	shalt  }
.Lfunc_end0:
.L_simem_size_0:
called_computation_lowered:
.L_overlay_start_0:
0x88: {  	s2 =	sld [smem:$0x3FD9]  }
0x89: {  	s3 =	sld [smem:$0x3FFE];
	_ =	sdelay $0x1  }
0x8a: {  	s1 =	srdreg.scid  }
0x8b: {  	s0 =	sand.u32 $0x1, s1  }
0x8c: {  	s17 =	sshll.u32 s0, $0xA;
	s2 =	sadd.s32 s3, s2  }
0x8d: {  	s2 =	sadd.s32 s2, s17  }
0x8e: {  	[smem:$0x3FC5] =	sst s2  }
0x8f: {  	_ = 	snop  }
0x90: {  	s2 =	sld [smem:$0x3FC8]  }
0x91: {  	s18 =	sld [smem:$0x3FC7]  }
0x92: {  	s4 =	sld [smem:$0x3FD0];
	(tm) =	ssettm $0x1  }
0x93: {  	s5 =	sld [smem:$0x3FFB];
	_ =	sdelay $0x3  }
0x94: {  	_ =	strace s5  }
0x95: {  	s5 =	sld [smem:$0x3FFC];
	_ =	sdelay $0x3  }
0x96: {  	_ =	strace s5  }
0x97: {  	s5 =	sld [smem:$0x3FFD];
	_ =	sdelay $0x3  }
0x98: {  	_ =	strace s5  }
0x99: {  	_ =	strace $0x8FFFFFFF  }
0x9a: {  	s19 =	sld [smem:$0x3FDB];
	_ =	sdelay $0x1  }
0x9b: {  	s6 =	simm.s32 $_scs_section_size  }
0x9c: {  	s7 =	simm.s32 $_size__tile_overlayer_lowered;
	s8 =	simm.s32 $_tile_overlayer_lowered  }
0x9d: {  	s22 =	simm.s32 $0x1BFF;
	s21 =	sshll.u32 s8, $0x1;
	s5 =	sadd.s32 s6, s19  }
0x9e: {  	s9 =	simm.s32 $0x0;
	s20 =	sshll.u32 s7, $0x1;
	s7 =	sadd.s32 s21, s5  }
0x9f: {  	[timem:s9], [sflag:s22] =	dma.local [hbm:s7], s20  }
0xa0: {  	_ =	swait.ge [sflag:s22], s20  }
0xa1: {  	s6 =	ssub.s32 $0x0, s20;
	[sflag:s22] =	ssyncset.done $0x0  }
0xa2: {  	[sflag:s22] =	ssyncadd.s32 s6;
	_ =	sdelay $0x1  }
0xa3: {  	s23 =	simm.s32 $0x1B8B  }
0xa4: {  	_ =	swait.ge [sflag:s23], $0x1  }
0xa5: {  	[sflag:s23] =	ssyncset.done $0x0  }
0xa6: {  	s25 =	simm.s32 $0x1B8E;
	s24 =	sld [smem:$0x3FFE];
	[sflag:s23] =	ssyncadd.s32 $0xFFFFFFFF  }
0xa7: {  	s26 =	simm.s32 $execute0_lowered;
	[smem:$0x3FD2] =	sst s25  }
0xa8: {  	s7 =	sshll.u32 s26, $0x1;
	_ =	strace $0x80000046;
	[dreg:$0x1] =	wrdreg $0xFFFFFFFF  }
0xa9: {  	s28 =	simm.s32 $_size_execute0_lowered;
	s5 =	sadd.s32 s5, s7;
	[dreg:$0x0] =	wrdreg $0x0  }
0xaa: {  	s7 =	sshll.u32 s28, $0x1;
	[dreg:$0x2] =	wrdreg s5  }
0xab: {  	[dreg:$0x3] =	wrdreg s7  }
0xac: {  	[dreg:$0x4] =	wrdreg $0xC0  }
0xad: {  	_ =	task [dreg:s9], $0x5FFFF  }
0xae: {  	[dreg:$0x1] =	wrdreg $0xFFFFFFFF  }
0xaf: {  	[dreg:$0x0] =	wrdreg $0x60  }
0xb0: {  	[dreg:$0x2] =	wrdreg s24  }
0xb1: {  	[dreg:$0x3] =	wrdreg s18  }
0xb2: {  	[dreg:$0x4] =	wrdreg s2  }
0xb3: {  	[dreg:$0x5] =	wrdreg s4  }
0xb4: {  	[dreg:$0x6] =	wrdreg $0x9  }
0xb5: {  	_ =	task.clear_ibuf [dreg:s9], $0x7FFFF;
	_ =	strace $0x90000046  }
0xb6: {  	s29 =	simm.s32 $0x9;
	_ =	strace $0x80000048  }
0xb7: {  	_ =	swait.ge [sflag:s29], $0x1  }
0xb8: {  	[sflag:s29] =	ssyncadd.s32 $0xFFFFFFFF  }
0xb9: {  	_ =	strace $0x90000048  }
0xba: {  	_ =	sfence  }
0xbb: {  	s30 =	sld [smem:$0x0];
	_ =	sdelay $0x2  }
0xbc: {  	s31 =	sshll.u32 s1, $0xD;
	s1 =	sshrl.u32 s1, $0x2  }
0xbd: {  	s3 =	sand.u32 $0x4000, s31;
	s1 =	sadd.s32 s1, s30  }
0xbe: {  	s0 =	sor.u32 s3, s0;
	s1 =	sshll.u32 s1, $0x11  }
0xbf: {  	s0 =	sor.u32 s1, s0  }
0xc0: {  	s0 =	sadd.s32 $0x8F2B, s0  }
0xc1: {  	[sflag:s0] =	ssyncadd.remote.s32 $0x1  }
0xc2: {  	_ =	sfence.sel $0xFFFF  }
0xc3: {  	[dreg:$0x0] =	wrdreg $0xFFFFFFFF;
	(pc) =	sbr.abs _section_cstart, $3  }
0xc4: {  	[dreg:$0x1] =	wrdreg $0xFFFFFFFF  }
0xc5: {  	_ =	task.clear_ibuf [dreg:s9], $0x2FFFF;
	_ =	strace $0x9FFFFFFF  }
0xc6: {  	(tm) =	ssettm $0x7FFFFFFF  }
0xc7: {  	_ =	shalt  }
tec
execute0_lowered:
.L_overlay_start_1:
0x0: {  	(tag) =	ssettag $0x1  }
0x1: {  	s0 =	rddreg [dreg:$0x0]  }
0x2: {  	s2 =	rddreg [dreg:$0x2]  }
0x3: {  	s3 =	rddreg [dreg:$0x3];
	s5 =	simm.s32 $0x0;
	s1 =	srdreg.scid  }
0x4: {  	s6 =	stileid.u32;
	s21 =	simm.s32 $0x100;
	s23 =	simm.s32 $0x7  }
0x5: {  	s24 =	simm.s32 $0x64;
	s25 =	simm.s32 $0x6B00;
	s29 =	simm.s32 $0x8  }
0x6: {  	s30 =	simm.s32 $0xCF00;
	s19 =	simm.s32 $0x13300;
	s16 =	simm.s32 $0x2  }
0x7: {  	s17 =	simm.s32 $0x4;
	s18 =	simm.s32 $0x3;
	s10 =	simm.s32 $0x0  }
0x8: {  	[smem:$0x7FF] =	sst s5;
	s1 =	sand.u32 $0x1, s1;
	s7 =	sshll.u32 s6, $0x1  }
0x9: {  	s6 =	sadd.s32 $0x400, s0;
	s4 =	ssub.s32 $0x2, s1;
	s1 =	sor.u32 s1, s7  }
0xa: {  	_ =	strace $0x80000047;
	s26 =	sshrl.u32 s4, $0x1;
	s7 =	smul.u32 $0x6400, s1  }
0xb: {  	s28 =	sshll.u32 s1, $0xC;
	s8 =	sshll.u32 s1, $0x7;
	s1 =	smul.u32 $0x320000, s1  }
0xc: {  	s0 =	ssub.s32 s4, s26;
	s4 =	sadd.s32 s6, s28;
	s11 =	sor.u32 $0x3, s8  }
0xd: {  	s12 =	sor.u32 $0x4, s8;
	s14 =	sor.u32 $0x5, s8;
	s8 =	simm.s32 $0x5  }
0xe: {  	s9 =	sadd.s32 $0x20, s4;
	[dreg:$0x5] =	wrdreg s4;
	s4 =	sadd.s32 $0x40, s4  }
0xf: {  	s13 =	sor.u32 $0xC8, s7;
	s1 =	sshrl.u32 s1, $0x3;
	[dreg:$0x6] =	wrdreg s9  }
0x10: {  	s0 =	smax.u32 s0, $0x1;
	[dreg:$0x7] =	wrdreg s4;
	s1 =	sadd.s32 s3, s1  }
0x11: {  	s15 =	sor.u32 $0x190, s7;
	[dreg:$0xa] =	wrdreg s0;
	s31 =	sadd.s32 $0x62700, s1  }
0x12: {  	s0 =	simm.s32 $0x10100;
	s1 =	sadd.s32 $0x63380, s1;
	[dreg:$0x8] =	wrdreg s31  }
0x13: {  	s4 =	simm.s32 $0x1;
	[dreg:$0x9] =	wrdreg s1;
	s1 =	simm.s32 $0x9  }
.LBB2_1:
0x14: {  	[dreg:$0xb] =	wrdreg s10  }
0x15: {  	s9 =	rddreg [dreg:$0x1];
	s31 =	simm.s32 $0x300;
	s20 =	simm.s32 $0xA  }
0x16: {  	[tilespmem:s31], [sflag:$0xA] =	stream.linear.gather [hbm4b:s9+s5], $0x6800, $0x38;
	[tilespmem:$0x19700] =	vst v63  }
0x17: {  	_ =	swait.ge [sflag:s20], $0x6800  }
0x18: {  	[sflag:s20] =	ssyncset.done $0x0  }
0x19: {  	s22 =	rddreg [dreg:$0x5];
	[sflag:s20] =	ssyncadd.s32 $0xFFFF9800  }
0x1a: {  	[tilespmem:s5], [sflag:$0x7] =	stream.linear.gather [hbm4b:s22+s5], $0x100, $0x38;
	[tilespmem:$0x19700] =	vst v63  }
0x1b: {  	s26 =	rddreg [dreg:$0x6]  }
0x1c: {  	[tilespmem:s21], [sflag:$0x8] =	stream.linear.gather [hbm4b:s26+s5], $0x100, $0x38;
	[tilespmem:$0x19700] =	vst v63  }
0x1d: {  	s31 =	simm.s32 $0x200;
	s28 =	rddreg [dreg:$0x7]  }
0x1e: {  	[tilespmem:s31], [sflag:$0x9] =	stream.linear.gather [hbm4b:s28+s5], $0x100, $0x38;
	[tilespmem:$0x19700] =	vst v63  }
0x1f: {  	_ =	swait.ge [sflag:s23], $0x100  }
0x20: {  	[sflag:s23] =	ssyncset.done $0x0  }
0x21: {  	s20 =	simm.s32 $0x540;
	[sflag:s23] =	ssyncadd.s32 $0xFFFFFF00  }
0x22: {  	v0 =	vld [tilespmem:s20+$0x1C0]  }
0x23: {  	v1 =	vld [tilespmem:s20+$0xFFFFFEC0]  }
0x24: {  	v2 =	vld [tilespmem:s20+$0xFFFFFF40]  }
0x25: {  	v3 =	vld [tilespmem:s20+$0xFFFFFFC0]  }
0x26: {  	s9 =	simm.s32 $0x6D00;
	v4 =	vld [tilespmem:s20+$0x40]  }
0x27: {  	v5 =	vld [tilespmem:s20+$0xC0];
	[tilespmem:s9+$0x180] =	vst v0  }
0x28: {  	[tilespmem:s9+$0xFFFFFE80] =	vst v1;
	v1 =	vld [tilespmem:s20+$0x140]  }
0x29: {  	[tilespmem:s9+$0xFFFFFF00] =	vst v2;
	v2 =	vld [tilespmem:s20+$0xFFFFFE40]  }
0x2a: {  	[tilespmem:s9+$0xFFFFFF80] =	vst v3;
	v0 =	vld [tilespmem:s20+$0x1D0]  }
0x2b: {  	[tilespmem:s9+$0x0] =	vst v4;
	v3 =	vld [tilespmem:s20+$0xFFFFFED0]  }
0x2c: {  	[tilespmem:s9+$0x80] =	vst v5;
	v4 =	vld [tilespmem:s20+$0xFFFFFF50]  }
0x2d: {  	v5 =	vld [tilespmem:s20+$0xFFFFFFD0];
	[tilespmem:s9+$0x100] =	vst v1  }
0x2e: {  	[tilespmem:s9+$0xFFFFFE00] =	vst v2;
	v1 =	vld [tilespmem:s20+$0x50]  }
0x2f: {  	[tilespmem:s9+$0x190] =	vst v0;
	v2 =	vld [tilespmem:s20+$0xFFFFFE50]  }
0x30: {  	[tilespmem:s9+$0xFFFFFE90] =	vst v3;
	v3 =	vld [tilespmem:s20+$0xD0]  }
0x31: {  	[tilespmem:s9+$0xFFFFFF10] =	vst v4;
	v0 =	vld [tilespmem:s20+$0x1E0]  }
0x32: {  	[tilespmem:s9+$0xFFFFFF90] =	vst v5;
	v4 =	vld [tilespmem:s20+$0x150]  }
0x33: {  	v5 =	vld [tilespmem:s20+$0xFFFFFEE0];
	[tilespmem:s9+$0x10] =	vst v1  }
0x34: {  	v1 =	vld [tilespmem:s20+$0xFFFFFF60];
	[tilespmem:s9+$0xFFFFFE10] =	vst v2  }
0x35: {  	[tilespmem:s9+$0x90] =	vst v3;
	v3 =	vld [tilespmem:s20+$0xFFFFFFE0]  }
0x36: {  	[tilespmem:s9+$0x1A0] =	vst v0;
	v2 =	vld [tilespmem:s20+$0xFFFFFE60]  }
0x37: {  	[tilespmem:s9+$0x110] =	vst v4;
	v0 =	vld [tilespmem:s20+$0x1F0]  }
0x38: {  	v4 =	vld [tilespmem:s20+$0x60];
	[tilespmem:s9+$0xFFFFFEA0] =	vst v5  }
0x39: {  	v5 =	vld [tilespmem:s20+$0xE0];
	[tilespmem:s9+$0xFFFFFF20] =	vst v1  }
0x3a: {  	v1 =	vld [tilespmem:s20+$0x160];
	[tilespmem:s9+$0xFFFFFFA0] =	vst v3  }
0x3b: {  	v3 =	vld [tilespmem:s20+$0xFFFFFEF0];
	[tilespmem:s9+$0xFFFFFE20] =	vst v2  }
0x3c: {  	[tilespmem:s9+$0x1B0] =	vst v0;
	v2 =	vld [tilespmem:s20+$0xFFFFFE70]  }
0x3d: {  	[tilespmem:s9+$0x20] =	vst v4;
	v0 =	vld [tilespmem:s20+$0x200]  }
0x3e: {  	v4 =	vld [tilespmem:s20+$0xFFFFFF70];
	[tilespmem:s9+$0xA0] =	vst v5  }
0x3f: {  	v5 =	vld [tilespmem:s20+$0xFFFFFFF0];
	[tilespmem:s9+$0x120] =	vst v1  }
0x40: {  	v1 =	vld [tilespmem:s20+$0x70];
	[tilespmem:s9+$0xFFFFFEB0] =	vst v3  }
0x41: {  	v3 =	vld [tilespmem:s20+$0x170];
	[tilespmem:s9+$0xFFFFFE30] =	vst v2  }
0x42: {  	v2 =	vld [tilespmem:s20+$0xF0];
	[tilespmem:s9+$0x1C0] =	vst v0  }
0x43: {  	[tilespmem:s9+$0xFFFFFF30] =	vst v4;
	v0 =	vld [tilespmem:s20+$0x210]  }
0x44: {  	[tilespmem:s9+$0xFFFFFFB0] =	vst v5;
	v5 =	vld [tilespmem:s20+$0xFFFFFF00]  }
0x45: {  	v4 =	vld [tilespmem:s20+$0xFFFFFE80];
	[tilespmem:s9+$0x30] =	vst v1  }
0x46: {  	v1 =	vld [tilespmem:s20+$0xFFFFFF80];
	[tilespmem:s9+$0x130] =	vst v3  }
0x47: {  	v3 =	vld [tilespmem:s20+$0x80];
	[tilespmem:s9+$0xB0] =	vst v2  }
0x48: {  	v2 =	vld [tilespmem:s20+$0x0];
	[tilespmem:s9+$0x1D0] =	vst v0  }
0x49: {  	[tilespmem:s9+$0xFFFFFEC0] =	vst v5;
	v0 =	vld [tilespmem:s20+$0x220]  }
0x4a: {  	v5 =	vld [tilespmem:s20+$0x180];
	[tilespmem:s9+$0xFFFFFE40] =	vst v4  }
0x4b: {  	v4 =	vld [tilespmem:s20+$0x100];
	[tilespmem:s9+$0xFFFFFF40] =	vst v1  }
0x4c: {  	v1 =	vld [tilespmem:s20+$0xFFFFFE90];
	[tilespmem:s9+$0x40] =	vst v3  }
0x4d: {  	[tilespmem:s9+$0xFFFFFFC0] =	vst v2;
	v2 =	vld [tilespmem:s20+$0xFFFFFF10]  }
0x4e: {  	v3 =	vld [tilespmem:s20+$0xFFFFFF90];
	[tilespmem:s9+$0x1E0] =	vst v0  }
0x4f: {  	[tilespmem:s9+$0x140] =	vst v5;
	v0 =	vld [tilespmem:s20+$0x230]  }
0x50: {  	v5 =	vld [tilespmem:s20+$0x90];
	[tilespmem:s9+$0xC0] =	vst v4  }
0x51: {  	v4 =	vld [tilespmem:s20+$0x10];
	[tilespmem:s9+$0xFFFFFE50] =	vst v1  }
0x52: {  	v1 =	vld [tilespmem:s20+$0x190];
	[tilespmem:s9+$0xFFFFFED0] =	vst v2  }
0x53: {  	[tilespmem:s9+$0xFFFFFF50] =	vst v3;
	v3 =	vld [tilespmem:s20+$0xFFFFFF20]  }
0x54: {  	[tilespmem:s9+$0x1F0] =	vst v0;
	v0 =	vld [tilespmem:s20+$0x110]  }
0x55: {  	[tilespmem:s9+$0x50] =	vst v5;
	v2 =	vld [tilespmem:s20+$0xFFFFFEA0]  }
0x56: {  	v6 =	vld [tilespmem:s20+$0xA0];
	[tilespmem:s9+$0xFFFFFFD0] =	vst v4  }
0x57: {  	v4 =	vld [tilespmem:s20+$0xFFFFFFA0];
	[tilespmem:s9+$0x150] =	vst v1  }
0x58: {  	v5 =	vld [tilespmem:s20+$0x20];
	[tilespmem:s9+$0xFFFFFEE0] =	vst v3  }
0x59: {  	v3 =	vld [tilespmem:s20+$0x1A0];
	[tilespmem:s9+$0xD0] =	vst v0  }
0x5a: {  	[tilespmem:s9+$0xFFFFFE60] =	vst v2;
	v2 =	vld [tilespmem:s20+$0x120]  }
0x5b: {  	[tilespmem:s9+$0x60] =	vst v6;
	v7 =	vld [tilespmem:s20+$0xFFFFFEB0]  }
0x5c: {  	[tilespmem:s9+$0xFFFFFF60] =	vst v4;
	v4 =	vld [tilespmem:s20+$0xFFFFFF30]  }
0x5d: {  	[tilespmem:s9+$0xFFFFFFE0] =	vst v5;
	v0 =	vld [tilespmem:s20+$0xFFFFFFB0]  }
0x5e: {  	v1 =	vld [tilespmem:s20+$0x30];
	[tilespmem:s9+$0x160] =	vst v3  }
0x5f: {  	[tilespmem:s9+$0xE0] =	vst v2;
	v2 =	vld [tilespmem:s20+$0xB0]  }
0x60: {  	[tilespmem:s9+$0xFFFFFE70] =	vst v7;
	v3 =	vld [tilespmem:s20+$0x130]  }
0x61: {  	s10 =	simm.s32 $0x0;
	[tilespmem:s9+$0xFFFFFEF0] =	vst v4;
	v4 =	vld [tilespmem:s20+$0x1B0];
	s20 =	simm.s32 $0x940  }
.LBB2_2:
0x62: {  	v5 =	vld [tilespmem:s20+$0x1C0];
	s10 =	sadd.s32 $0x8, s10;
	[tilespmem:s9+$0xFFFFFF70] =	vst v0  }
0x63: {  	v0 =	vld [tilespmem:s20+$0xFFFFFEC0];
	p0 =	slt.u32 s10, $0xC0;
	[tilespmem:s9+$0xFFFFFFF0] =	vst v1  }
0x64: {  	v1 =	vld [tilespmem:s20+$0xFFFFFF40];
	[tilespmem:s9+$0x70] =	vst v2  }
0x65: {  	v2 =	vld [tilespmem:s20+$0xFFFFFFC0];
	[tilespmem:s9+$0xF0] =	vst v3  }
0x66: {  	v3 =	vld [tilespmem:s20+$0x40];
	[tilespmem:s9+$0x170] =	vst v4;
	s9 =	sadd.s32 $0x400, s9  }
0x67: {  	v4 =	vld [tilespmem:s20+$0xC0];
	[tilespmem:s9+$0x180] =	vst v5  }
0x68: {  	[tilespmem:s9+$0xFFFFFE80] =	vst v0;
	v0 =	vld [tilespmem:s20+$0x1D0]  }
0x69: {  	[tilespmem:s9+$0xFFFFFF00] =	vst v1;
	v1 =	vld [tilespmem:s20+$0x140]  }
0x6a: {  	v5 =	vld [tilespmem:s20+$0xFFFFFE40];
	[tilespmem:s9+$0xFFFFFF80] =	vst v2  }
0x6b: {  	v2 =	vld [tilespmem:s20+$0xFFFFFED0];
	[tilespmem:s9+$0x0] =	vst v3  }
0x6c: {  	v3 =	vld [tilespmem:s20+$0xFFFFFF50];
	[tilespmem:s9+$0x80] =	vst v4  }
0x6d: {  	v4 =	vld [tilespmem:s20+$0xFFFFFFD0];
	[tilespmem:s9+$0x190] =	vst v0  }
0x6e: {  	[tilespmem:s9+$0x100] =	vst v1;
	v0 =	vld [tilespmem:s20+$0x1E0]  }
0x6f: {  	[tilespmem:s9+$0xFFFFFE00] =	vst v5;
	v1 =	vld [tilespmem:s20+$0x50]  }
0x70: {  	v5 =	vld [tilespmem:s20+$0xFFFFFE50];
	[tilespmem:s9+$0xFFFFFE90] =	vst v2  }
0x71: {  	[tilespmem:s9+$0xFFFFFF10] =	vst v3;
	v2 =	vld [tilespmem:s20+$0xD0]  }
0x72: {  	[tilespmem:s9+$0xFFFFFF90] =	vst v4;
	v3 =	vld [tilespmem:s20+$0x150]  }
0x73: {  	v4 =	vld [tilespmem:s20+$0xFFFFFEE0];
	[tilespmem:s9+$0x1A0] =	vst v0  }
0x74: {  	[tilespmem:s9+$0x10] =	vst v1;
	v0 =	vld [tilespmem:s20+$0x1F0]  }
0x75: {  	[tilespmem:s9+$0xFFFFFE10] =	vst v5;
	v1 =	vld [tilespmem:s20+$0xFFFFFF60]  }
0x76: {  	v5 =	vld [tilespmem:s20+$0xFFFFFE60];
	[tilespmem:s9+$0x90] =	vst v2  }
0x77: {  	v2 =	vld [tilespmem:s20+$0xFFFFFFE0];
	[tilespmem:s9+$0x110] =	vst v3  }
0x78: {  	[tilespmem:s9+$0xFFFFFEA0] =	vst v4;
	v3 =	vld [tilespmem:s20+$0x60]  }
0x79: {  	v4 =	vld [tilespmem:s20+$0xE0];
	[tilespmem:s9+$0x1B0] =	vst v0  }
0x7a: {  	[tilespmem:s9+$0xFFFFFF20] =	vst v1;
	v0 =	vld [tilespmem:s20+$0x200]  }
0x7b: {  	[tilespmem:s9+$0xFFFFFE20] =	vst v5;
	v1 =	vld [tilespmem:s20+$0x160]  }
0x7c: {  	v5 =	vld [tilespmem:s20+$0xFFFFFE70];
	[tilespmem:s9+$0xFFFFFFA0] =	vst v2  }
0x7d: {  	v2 =	vld [tilespmem:s20+$0xFFFFFEF0];
	[tilespmem:s9+$0x20] =	vst v3  }
0x7e: {  	v3 =	vld [tilespmem:s20+$0xFFFFFF70];
	[tilespmem:s9+$0xA0] =	vst v4  }
0x7f: {  	v4 =	vld [tilespmem:s20+$0xFFFFFFF0];
	[tilespmem:s9+$0x1C0] =	vst v0  }
0x80: {  	[tilespmem:s9+$0x120] =	vst v1;
	v0 =	vld [tilespmem:s20+$0x210]  }
0x81: {  	[tilespmem:s9+$0xFFFFFE30] =	vst v5;
	v1 =	vld [tilespmem:s20+$0x70]  }
0x82: {  	[tilespmem:s9+$0xFFFFFEB0] =	vst v2;
	v2 =	vld [tilespmem:s20+$0xF0]  }
0x83: {  	[tilespmem:s9+$0xFFFFFF30] =	vst v3;
	v3 =	vld [tilespmem:s20+$0x170]  }
0x84: {  	v5 =	vld [tilespmem:s20+$0xFFFFFE80];
	[tilespmem:s9+$0xFFFFFFB0] =	vst v4  }
0x85: {  	v4 =	vld [tilespmem:s20+$0xFFFFFF00];
	[tilespmem:s9+$0x1D0] =	vst v0  }
0x86: {  	[tilespmem:s9+$0x30] =	vst v1;
	v0 =	vld [tilespmem:s20+$0x220]  }
0x87: {  	v1 =	vld [tilespmem:s20+$0xFFFFFF80];
	[tilespmem:s9+$0xB0] =	vst v2  }
0x88: {  	v2 =	vld [tilespmem:s20+$0x0];
	[tilespmem:s9+$0x130] =	vst v3  }
0x89: {  	[tilespmem:s9+$0xFFFFFE40] =	vst v5;
	v3 =	vld [tilespmem:s20+$0x80]  }
0x8a: {  	[tilespmem:s9+$0xFFFFFEC0] =	vst v4;
	v4 =	vld [tilespmem:s20+$0x100]  }
0x8b: {  	v5 =	vld [tilespmem:s20+$0x180];
	[tilespmem:s9+$0x1E0] =	vst v0  }
0x8c: {  	[tilespmem:s9+$0xFFFFFF40] =	vst v1;
	v0 =	vld [tilespmem:s20+$0x230]  }
0x8d: {  	v1 =	vld [tilespmem:s20+$0xFFFFFE90];
	[tilespmem:s9+$0xFFFFFFC0] =	vst v2  }
0x8e: {  	v2 =	vld [tilespmem:s20+$0xFFFFFF10];
	[tilespmem:s9+$0x40] =	vst v3  }
0x8f: {  	v3 =	vld [tilespmem:s20+$0xFFFFFF90];
	[tilespmem:s9+$0xC0] =	vst v4  }
0x90: {  	v4 =	vld [tilespmem:s20+$0x10];
	[tilespmem:s9+$0x140] =	vst v5  }
0x91: {  	v5 =	vld [tilespmem:s20+$0x90];
	[tilespmem:s9+$0x1F0] =	vst v0  }
0x92: {  	[tilespmem:s9+$0xFFFFFE50] =	vst v1;
	v0 =	vld [tilespmem:s20+$0x110]  }
0x93: {  	[tilespmem:s9+$0xFFFFFED0] =	vst v2;
	v1 =	vld [tilespmem:s20+$0x190]  }
0x94: {  	v2 =	vld [tilespmem:s20+$0xFFFFFEA0];
	[tilespmem:s9+$0xFFFFFF50] =	vst v3  }
0x95: {  	v3 =	vld [tilespmem:s20+$0xFFFFFF20];
	[tilespmem:s9+$0xFFFFFFD0] =	vst v4  }
0x96: {  	v4 =	vld [tilespmem:s20+$0xFFFFFFA0];
	[tilespmem:s9+$0x50] =	vst v5  }
0x97: {  	v5 =	vld [tilespmem:s20+$0x20];
	[tilespmem:s9+$0xD0] =	vst v0  }
0x98: {  	v6 =	vld [tilespmem:s20+$0xA0];
	[tilespmem:s9+$0x150] =	vst v1  }
0x99: {  	[tilespmem:s9+$0xFFFFFE60] =	vst v2;
	v2 =	vld [tilespmem:s20+$0x120]  }
0x9a: {  	[tilespmem:s9+$0xFFFFFEE0] =	vst v3;
	v3 =	vld [tilespmem:s20+$0x1A0]  }
0x9b: {  	v7 =	vld [tilespmem:s20+$0xFFFFFEB0];
	[tilespmem:s9+$0xFFFFFF60] =	vst v4  }
0x9c: {  	v4 =	vld [tilespmem:s20+$0xFFFFFF30];
	[tilespmem:s9+$0xFFFFFFE0] =	vst v5  }
.Ltmp0:
0x9d: {  	v0 =	vld [tilespmem:s20+$0xFFFFFFB0];
	[tilespmem:s9+$0x60] =	vst v6;
	(pc) =	sbr.rel @p0 .LBB2_2-.Ltmp0, $4  }
0x9e: {  	v1 =	vld [tilespmem:s20+$0x30];
	[tilespmem:s9+$0xE0] =	vst v2  }
0x9f: {  	v2 =	vld [tilespmem:s20+$0xB0];
	[tilespmem:s9+$0x160] =	vst v3  }
0xa0: {  	[tilespmem:s9+$0xFFFFFE70] =	vst v7;
	v3 =	vld [tilespmem:s20+$0x130]  }
0xa1: {  	[tilespmem:s9+$0xFFFFFEF0] =	vst v4;
	v4 =	vld [tilespmem:s20+$0x1B0];
	s20 =	sadd.s32 $0x400, s20  }
0xa2: {  	[tilespmem:s9+$0xFFFFFF70] =	vst v0  }
0xa3: {  	[tilespmem:s9+$0xFFFFFFF0] =	vst v1  }
0xa4: {  	[tilespmem:s9+$0x70] =	vst v2  }
0xa5: {  	[tilespmem:s9+$0xF0] =	vst v3  }
0xa6: {  	s28 =	simm.s32 $0x0;
	[tilespmem:s9+$0x170] =	vst v4  }
0xa7: {  	[tilespmem:s25], [sflag:$0x1] =	stream.indirect.gather.add.f32 [hbm:s2], $0x80, s28, s24, $0xb8;
	[tilespmem:$0x19700] =	vst v63  }
0xa8: {  	s31 =	simm.s32 $0x80;
	s10 =	simm.s32 $0x9D00  }
0xa9: {  	[tilespmem:s10], [sflag:$0x1] =	stream.indirect.gather.add.f32 [hbm:s2], $0x80, s31, s24, $0xb8;
	[tilespmem:$0x19700] =	vst v63  }
0xaa: {  	_ =	swait.ge [sflag:s29], $0x100  }
0xab: {  	[sflag:s29] =	ssyncset.done $0x0  }
0xac: {  	s9 =	simm.s32 $0x0;
	[sflag:s29] =	ssyncadd.s32 $0xFFFFFF00  }
0xad: {  	v0 =	vld [tilespmem:s9+$0x770]  }
0xae: {  	v1 =	vld [tilespmem:s9+$0x380]  }
0xaf: {  	v6 =	vld [tilespmem:s9+$0x400]  }
0xb0: {  	v2 =	vld [tilespmem:s9+$0x390]  }
0xb1: {  	v7 =	vld [tilespmem:s9+$0x410]  }
0xb2: {  	v3 =	vld [tilespmem:s9+$0x3A0];
	[tilespmem:s9+$0xD2F0] =	vst v0  }
0xb3: {  	v8 =	vld [tilespmem:s9+$0x420];
	[tilespmem:s9+$0xCF00] =	vst v1  }
0xb4: {  	v4 =	vld [tilespmem:s9+$0x3B0];
	[tilespmem:s9+$0xCF80] =	vst v6  }
0xb5: {  	v5 =	vld [tilespmem:s9+$0x3C0];
	[tilespmem:s9+$0xCF10] =	vst v2  }
0xb6: {  	v59 =	vld [tilespmem:s9+$0x3F0];
	[tilespmem:s9+$0xCF90] =	vst v7  }
0xb7: {  	v60 =	vld [tilespmem:s9+$0x4B0];
	[tilespmem:s9+$0xCF20] =	vst v3  }
0xb8: {  	v61 =	vld [tilespmem:s9+$0x570];
	[tilespmem:s9+$0xCFA0] =	vst v8  }
0xb9: {  	v62 =	vld [tilespmem:s9+$0x630];
	[tilespmem:s9+$0xCF30] =	vst v4  }
0xba: {  	v63 =	vld [tilespmem:s9+$0x6C0];
	[tilespmem:s9+$0xCF40] =	vst v5  }
0xbb: {  	v9 =	vld [tilespmem:s9+$0x700];
	[tilespmem:s9+$0xCF70] =	vst v59  }
0xbc: {  	v6 =	vld [tilespmem:s9+$0x3D0];
	[tilespmem:s9+$0xD030] =	vst v60  }
0xbd: {  	v7 =	vld [tilespmem:s9+$0x3E0];
	[tilespmem:s9+$0xD0F0] =	vst v61  }
0xbe: {  	v0 =	vld [tilespmem:s9+$0x430];
	[tilespmem:s9+$0xD1B0] =	vst v62  }
0xbf: {  	v1 =	vld [tilespmem:s9+$0x440];
	[tilespmem:s9+$0xD240] =	vst v63  }
0xc0: {  	v2 =	vld [tilespmem:s9+$0x450];
	[tilespmem:s9+$0xD280] =	vst v9  }
0xc1: {  	v3 =	vld [tilespmem:s9+$0x460];
	[tilespmem:s9+$0xCF50] =	vst v6  }
0xc2: {  	v4 =	vld [tilespmem:s9+$0x470];
	[tilespmem:s9+$0xCF60] =	vst v7  }
0xc3: {  	v5 =	vld [tilespmem:s9+$0x480];
	[tilespmem:s9+$0xCFB0] =	vst v0  }
0xc4: {  	[tilespmem:s9+$0xCFC0] =	vst v1;
	v1 =	vld [tilespmem:s9+$0x500]  }
0xc5: {  	v6 =	vld [tilespmem:s9+$0x490];
	[tilespmem:s9+$0xCFD0] =	vst v2  }
0xc6: {  	v2 =	vld [tilespmem:s9+$0x510];
	[tilespmem:s9+$0xCFE0] =	vst v3  }
0xc7: {  	v7 =	vld [tilespmem:s9+$0x4A0];
	[tilespmem:s9+$0xCFF0] =	vst v4  }
0xc8: {  	v3 =	vld [tilespmem:s9+$0x520];
	[tilespmem:s9+$0xD000] =	vst v5  }
0xc9: {  	v0 =	vld [tilespmem:s9+$0x4C0];
	[tilespmem:s9+$0xD080] =	vst v1  }
0xca: {  	v4 =	vld [tilespmem:s9+$0x530];
	[tilespmem:s9+$0xD010] =	vst v6  }
0xcb: {  	v5 =	vld [tilespmem:s9+$0x540];
	[tilespmem:s9+$0xD090] =	vst v2  }
0xcc: {  	v1 =	vld [tilespmem:s9+$0x4D0];
	[tilespmem:s9+$0xD020] =	vst v7  }
0xcd: {  	v2 =	vld [tilespmem:s9+$0x4E0];
	[tilespmem:s9+$0xD0A0] =	vst v3  }
0xce: {  	v3 =	vld [tilespmem:s9+$0x4F0];
	[tilespmem:s9+$0xD040] =	vst v0  }
0xcf: {  	v6 =	vld [tilespmem:s9+$0x550];
	[tilespmem:s9+$0xD0B0] =	vst v4  }
0xd0: {  	v7 =	vld [tilespmem:s9+$0x560];
	[tilespmem:s9+$0xD0C0] =	vst v5  }
0xd1: {  	v0 =	vld [tilespmem:s9+$0x580];
	[tilespmem:s9+$0xD050] =	vst v1  }
0xd2: {  	v5 =	vld [tilespmem:s9+$0x600];
	[tilespmem:s9+$0xD060] =	vst v2  }
0xd3: {  	v4 =	vld [tilespmem:s9+$0x5C0];
	[tilespmem:s9+$0xD070] =	vst v3  }
0xd4: {  	v1 =	vld [tilespmem:s9+$0x590];
	[tilespmem:s9+$0xD0D0] =	vst v6  }
0xd5: {  	v6 =	vld [tilespmem:s9+$0x610];
	[tilespmem:s9+$0xD0E0] =	vst v7  }
0xd6: {  	v2 =	vld [tilespmem:s9+$0x5A0];
	[tilespmem:s9+$0xD100] =	vst v0  }
0xd7: {  	v7 =	vld [tilespmem:s9+$0x620];
	[tilespmem:s9+$0xD180] =	vst v5  }
0xd8: {  	v3 =	vld [tilespmem:s9+$0x5B0];
	[tilespmem:s9+$0xD140] =	vst v4  }
0xd9: {  	v5 =	vld [tilespmem:s9+$0x5D0];
	[tilespmem:s9+$0xD110] =	vst v1  }
0xda: {  	v4 =	vld [tilespmem:s9+$0x680];
	[tilespmem:s9+$0xD190] =	vst v6  }
0xdb: {  	v0 =	vld [tilespmem:s9+$0x640];
	[tilespmem:s9+$0xD120] =	vst v2  }
0xdc: {  	v6 =	vld [tilespmem:s9+$0x5E0];
	[tilespmem:s9+$0xD1A0] =	vst v7  }
0xdd: {  	v7 =	vld [tilespmem:s9+$0x5F0];
	[tilespmem:s9+$0xD130] =	vst v3  }
0xde: {  	[tilespmem:s9+$0xD150] =	vst v5;
	v5 =	vld [tilespmem:s9+$0x690]  }
0xdf: {  	v1 =	vld [tilespmem:s9+$0x650];
	[tilespmem:s9+$0xD200] =	vst v4  }
0xe0: {  	v2 =	vld [tilespmem:s9+$0x660];
	[tilespmem:s9+$0xD1C0] =	vst v0  }
0xe1: {  	[tilespmem:s9+$0xD160] =	vst v6;
	v6 =	vld [tilespmem:s9+$0x6A0]  }
0xe2: {  	v3 =	vld [tilespmem:s9+$0x670];
	[tilespmem:s9+$0xD170] =	vst v7  }
0xe3: {  	v4 =	vld [tilespmem:s9+$0x6D0];
	[tilespmem:s9+$0xD210] =	vst v5  }
0xe4: {  	v7 =	vld [tilespmem:s9+$0x6B0];
	[tilespmem:s9+$0xD1D0] =	vst v1  }
0xe5: {  	v5 =	vld [tilespmem:s9+$0x6E0];
	[tilespmem:s9+$0xD1E0] =	vst v2  }
0xe6: {  	[tilespmem:s9+$0xD220] =	vst v6;
	v6 =	vld [tilespmem:s9+$0x6F0]  }
0xe7: {  	[tilespmem:s9+$0xD1F0] =	vst v3;
	v2 =	vld [tilespmem:s9+$0x710]  }
0xe8: {  	v0 =	vld [tilespmem:s9+$0x720];
	[tilespmem:s9+$0xD250] =	vst v4  }
0xe9: {  	v1 =	vld [tilespmem:s9+$0x730];
	[tilespmem:s9+$0xD230] =	vst v7  }
0xea: {  	v3 =	vld [tilespmem:s9+$0x740];
	[tilespmem:s9+$0xD260] =	vst v5  }
0xeb: {  	s20 =	simm.s32 $0x1000;
	s10 =	simm.s32 $0x0;
	v4 =	vld [tilespmem:s9+$0x750];
	[tilespmem:s9+$0xD270] =	vst v6  }
.LBB2_4:
0xec: {  	s22 =	sshra.s32 s20, $0x2;
	s10 =	sadd.s32 $0x8, s10;
	[tilespmem:s9+$0xD290] =	vst v2;
	v2 =	vld [tilespmem:s9+$0x760]  }
0xed: {  	v5 =	vld [tilespmem:s22+$0x770];
	p0 =	slt.u32 s10, $0xC0;
	[tilespmem:s9+$0xD2A0] =	vst v0  }
0xee: {  	v0 =	vld [tilespmem:s22+$0x380];
	[tilespmem:s9+$0xD2B0] =	vst v1  }
0xef: {  	v1 =	vld [tilespmem:s22+$0x390];
	[tilespmem:s9+$0xD2C0] =	vst v3  }
0xf0: {  	v3 =	vld [tilespmem:s22+$0x3A0];
	[tilespmem:s9+$0xD2D0] =	vst v4  }
0xf1: {  	v4 =	vld [tilespmem:s22+$0x3B0];
	[tilespmem:s9+$0xD2E0] =	vst v2;
	s9 =	smov.u32 s22  }
0xf2: {  	v2 =	vld [tilespmem:s9+$0x3C0];
	[tilespmem:s9+$0xD2F0] =	vst v5  }
0xf3: {  	[tilespmem:s9+$0xCF00] =	vst v0;
	v0 =	vld [tilespmem:s9+$0x3D0]  }
0xf4: {  	[tilespmem:s9+$0xCF10] =	vst v1;
	v1 =	vld [tilespmem:s9+$0x3E0]  }
0xf5: {  	[tilespmem:s9+$0xCF20] =	vst v3;
	v3 =	vld [tilespmem:s9+$0x3F0]  }
0xf6: {  	[tilespmem:s9+$0xCF30] =	vst v4;
	v4 =	vld [tilespmem:s9+$0x400]  }
0xf7: {  	[tilespmem:s9+$0xCF40] =	vst v2;
	v2 =	vld [tilespmem:s9+$0x410]  }
0xf8: {  	[tilespmem:s9+$0xCF50] =	vst v0;
	v0 =	vld [tilespmem:s9+$0x420]  }
0xf9: {  	[tilespmem:s9+$0xCF60] =	vst v1;
	v1 =	vld [tilespmem:s9+$0x430]  }
0xfa: {  	[tilespmem:s9+$0xCF70] =	vst v3;
	v3 =	vld [tilespmem:s9+$0x440]  }
0xfb: {  	[tilespmem:s9+$0xCF80] =	vst v4;
	v4 =	vld [tilespmem:s9+$0x450]  }
0xfc: {  	[tilespmem:s9+$0xCF90] =	vst v2;
	v2 =	vld [tilespmem:s9+$0x460]  }
0xfd: {  	[tilespmem:s9+$0xCFA0] =	vst v0;
	v0 =	vld [tilespmem:s9+$0x470]  }
0xfe: {  	[tilespmem:s9+$0xCFB0] =	vst v1;
	v1 =	vld [tilespmem:s9+$0x480]  }
0xff: {  	[tilespmem:s9+$0xCFC0] =	vst v3;
	v3 =	vld [tilespmem:s9+$0x490]  }
0x100: {  	[tilespmem:s9+$0xCFD0] =	vst v4;
	v4 =	vld [tilespmem:s9+$0x4A0]  }
0x101: {  	[tilespmem:s9+$0xCFE0] =	vst v2;
	v2 =	vld [tilespmem:s9+$0x4B0]  }
0x102: {  	[tilespmem:s9+$0xCFF0] =	vst v0;
	v0 =	vld [tilespmem:s9+$0x4C0]  }
0x103: {  	[tilespmem:s9+$0xD000] =	vst v1;
	v1 =	vld [tilespmem:s9+$0x4D0]  }
0x104: {  	[tilespmem:s9+$0xD010] =	vst v3;
	v3 =	vld [tilespmem:s9+$0x4E0]  }
0x105: {  	[tilespmem:s9+$0xD020] =	vst v4;
	v4 =	vld [tilespmem:s9+$0x4F0]  }
0x106: {  	[tilespmem:s9+$0xD030] =	vst v2;
	v2 =	vld [tilespmem:s9+$0x500]  }
0x107: {  	[tilespmem:s9+$0xD040] =	vst v0;
	v0 =	vld [tilespmem:s9+$0x510]  }
0x108: {  	[tilespmem:s9+$0xD050] =	vst v1;
	v1 =	vld [tilespmem:s9+$0x520]  }
0x109: {  	[tilespmem:s9+$0xD060] =	vst v3;
	v3 =	vld [tilespmem:s9+$0x530]  }
0x10a: {  	[tilespmem:s9+$0xD070] =	vst v4;
	v4 =	vld [tilespmem:s9+$0x540]  }
0x10b: {  	[tilespmem:s9+$0xD080] =	vst v2;
	v2 =	vld [tilespmem:s9+$0x550]  }
0x10c: {  	[tilespmem:s9+$0xD090] =	vst v0;
	v0 =	vld [tilespmem:s9+$0x560]  }
0x10d: {  	[tilespmem:s9+$0xD0A0] =	vst v1;
	v1 =	vld [tilespmem:s9+$0x570]  }
0x10e: {  	[tilespmem:s9+$0xD0B0] =	vst v3;
	v3 =	vld [tilespmem:s9+$0x580]  }
0x10f: {  	[tilespmem:s9+$0xD0C0] =	vst v4;
	v4 =	vld [tilespmem:s9+$0x590]  }
0x110: {  	[tilespmem:s9+$0xD0D0] =	vst v2;
	v2 =	vld [tilespmem:s9+$0x5A0]  }
0x111: {  	[tilespmem:s9+$0xD0E0] =	vst v0;
	v0 =	vld [tilespmem:s9+$0x5B0]  }
0x112: {  	[tilespmem:s9+$0xD0F0] =	vst v1;
	v1 =	vld [tilespmem:s9+$0x5C0]  }
0x113: {  	[tilespmem:s9+$0xD100] =	vst v3;
	v3 =	vld [tilespmem:s9+$0x5D0]  }
0x114: {  	[tilespmem:s9+$0xD110] =	vst v4;
	v4 =	vld [tilespmem:s9+$0x5E0]  }
0x115: {  	[tilespmem:s9+$0xD120] =	vst v2;
	v2 =	vld [tilespmem:s9+$0x5F0]  }
0x116: {  	[tilespmem:s9+$0xD130] =	vst v0;
	v0 =	vld [tilespmem:s9+$0x600]  }
0x117: {  	[tilespmem:s9+$0xD140] =	vst v1;
	v1 =	vld [tilespmem:s9+$0x610]  }
0x118: {  	[tilespmem:s9+$0xD150] =	vst v3;
	v3 =	vld [tilespmem:s9+$0x620]  }
0x119: {  	[tilespmem:s9+$0xD160] =	vst v4;
	v4 =	vld [tilespmem:s9+$0x630]  }
0x11a: {  	[tilespmem:s9+$0xD170] =	vst v2;
	v2 =	vld [tilespmem:s9+$0x640]  }
0x11b: {  	[tilespmem:s9+$0xD180] =	vst v0;
	v0 =	vld [tilespmem:s9+$0x650]  }
0x11c: {  	[tilespmem:s9+$0xD190] =	vst v1;
	v1 =	vld [tilespmem:s9+$0x660]  }
0x11d: {  	[tilespmem:s9+$0xD1A0] =	vst v3;
	v3 =	vld [tilespmem:s9+$0x670]  }
0x11e: {  	[tilespmem:s9+$0xD1B0] =	vst v4;
	v4 =	vld [tilespmem:s9+$0x680]  }
0x11f: {  	[tilespmem:s9+$0xD1C0] =	vst v2;
	v2 =	vld [tilespmem:s9+$0x690]  }
0x120: {  	[tilespmem:s9+$0xD1D0] =	vst v0;
	v0 =	vld [tilespmem:s9+$0x6A0]  }
0x121: {  	[tilespmem:s9+$0xD1E0] =	vst v1;
	v1 =	vld [tilespmem:s9+$0x6B0]  }
0x122: {  	[tilespmem:s9+$0xD1F0] =	vst v3;
	v3 =	vld [tilespmem:s9+$0x6C0]  }
0x123: {  	[tilespmem:s9+$0xD200] =	vst v4;
	v4 =	vld [tilespmem:s9+$0x6D0]  }
0x124: {  	[tilespmem:s9+$0xD210] =	vst v2;
	v5 =	vld [tilespmem:s9+$0x6E0]  }
0x125: {  	[tilespmem:s9+$0xD220] =	vst v0;
	v6 =	vld [tilespmem:s9+$0x6F0]  }
0x126: {  	[tilespmem:s9+$0xD230] =	vst v1;
	v7 =	vld [tilespmem:s9+$0x700]  }
.Ltmp1:
0x127: {  	[tilespmem:s9+$0xD240] =	vst v3;
	v2 =	vld [tilespmem:s9+$0x710];
	(pc) =	sbr.rel @p0 .LBB2_4-.Ltmp1, $4  }
0x128: {  	[tilespmem:s9+$0xD250] =	vst v4;
	v0 =	vld [tilespmem:s9+$0x720]  }
0x129: {  	[tilespmem:s9+$0xD260] =	vst v5;
	v1 =	vld [tilespmem:s9+$0x730]  }
0x12a: {  	[tilespmem:s9+$0xD270] =	vst v6;
	v3 =	vld [tilespmem:s9+$0x740]  }
0x12b: {  	s20 =	sadd.s32 $0x1000, s20;
	[tilespmem:s9+$0xD280] =	vst v7;
	v4 =	vld [tilespmem:s9+$0x750]  }
0x12c: {  	[tilespmem:s9+$0xD290] =	vst v2;
	v63 =	vld [tilespmem:s9+$0x760]  }
0x12d: {  	[tilespmem:s9+$0xD2A0] =	vst v0  }
0x12e: {  	[tilespmem:s9+$0xD2B0] =	vst v1  }
0x12f: {  	[tilespmem:s9+$0xD2C0] =	vst v3  }
0x130: {  	[tilespmem:s9+$0xD2D0] =	vst v4  }
0x131: {  	[tilespmem:s9+$0xD2E0] =	vst v63  }
0x132: {  	[tilespmem:s30], [sflag:$0x2] =	stream.indirect.gather.add.f32 [hbm:s2], $0x80, s21, s24, $0xb8;
	[tilespmem:$0x19700] =	vst v63  }
0x133: {  	s31 =	simm.s32 $0x180;
	s20 =	simm.s32 $0x0  }
0x134: {  	[tilespmem:s0], [sflag:$0x2] =	stream.indirect.gather.add.f32 [hbm:s2], $0x80, s31, s24, $0xb8;
	[tilespmem:$0x19700] =	vst v63  }
.LBB2_6:
0x135: {  	s9 =	smul.u32 $0x3, s20;
	_ =	swait.ge [sflag:s4], $0x3200  }
0x136: {  	[sflag:s4] =	ssyncset.done $0x0  }
0x137: {  	[sflag:s4] =	ssyncadd.s32 $0xFFFFCE00;
	s10 =	sadd.s32 s9, s11  }
0x138: {  	_ =	swait.ge [sflag:s4], $0x3200;
	s10 =	sshll.u32 s10, $0x5  }
0x139: {  	[sflag:s4] =	ssyncset.done $0x0;
	s10 =	sand.u32 $0x1FFFFFE0, s10  }
0x13a: {  	[sflag:s4] =	ssyncadd.s32 $0xFFFFCE00;
	s22 =	sadd.s32 s6, s10;
	s10 =	smul.u32 $0x258, s20  }
0x13b: {  	[tilespmem:s5], [sflag:$0x7] =	stream.linear.gather [hbm4b:s22+s5], $0x100, $0x38;
	[tilespmem:$0x19700] =	vst v63  }
0x13c: {  	s31 =	sadd.s32 s7, s10  }
0x13d: {  	s22 =	sshll.u32 s31, $0x4  }
0x13e: {  	p0 =	seq.s32 s20, $0x0;
	s22 =	sadd.s32 s3, s22  }
0x13f: {  	[hbm4b:s22+s5] =	stream.linear.scatter [tilespmem:s25], [sflag:$0x4], $0x6400, $0x38;
	[tilespmem:$0x19700] =	vst v63  }
0x140: {  	s22 =	simm.s32 @!p0 $0x6  }
0x141: {  	_ =	swait.ge @!p0 [sflag:s22], $0x6400  }
0x142: {  	[sflag:s22] =	ssyncset.done @!p0 $0x0  }
0x143: {  	[sflag:s22] =	ssyncadd.s32 @!p0 $0xFFFF9C00;
	s22 =	simm.s32 $0x0  }
0x144: {  	v0 =	vld [tilespmem:s22+$0x770]  }
0x145: {  	v1 =	vld [tilespmem:s22+$0x380]  }
0x146: {  	v6 =	vld [tilespmem:s22+$0x400]  }
0x147: {  	v2 =	vld [tilespmem:s22+$0x390]  }
0x148: {  	v7 =	vld [tilespmem:s22+$0x410]  }
0x149: {  	v3 =	vld [tilespmem:s22+$0x3A0];
	[tilespmem:s22+$0x136F0] =	vst v0  }
0x14a: {  	v8 =	vld [tilespmem:s22+$0x420];
	[tilespmem:s22+$0x13300] =	vst v1  }
0x14b: {  	v4 =	vld [tilespmem:s22+$0x3B0];
	[tilespmem:s22+$0x13380] =	vst v6  }
0x14c: {  	v5 =	vld [tilespmem:s22+$0x3C0];
	[tilespmem:s22+$0x13310] =	vst v2  }
0x14d: {  	v59 =	vld [tilespmem:s22+$0x3F0];
	[tilespmem:s22+$0x13390] =	vst v7  }
0x14e: {  	v60 =	vld [tilespmem:s22+$0x4B0];
	[tilespmem:s22+$0x13320] =	vst v3  }
0x14f: {  	v61 =	vld [tilespmem:s22+$0x570];
	[tilespmem:s22+$0x133A0] =	vst v8  }
0x150: {  	v62 =	vld [tilespmem:s22+$0x630];
	[tilespmem:s22+$0x13330] =	vst v4  }
0x151: {  	v63 =	vld [tilespmem:s22+$0x6C0];
	[tilespmem:s22+$0x13340] =	vst v5  }
0x152: {  	v9 =	vld [tilespmem:s22+$0x700];
	[tilespmem:s22+$0x13370] =	vst v59  }
0x153: {  	v6 =	vld [tilespmem:s22+$0x3D0];
	[tilespmem:s22+$0x13430] =	vst v60  }
0x154: {  	v7 =	vld [tilespmem:s22+$0x3E0];
	[tilespmem:s22+$0x134F0] =	vst v61  }
0x155: {  	v0 =	vld [tilespmem:s22+$0x430];
	[tilespmem:s22+$0x135B0] =	vst v62  }
0x156: {  	v1 =	vld [tilespmem:s22+$0x440];
	[tilespmem:s22+$0x13640] =	vst v63  }
0x157: {  	v2 =	vld [tilespmem:s22+$0x450];
	[tilespmem:s22+$0x13680] =	vst v9  }
0x158: {  	v3 =	vld [tilespmem:s22+$0x460];
	[tilespmem:s22+$0x13350] =	vst v6  }
0x159: {  	v4 =	vld [tilespmem:s22+$0x470];
	[tilespmem:s22+$0x13360] =	vst v7  }
0x15a: {  	v5 =	vld [tilespmem:s22+$0x480];
	[tilespmem:s22+$0x133B0] =	vst v0  }
0x15b: {  	[tilespmem:s22+$0x133C0] =	vst v1;
	v1 =	vld [tilespmem:s22+$0x500]  }
0x15c: {  	v6 =	vld [tilespmem:s22+$0x490];
	[tilespmem:s22+$0x133D0] =	vst v2  }
0x15d: {  	v2 =	vld [tilespmem:s22+$0x510];
	[tilespmem:s22+$0x133E0] =	vst v3  }
0x15e: {  	v7 =	vld [tilespmem:s22+$0x4A0];
	[tilespmem:s22+$0x133F0] =	vst v4  }
0x15f: {  	v3 =	vld [tilespmem:s22+$0x520];
	[tilespmem:s22+$0x13400] =	vst v5  }
0x160: {  	v0 =	vld [tilespmem:s22+$0x4C0];
	[tilespmem:s22+$0x13480] =	vst v1  }
0x161: {  	v4 =	vld [tilespmem:s22+$0x530];
	[tilespmem:s22+$0x13410] =	vst v6  }
0x162: {  	v5 =	vld [tilespmem:s22+$0x540];
	[tilespmem:s22+$0x13490] =	vst v2  }
0x163: {  	v1 =	vld [tilespmem:s22+$0x4D0];
	[tilespmem:s22+$0x13420] =	vst v7  }
0x164: {  	v2 =	vld [tilespmem:s22+$0x4E0];
	[tilespmem:s22+$0x134A0] =	vst v3  }
0x165: {  	v3 =	vld [tilespmem:s22+$0x4F0];
	[tilespmem:s22+$0x13440] =	vst v0  }
0x166: {  	v6 =	vld [tilespmem:s22+$0x550];
	[tilespmem:s22+$0x134B0] =	vst v4  }
0x167: {  	v7 =	vld [tilespmem:s22+$0x560];
	[tilespmem:s22+$0x134C0] =	vst v5  }
0x168: {  	v0 =	vld [tilespmem:s22+$0x580];
	[tilespmem:s22+$0x13450] =	vst v1  }
0x169: {  	v5 =	vld [tilespmem:s22+$0x600];
	[tilespmem:s22+$0x13460] =	vst v2  }
0x16a: {  	v4 =	vld [tilespmem:s22+$0x5C0];
	[tilespmem:s22+$0x13470] =	vst v3  }
0x16b: {  	v1 =	vld [tilespmem:s22+$0x590];
	[tilespmem:s22+$0x134D0] =	vst v6  }
0x16c: {  	v6 =	vld [tilespmem:s22+$0x610];
	[tilespmem:s22+$0x134E0] =	vst v7  }
0x16d: {  	v2 =	vld [tilespmem:s22+$0x5A0];
	[tilespmem:s22+$0x13500] =	vst v0  }
0x16e: {  	v7 =	vld [tilespmem:s22+$0x620];
	[tilespmem:s22+$0x13580] =	vst v5  }
0x16f: {  	v3 =	vld [tilespmem:s22+$0x5B0];
	[tilespmem:s22+$0x13540] =	vst v4  }
0x170: {  	v5 =	vld [tilespmem:s22+$0x5D0];
	[tilespmem:s22+$0x13510] =	vst v1  }
0x171: {  	v4 =	vld [tilespmem:s22+$0x680];
	[tilespmem:s22+$0x13590] =	vst v6  }
0x172: {  	v0 =	vld [tilespmem:s22+$0x640];
	[tilespmem:s22+$0x13520] =	vst v2  }
0x173: {  	v6 =	vld [tilespmem:s22+$0x5E0];
	[tilespmem:s22+$0x135A0] =	vst v7  }
0x174: {  	v7 =	vld [tilespmem:s22+$0x5F0];
	[tilespmem:s22+$0x13530] =	vst v3  }
0x175: {  	[tilespmem:s22+$0x13550] =	vst v5;
	v5 =	vld [tilespmem:s22+$0x690]  }
0x176: {  	v1 =	vld [tilespmem:s22+$0x650];
	[tilespmem:s22+$0x13600] =	vst v4  }
0x177: {  	v2 =	vld [tilespmem:s22+$0x660];
	[tilespmem:s22+$0x135C0] =	vst v0  }
0x178: {  	[tilespmem:s22+$0x13560] =	vst v6;
	v6 =	vld [tilespmem:s22+$0x6A0]  }
0x179: {  	v3 =	vld [tilespmem:s22+$0x670];
	[tilespmem:s22+$0x13570] =	vst v7  }
0x17a: {  	v4 =	vld [tilespmem:s22+$0x6D0];
	[tilespmem:s22+$0x13610] =	vst v5  }
0x17b: {  	v7 =	vld [tilespmem:s22+$0x6B0];
	[tilespmem:s22+$0x135D0] =	vst v1  }
0x17c: {  	v5 =	vld [tilespmem:s22+$0x6E0];
	[tilespmem:s22+$0x135E0] =	vst v2  }
0x17d: {  	[tilespmem:s22+$0x13620] =	vst v6;
	v6 =	vld [tilespmem:s22+$0x6F0]  }
0x17e: {  	[tilespmem:s22+$0x135F0] =	vst v3;
	v2 =	vld [tilespmem:s22+$0x710]  }
0x17f: {  	v0 =	vld [tilespmem:s22+$0x720];
	[tilespmem:s22+$0x13650] =	vst v4  }
0x180: {  	v1 =	vld [tilespmem:s22+$0x730];
	[tilespmem:s22+$0x13630] =	vst v7  }
0x181: {  	v3 =	vld [tilespmem:s22+$0x740];
	[tilespmem:s22+$0x13660] =	vst v5  }
0x182: {  	s26 =	simm.s32 $0x0;
	s28 =	simm.s32 $0x1000;
	v4 =	vld [tilespmem:s22+$0x750];
	[tilespmem:s22+$0x13670] =	vst v6  }
.LBB2_7:
0x183: {  	s31 =	sshra.s32 s28, $0x2;
	s26 =	sadd.s32 $0x8, s26;
	[tilespmem:s22+$0x13690] =	vst v2;
	v2 =	vld [tilespmem:s22+$0x760]  }
0x184: {  	v5 =	vld [tilespmem:s31+$0x770];
	p0 =	slt.u32 s26, $0xC0;
	[tilespmem:s22+$0x136A0] =	vst v0  }
0x185: {  	v0 =	vld [tilespmem:s31+$0x380];
	[tilespmem:s22+$0x136B0] =	vst v1  }
0x186: {  	v1 =	vld [tilespmem:s31+$0x390];
	[tilespmem:s22+$0x136C0] =	vst v3  }
0x187: {  	v3 =	vld [tilespmem:s31+$0x3A0];
	[tilespmem:s22+$0x136D0] =	vst v4  }
0x188: {  	v4 =	vld [tilespmem:s31+$0x3B0];
	[tilespmem:s22+$0x136E0] =	vst v2;
	s22 =	smov.u32 s31  }
0x189: {  	v2 =	vld [tilespmem:s22+$0x3C0];
	[tilespmem:s22+$0x136F0] =	vst v5  }
0x18a: {  	[tilespmem:s22+$0x13300] =	vst v0;
	v0 =	vld [tilespmem:s22+$0x3D0]  }
0x18b: {  	[tilespmem:s22+$0x13310] =	vst v1;
	v1 =	vld [tilespmem:s22+$0x3E0]  }
0x18c: {  	[tilespmem:s22+$0x13320] =	vst v3;
	v3 =	vld [tilespmem:s22+$0x3F0]  }
0x18d: {  	[tilespmem:s22+$0x13330] =	vst v4;
	v4 =	vld [tilespmem:s22+$0x400]  }
0x18e: {  	[tilespmem:s22+$0x13340] =	vst v2;
	v2 =	vld [tilespmem:s22+$0x410]  }
0x18f: {  	[tilespmem:s22+$0x13350] =	vst v0;
	v0 =	vld [tilespmem:s22+$0x420]  }
0x190: {  	[tilespmem:s22+$0x13360] =	vst v1;
	v1 =	vld [tilespmem:s22+$0x430]  }
0x191: {  	[tilespmem:s22+$0x13370] =	vst v3;
	v3 =	vld [tilespmem:s22+$0x440]  }
0x192: {  	[tilespmem:s22+$0x13380] =	vst v4;
	v4 =	vld [tilespmem:s22+$0x450]  }
0x193: {  	[tilespmem:s22+$0x13390] =	vst v2;
	v2 =	vld [tilespmem:s22+$0x460]  }
0x194: {  	[tilespmem:s22+$0x133A0] =	vst v0;
	v0 =	vld [tilespmem:s22+$0x470]  }
0x195: {  	[tilespmem:s22+$0x133B0] =	vst v1;
	v1 =	vld [tilespmem:s22+$0x480]  }
0x196: {  	[tilespmem:s22+$0x133C0] =	vst v3;
	v3 =	vld [tilespmem:s22+$0x490]  }
0x197: {  	[tilespmem:s22+$0x133D0] =	vst v4;
	v4 =	vld [tilespmem:s22+$0x4A0]  }
0x198: {  	[tilespmem:s22+$0x133E0] =	vst v2;
	v2 =	vld [tilespmem:s22+$0x4B0]  }
0x199: {  	[tilespmem:s22+$0x133F0] =	vst v0;
	v0 =	vld [tilespmem:s22+$0x4C0]  }
0x19a: {  	[tilespmem:s22+$0x13400] =	vst v1;
	v1 =	vld [tilespmem:s22+$0x4D0]  }
0x19b: {  	[tilespmem:s22+$0x13410] =	vst v3;
	v3 =	vld [tilespmem:s22+$0x4E0]  }
0x19c: {  	[tilespmem:s22+$0x13420] =	vst v4;
	v4 =	vld [tilespmem:s22+$0x4F0]  }
0x19d: {  	[tilespmem:s22+$0x13430] =	vst v2;
	v2 =	vld [tilespmem:s22+$0x500]  }
0x19e: {  	[tilespmem:s22+$0x13440] =	vst v0;
	v0 =	vld [tilespmem:s22+$0x510]  }
0x19f: {  	[tilespmem:s22+$0x13450] =	vst v1;
	v1 =	vld [tilespmem:s22+$0x520]  }
0x1a0: {  	[tilespmem:s22+$0x13460] =	vst v3;
	v3 =	vld [tilespmem:s22+$0x530]  }
0x1a1: {  	[tilespmem:s22+$0x13470] =	vst v4;
	v4 =	vld [tilespmem:s22+$0x540]  }
0x1a2: {  	[tilespmem:s22+$0x13480] =	vst v2;
	v2 =	vld [tilespmem:s22+$0x550]  }
0x1a3: {  	[tilespmem:s22+$0x13490] =	vst v0;
	v0 =	vld [tilespmem:s22+$0x560]  }
0x1a4: {  	[tilespmem:s22+$0x134A0] =	vst v1;
	v1 =	vld [tilespmem:s22+$0x570]  }
0x1a5: {  	[tilespmem:s22+$0x134B0] =	vst v3;
	v3 =	vld [tilespmem:s22+$0x580]  }
0x1a6: {  	[tilespmem:s22+$0x134C0] =	vst v4;
	v4 =	vld [tilespmem:s22+$0x590]  }
0x1a7: {  	[tilespmem:s22+$0x134D0] =	vst v2;
	v2 =	vld [tilespmem:s22+$0x5A0]  }
0x1a8: {  	[tilespmem:s22+$0x134E0] =	vst v0;
	v0 =	vld [tilespmem:s22+$0x5B0]  }
0x1a9: {  	[tilespmem:s22+$0x134F0] =	vst v1;
	v1 =	vld [tilespmem:s22+$0x5C0]  }
0x1aa: {  	[tilespmem:s22+$0x13500] =	vst v3;
	v3 =	vld [tilespmem:s22+$0x5D0]  }
0x1ab: {  	[tilespmem:s22+$0x13510] =	vst v4;
	v4 =	vld [tilespmem:s22+$0x5E0]  }
0x1ac: {  	[tilespmem:s22+$0x13520] =	vst v2;
	v2 =	vld [tilespmem:s22+$0x5F0]  }
0x1ad: {  	[tilespmem:s22+$0x13530] =	vst v0;
	v0 =	vld [tilespmem:s22+$0x600]  }
0x1ae: {  	[tilespmem:s22+$0x13540] =	vst v1;
	v1 =	vld [tilespmem:s22+$0x610]  }
0x1af: {  	[tilespmem:s22+$0x13550] =	vst v3;
	v3 =	vld [tilespmem:s22+$0x620]  }
0x1b0: {  	[tilespmem:s22+$0x13560] =	vst v4;
	v4 =	vld [tilespmem:s22+$0x630]  }
0x1b1: {  	[tilespmem:s22+$0x13570] =	vst v2;
	v2 =	vld [tilespmem:s22+$0x640]  }
0x1b2: {  	[tilespmem:s22+$0x13580] =	vst v0;
	v0 =	vld [tilespmem:s22+$0x650]  }
0x1b3: {  	[tilespmem:s22+$0x13590] =	vst v1;
	v1 =	vld [tilespmem:s22+$0x660]  }
0x1b4: {  	[tilespmem:s22+$0x135A0] =	vst v3;
	v3 =	vld [tilespmem:s22+$0x670]  }
0x1b5: {  	[tilespmem:s22+$0x135B0] =	vst v4;
	v4 =	vld [tilespmem:s22+$0x680]  }
0x1b6: {  	[tilespmem:s22+$0x135C0] =	vst v2;
	v2 =	vld [tilespmem:s22+$0x690]  }
0x1b7: {  	[tilespmem:s22+$0x135D0] =	vst v0;
	v0 =	vld [tilespmem:s22+$0x6A0]  }
0x1b8: {  	[tilespmem:s22+$0x135E0] =	vst v1;
	v1 =	vld [tilespmem:s22+$0x6B0]  }
0x1b9: {  	[tilespmem:s22+$0x135F0] =	vst v3;
	v3 =	vld [tilespmem:s22+$0x6C0]  }
0x1ba: {  	[tilespmem:s22+$0x13600] =	vst v4;
	v4 =	vld [tilespmem:s22+$0x6D0]  }
0x1bb: {  	[tilespmem:s22+$0x13610] =	vst v2;
	v5 =	vld [tilespmem:s22+$0x6E0]  }
0x1bc: {  	[tilespmem:s22+$0x13620] =	vst v0;
	v6 =	vld [tilespmem:s22+$0x6F0]  }
0x1bd: {  	[tilespmem:s22+$0x13630] =	vst v1;
	v7 =	vld [tilespmem:s22+$0x700]  }
.Ltmp2:
0x1be: {  	[tilespmem:s22+$0x13640] =	vst v3;
	v2 =	vld [tilespmem:s22+$0x710];
	(pc) =	sbr.rel @p0 .LBB2_7-.Ltmp2, $4  }
0x1bf: {  	[tilespmem:s22+$0x13650] =	vst v4;
	v0 =	vld [tilespmem:s22+$0x720]  }
0x1c0: {  	[tilespmem:s22+$0x13660] =	vst v5;
	v1 =	vld [tilespmem:s22+$0x730]  }
0x1c1: {  	[tilespmem:s22+$0x13670] =	vst v6;
	v3 =	vld [tilespmem:s22+$0x740]  }
0x1c2: {  	s28 =	sadd.s32 $0x1000, s28;
	[tilespmem:s22+$0x13680] =	vst v7;
	v4 =	vld [tilespmem:s22+$0x750]  }
0x1c3: {  	[tilespmem:s22+$0x13690] =	vst v2;
	v2 =	vld [tilespmem:s22+$0x760]  }
0x1c4: {  	[tilespmem:s22+$0x136A0] =	vst v0  }
0x1c5: {  	[tilespmem:s22+$0x136B0] =	vst v1  }
0x1c6: {  	[tilespmem:s22+$0x136C0] =	vst v3  }
0x1c7: {  	[tilespmem:s22+$0x136D0] =	vst v4  }
0x1c8: {  	[tilespmem:s22+$0x136E0] =	vst v2  }
0x1c9: {  	_ =	swait.ge [sflag:s1], $0x100  }
0x1ca: {  	[sflag:s1] =	ssyncset.done $0x0  }
0x1cb: {  	s26 =	simm.s32 $0x200;
	[sflag:s1] =	ssyncadd.s32 $0xFFFFFF00  }
0x1cc: {  	[tilespmem:s19], [sflag:$0x3] =	stream.indirect.gather.add.f32 [hbm:s2], $0x80, s26, s24, $0xb8;
	[tilespmem:$0x19700] =	vst v63  }
0x1cd: {  	s31 =	simm.s32 $0x280;
	s26 =	simm.s32 $0x16500  }
0x1ce: {  	[tilespmem:s26], [sflag:$0x3] =	stream.indirect.gather.add.f32 [hbm:s2], $0x80, s31, s24, $0xb8;
	[tilespmem:$0x19700] =	vst v63  }
0x1cf: {  	_ =	swait.ge [sflag:s16], $0x3200  }
0x1d0: {  	[sflag:s16] =	ssyncset.done $0x0  }
0x1d1: {  	s26 =	sadd.s32 s9, s12;
	[sflag:s16] =	ssyncadd.s32 $0xFFFFCE00  }
0x1d2: {  	s22 =	sshll.u32 s26, $0x5;
	_ =	swait.ge [sflag:s16], $0x3200  }
0x1d3: {  	s22 =	sand.u32 $0x1FFFFFE0, s22;
	[sflag:s16] =	ssyncset.done $0x0  }
0x1d4: {  	s31 =	sadd.s32 s10, s13;
	s22 =	sadd.s32 s6, s22;
	[sflag:s16] =	ssyncadd.s32 $0xFFFFCE00  }
0x1d5: {  	[tilespmem:s21], [sflag:$0x8] =	stream.linear.gather [hbm4b:s22+s5], $0x100, $0x38;
	[tilespmem:$0x19700] =	vst v63  }
0x1d6: {  	s22 =	sshll.u32 s31, $0x4  }
0x1d7: {  	s22 =	sadd.s32 s3, s22  }
0x1d8: {  	[hbm4b:s22+s5] =	stream.linear.scatter [tilespmem:s30], [sflag:$0x5], $0x6400, $0x38;
	[tilespmem:$0x19700] =	vst v63  }
0x1d9: {  	_ =	swait.ge [sflag:s17], $0x6400  }
0x1da: {  	[sflag:s17] =	ssyncset.done $0x0  }
0x1db: {  	s28 =	simm.s32 $0x540;
	[sflag:s17] =	ssyncadd.s32 $0xFFFF9C00  }
0x1dc: {  	v0 =	vld [tilespmem:s28+$0x1C0]  }
0x1dd: {  	v1 =	vld [tilespmem:s28+$0xFFFFFEC0]  }
0x1de: {  	v2 =	vld [tilespmem:s28+$0xFFFFFF40]  }
0x1df: {  	v3 =	vld [tilespmem:s28+$0xFFFFFFC0]  }
0x1e0: {  	s22 =	simm.s32 $0x6D00;
	v4 =	vld [tilespmem:s28+$0x40]  }
0x1e1: {  	v5 =	vld [tilespmem:s28+$0xC0];
	[tilespmem:s22+$0x180] =	vst v0  }
0x1e2: {  	[tilespmem:s22+$0xFFFFFE80] =	vst v1;
	v1 =	vld [tilespmem:s28+$0x140]  }
0x1e3: {  	[tilespmem:s22+$0xFFFFFF00] =	vst v2;
	v2 =	vld [tilespmem:s28+$0xFFFFFE40]  }
0x1e4: {  	[tilespmem:s22+$0xFFFFFF80] =	vst v3;
	v0 =	vld [tilespmem:s28+$0x1D0]  }
0x1e5: {  	[tilespmem:s22+$0x0] =	vst v4;
	v3 =	vld [tilespmem:s28+$0xFFFFFED0]  }
0x1e6: {  	[tilespmem:s22+$0x80] =	vst v5;
	v4 =	vld [tilespmem:s28+$0xFFFFFF50]  }
0x1e7: {  	v5 =	vld [tilespmem:s28+$0xFFFFFFD0];
	[tilespmem:s22+$0x100] =	vst v1  }
0x1e8: {  	[tilespmem:s22+$0xFFFFFE00] =	vst v2;
	v1 =	vld [tilespmem:s28+$0x50]  }
0x1e9: {  	[tilespmem:s22+$0x190] =	vst v0;
	v2 =	vld [tilespmem:s28+$0xFFFFFE50]  }
0x1ea: {  	[tilespmem:s22+$0xFFFFFE90] =	vst v3;
	v3 =	vld [tilespmem:s28+$0xD0]  }
0x1eb: {  	[tilespmem:s22+$0xFFFFFF10] =	vst v4;
	v0 =	vld [tilespmem:s28+$0x1E0]  }
0x1ec: {  	[tilespmem:s22+$0xFFFFFF90] =	vst v5;
	v4 =	vld [tilespmem:s28+$0x150]  }
0x1ed: {  	v5 =	vld [tilespmem:s28+$0xFFFFFEE0];
	[tilespmem:s22+$0x10] =	vst v1  }
0x1ee: {  	v1 =	vld [tilespmem:s28+$0xFFFFFF60];
	[tilespmem:s22+$0xFFFFFE10] =	vst v2  }
0x1ef: {  	[tilespmem:s22+$0x90] =	vst v3;
	v3 =	vld [tilespmem:s28+$0xFFFFFFE0]  }
0x1f0: {  	[tilespmem:s22+$0x1A0] =	vst v0;
	v2 =	vld [tilespmem:s28+$0xFFFFFE60]  }
0x1f1: {  	[tilespmem:s22+$0x110] =	vst v4;
	v0 =	vld [tilespmem:s28+$0x1F0]  }
0x1f2: {  	v4 =	vld [tilespmem:s28+$0x60];
	[tilespmem:s22+$0xFFFFFEA0] =	vst v5  }
0x1f3: {  	v5 =	vld [tilespmem:s28+$0xE0];
	[tilespmem:s22+$0xFFFFFF20] =	vst v1  }
0x1f4: {  	v1 =	vld [tilespmem:s28+$0x160];
	[tilespmem:s22+$0xFFFFFFA0] =	vst v3  }
0x1f5: {  	v3 =	vld [tilespmem:s28+$0xFFFFFEF0];
	[tilespmem:s22+$0xFFFFFE20] =	vst v2  }
0x1f6: {  	[tilespmem:s22+$0x1B0] =	vst v0;
	v2 =	vld [tilespmem:s28+$0xFFFFFE70]  }
0x1f7: {  	[tilespmem:s22+$0x20] =	vst v4;
	v0 =	vld [tilespmem:s28+$0x200]  }
0x1f8: {  	v4 =	vld [tilespmem:s28+$0xFFFFFF70];
	[tilespmem:s22+$0xA0] =	vst v5  }
0x1f9: {  	v5 =	vld [tilespmem:s28+$0xFFFFFFF0];
	[tilespmem:s22+$0x120] =	vst v1  }
0x1fa: {  	v1 =	vld [tilespmem:s28+$0x70];
	[tilespmem:s22+$0xFFFFFEB0] =	vst v3  }
0x1fb: {  	v3 =	vld [tilespmem:s28+$0x170];
	[tilespmem:s22+$0xFFFFFE30] =	vst v2  }
0x1fc: {  	v2 =	vld [tilespmem:s28+$0xF0];
	[tilespmem:s22+$0x1C0] =	vst v0  }
0x1fd: {  	[tilespmem:s22+$0xFFFFFF30] =	vst v4;
	v0 =	vld [tilespmem:s28+$0x210]  }
0x1fe: {  	[tilespmem:s22+$0xFFFFFFB0] =	vst v5;
	v5 =	vld [tilespmem:s28+$0xFFFFFF00]  }
0x1ff: {  	v4 =	vld [tilespmem:s28+$0xFFFFFE80];
	[tilespmem:s22+$0x30] =	vst v1  }
0x200: {  	v1 =	vld [tilespmem:s28+$0xFFFFFF80];
	[tilespmem:s22+$0x130] =	vst v3  }
0x201: {  	v3 =	vld [tilespmem:s28+$0x80];
	[tilespmem:s22+$0xB0] =	vst v2  }
0x202: {  	v2 =	vld [tilespmem:s28+$0x0];
	[tilespmem:s22+$0x1D0] =	vst v0  }
0x203: {  	[tilespmem:s22+$0xFFFFFEC0] =	vst v5;
	v0 =	vld [tilespmem:s28+$0x220]  }
0x204: {  	v5 =	vld [tilespmem:s28+$0x180];
	[tilespmem:s22+$0xFFFFFE40] =	vst v4  }
0x205: {  	v4 =	vld [tilespmem:s28+$0x100];
	[tilespmem:s22+$0xFFFFFF40] =	vst v1  }
0x206: {  	v1 =	vld [tilespmem:s28+$0xFFFFFE90];
	[tilespmem:s22+$0x40] =	vst v3  }
0x207: {  	[tilespmem:s22+$0xFFFFFFC0] =	vst v2;
	v2 =	vld [tilespmem:s28+$0xFFFFFF10]  }
0x208: {  	v3 =	vld [tilespmem:s28+$0xFFFFFF90];
	[tilespmem:s22+$0x1E0] =	vst v0  }
0x209: {  	[tilespmem:s22+$0x140] =	vst v5;
	v0 =	vld [tilespmem:s28+$0x230]  }
0x20a: {  	v5 =	vld [tilespmem:s28+$0x90];
	[tilespmem:s22+$0xC0] =	vst v4  }
0x20b: {  	v4 =	vld [tilespmem:s28+$0x10];
	[tilespmem:s22+$0xFFFFFE50] =	vst v1  }
0x20c: {  	v1 =	vld [tilespmem:s28+$0x190];
	[tilespmem:s22+$0xFFFFFED0] =	vst v2  }
0x20d: {  	[tilespmem:s22+$0xFFFFFF50] =	vst v3;
	v3 =	vld [tilespmem:s28+$0xFFFFFF20]  }
0x20e: {  	[tilespmem:s22+$0x1F0] =	vst v0;
	v0 =	vld [tilespmem:s28+$0x110]  }
0x20f: {  	[tilespmem:s22+$0x50] =	vst v5;
	v2 =	vld [tilespmem:s28+$0xFFFFFEA0]  }
0x210: {  	v6 =	vld [tilespmem:s28+$0xA0];
	[tilespmem:s22+$0xFFFFFFD0] =	vst v4  }
0x211: {  	v4 =	vld [tilespmem:s28+$0xFFFFFFA0];
	[tilespmem:s22+$0x150] =	vst v1  }
0x212: {  	v5 =	vld [tilespmem:s28+$0x20];
	[tilespmem:s22+$0xFFFFFEE0] =	vst v3  }
0x213: {  	v3 =	vld [tilespmem:s28+$0x1A0];
	[tilespmem:s22+$0xD0] =	vst v0  }
0x214: {  	[tilespmem:s22+$0xFFFFFE60] =	vst v2;
	v2 =	vld [tilespmem:s28+$0x120]  }
0x215: {  	[tilespmem:s22+$0x60] =	vst v6;
	v7 =	vld [tilespmem:s28+$0xFFFFFEB0]  }
0x216: {  	[tilespmem:s22+$0xFFFFFF60] =	vst v4;
	v4 =	vld [tilespmem:s28+$0xFFFFFF30]  }
0x217: {  	[tilespmem:s22+$0xFFFFFFE0] =	vst v5;
	v0 =	vld [tilespmem:s28+$0xFFFFFFB0]  }
0x218: {  	v1 =	vld [tilespmem:s28+$0x30];
	[tilespmem:s22+$0x160] =	vst v3  }
0x219: {  	[tilespmem:s22+$0xE0] =	vst v2;
	v2 =	vld [tilespmem:s28+$0xB0]  }
0x21a: {  	[tilespmem:s22+$0xFFFFFE70] =	vst v7;
	v3 =	vld [tilespmem:s28+$0x130]  }
0x21b: {  	s26 =	simm.s32 $0x0;
	[tilespmem:s22+$0xFFFFFEF0] =	vst v4;
	v4 =	vld [tilespmem:s28+$0x1B0];
	s28 =	simm.s32 $0x940  }
.LBB2_9:
0x21c: {  	v5 =	vld [tilespmem:s28+$0x1C0];
	s26 =	sadd.s32 $0x8, s26;
	[tilespmem:s22+$0xFFFFFF70] =	vst v0  }
0x21d: {  	v0 =	vld [tilespmem:s28+$0xFFFFFEC0];
	p0 =	slt.u32 s26, $0xC0;
	[tilespmem:s22+$0xFFFFFFF0] =	vst v1  }
0x21e: {  	v1 =	vld [tilespmem:s28+$0xFFFFFF40];
	[tilespmem:s22+$0x70] =	vst v2  }
0x21f: {  	v2 =	vld [tilespmem:s28+$0xFFFFFFC0];
	[tilespmem:s22+$0xF0] =	vst v3  }
0x220: {  	v3 =	vld [tilespmem:s28+$0x40];
	[tilespmem:s22+$0x170] =	vst v4;
	s22 =	sadd.s32 $0x400, s22  }
0x221: {  	v4 =	vld [tilespmem:s28+$0xC0];
	[tilespmem:s22+$0x180] =	vst v5  }
0x222: {  	[tilespmem:s22+$0xFFFFFE80] =	vst v0;
	v0 =	vld [tilespmem:s28+$0x1D0]  }
0x223: {  	[tilespmem:s22+$0xFFFFFF00] =	vst v1;
	v1 =	vld [tilespmem:s28+$0x140]  }
0x224: {  	v5 =	vld [tilespmem:s28+$0xFFFFFE40];
	[tilespmem:s22+$0xFFFFFF80] =	vst v2  }
0x225: {  	v2 =	vld [tilespmem:s28+$0xFFFFFED0];
	[tilespmem:s22+$0x0] =	vst v3  }
0x226: {  	v3 =	vld [tilespmem:s28+$0xFFFFFF50];
	[tilespmem:s22+$0x80] =	vst v4  }
0x227: {  	v4 =	vld [tilespmem:s28+$0xFFFFFFD0];
	[tilespmem:s22+$0x190] =	vst v0  }
0x228: {  	[tilespmem:s22+$0x100] =	vst v1;
	v0 =	vld [tilespmem:s28+$0x1E0]  }
0x229: {  	[tilespmem:s22+$0xFFFFFE00] =	vst v5;
	v1 =	vld [tilespmem:s28+$0x50]  }
0x22a: {  	v5 =	vld [tilespmem:s28+$0xFFFFFE50];
	[tilespmem:s22+$0xFFFFFE90] =	vst v2  }
0x22b: {  	[tilespmem:s22+$0xFFFFFF10] =	vst v3;
	v2 =	vld [tilespmem:s28+$0xD0]  }
0x22c: {  	[tilespmem:s22+$0xFFFFFF90] =	vst v4;
	v3 =	vld [tilespmem:s28+$0x150]  }
0x22d: {  	v4 =	vld [tilespmem:s28+$0xFFFFFEE0];
	[tilespmem:s22+$0x1A0] =	vst v0  }
0x22e: {  	[tilespmem:s22+$0x10] =	vst v1;
	v0 =	vld [tilespmem:s28+$0x1F0]  }
0x22f: {  	[tilespmem:s22+$0xFFFFFE10] =	vst v5;
	v1 =	vld [tilespmem:s28+$0xFFFFFF60]  }
0x230: {  	v5 =	vld [tilespmem:s28+$0xFFFFFE60];
	[tilespmem:s22+$0x90] =	vst v2  }
0x231: {  	v2 =	vld [tilespmem:s28+$0xFFFFFFE0];
	[tilespmem:s22+$0x110] =	vst v3  }
0x232: {  	[tilespmem:s22+$0xFFFFFEA0] =	vst v4;
	v3 =	vld [tilespmem:s28+$0x60]  }
0x233: {  	v4 =	vld [tilespmem:s28+$0xE0];
	[tilespmem:s22+$0x1B0] =	vst v0  }
0x234: {  	[tilespmem:s22+$0xFFFFFF20] =	vst v1;
	v0 =	vld [tilespmem:s28+$0x200]  }
0x235: {  	[tilespmem:s22+$0xFFFFFE20] =	vst v5;
	v1 =	vld [tilespmem:s28+$0x160]  }
0x236: {  	v5 =	vld [tilespmem:s28+$0xFFFFFE70];
	[tilespmem:s22+$0xFFFFFFA0] =	vst v2  }
0x237: {  	v2 =	vld [tilespmem:s28+$0xFFFFFEF0];
	[tilespmem:s22+$0x20] =	vst v3  }
0x238: {  	v3 =	vld [tilespmem:s28+$0xFFFFFF70];
	[tilespmem:s22+$0xA0] =	vst v4  }
0x239: {  	v4 =	vld [tilespmem:s28+$0xFFFFFFF0];
	[tilespmem:s22+$0x1C0] =	vst v0  }
0x23a: {  	[tilespmem:s22+$0x120] =	vst v1;
	v0 =	vld [tilespmem:s28+$0x210]  }
0x23b: {  	[tilespmem:s22+$0xFFFFFE30] =	vst v5;
	v1 =	vld [tilespmem:s28+$0x70]  }
0x23c: {  	[tilespmem:s22+$0xFFFFFEB0] =	vst v2;
	v2 =	vld [tilespmem:s28+$0xF0]  }
0x23d: {  	[tilespmem:s22+$0xFFFFFF30] =	vst v3;
	v3 =	vld [tilespmem:s28+$0x170]  }
0x23e: {  	v5 =	vld [tilespmem:s28+$0xFFFFFE80];
	[tilespmem:s22+$0xFFFFFFB0] =	vst v4  }
0x23f: {  	v4 =	vld [tilespmem:s28+$0xFFFFFF00];
	[tilespmem:s22+$0x1D0] =	vst v0  }
0x240: {  	[tilespmem:s22+$0x30] =	vst v1;
	v0 =	vld [tilespmem:s28+$0x220]  }
0x241: {  	v1 =	vld [tilespmem:s28+$0xFFFFFF80];
	[tilespmem:s22+$0xB0] =	vst v2  }
0x242: {  	v2 =	vld [tilespmem:s28+$0x0];
	[tilespmem:s22+$0x130] =	vst v3  }
0x243: {  	[tilespmem:s22+$0xFFFFFE40] =	vst v5;
	v3 =	vld [tilespmem:s28+$0x80]  }
0x244: {  	[tilespmem:s22+$0xFFFFFEC0] =	vst v4;
	v4 =	vld [tilespmem:s28+$0x100]  }
0x245: {  	v5 =	vld [tilespmem:s28+$0x180];
	[tilespmem:s22+$0x1E0] =	vst v0  }
0x246: {  	[tilespmem:s22+$0xFFFFFF40] =	vst v1;
	v0 =	vld [tilespmem:s28+$0x230]  }
0x247: {  	v1 =	vld [tilespmem:s28+$0xFFFFFE90];
	[tilespmem:s22+$0xFFFFFFC0] =	vst v2  }
0x248: {  	v2 =	vld [tilespmem:s28+$0xFFFFFF10];
	[tilespmem:s22+$0x40] =	vst v3  }
0x249: {  	v3 =	vld [tilespmem:s28+$0xFFFFFF90];
	[tilespmem:s22+$0xC0] =	vst v4  }
0x24a: {  	v4 =	vld [tilespmem:s28+$0x10];
	[tilespmem:s22+$0x140] =	vst v5  }
0x24b: {  	v5 =	vld [tilespmem:s28+$0x90];
	[tilespmem:s22+$0x1F0] =	vst v0  }
0x24c: {  	[tilespmem:s22+$0xFFFFFE50] =	vst v1;
	v0 =	vld [tilespmem:s28+$0x110]  }
0x24d: {  	[tilespmem:s22+$0xFFFFFED0] =	vst v2;
	v1 =	vld [tilespmem:s28+$0x190]  }
0x24e: {  	v2 =	vld [tilespmem:s28+$0xFFFFFEA0];
	[tilespmem:s22+$0xFFFFFF50] =	vst v3  }
0x24f: {  	v3 =	vld [tilespmem:s28+$0xFFFFFF20];
	[tilespmem:s22+$0xFFFFFFD0] =	vst v4  }
0x250: {  	v4 =	vld [tilespmem:s28+$0xFFFFFFA0];
	[tilespmem:s22+$0x50] =	vst v5  }
0x251: {  	v5 =	vld [tilespmem:s28+$0x20];
	[tilespmem:s22+$0xD0] =	vst v0  }
0x252: {  	v6 =	vld [tilespmem:s28+$0xA0];
	[tilespmem:s22+$0x150] =	vst v1  }
0x253: {  	[tilespmem:s22+$0xFFFFFE60] =	vst v2;
	v2 =	vld [tilespmem:s28+$0x120]  }
0x254: {  	[tilespmem:s22+$0xFFFFFEE0] =	vst v3;
	v3 =	vld [tilespmem:s28+$0x1A0]  }
0x255: {  	v7 =	vld [tilespmem:s28+$0xFFFFFEB0];
	[tilespmem:s22+$0xFFFFFF60] =	vst v4  }
0x256: {  	v4 =	vld [tilespmem:s28+$0xFFFFFF30];
	[tilespmem:s22+$0xFFFFFFE0] =	vst v5  }
.Ltmp3:
0x257: {  	v0 =	vld [tilespmem:s28+$0xFFFFFFB0];
	[tilespmem:s22+$0x60] =	vst v6;
	(pc) =	sbr.rel @p0 .LBB2_9-.Ltmp3, $4  }
0x258: {  	v1 =	vld [tilespmem:s28+$0x30];
	[tilespmem:s22+$0xE0] =	vst v2  }
0x259: {  	v2 =	vld [tilespmem:s28+$0xB0];
	[tilespmem:s22+$0x160] =	vst v3  }
0x25a: {  	[tilespmem:s22+$0xFFFFFE70] =	vst v7;
	v3 =	vld [tilespmem:s28+$0x130]  }
0x25b: {  	[tilespmem:s22+$0xFFFFFEF0] =	vst v4;
	v4 =	vld [tilespmem:s28+$0x1B0];
	s28 =	sadd.s32 $0x400, s28  }
0x25c: {  	[tilespmem:s22+$0xFFFFFF70] =	vst v0  }
0x25d: {  	[tilespmem:s22+$0xFFFFFFF0] =	vst v1  }
0x25e: {  	[tilespmem:s22+$0x70] =	vst v2  }
0x25f: {  	[tilespmem:s22+$0xF0] =	vst v3  }
0x260: {  	[tilespmem:s22+$0x170] =	vst v4  }
0x261: {  	_ =	swait.ge [sflag:s23], $0x100  }
0x262: {  	[sflag:s23] =	ssyncset.done $0x0  }
0x263: {  	[sflag:s23] =	ssyncadd.s32 $0xFFFFFF00  }
0x264: {  	[tilespmem:s25], [sflag:$0x1] =	stream.indirect.gather.add.f32 [hbm:s2], $0x80, s5, s24, $0xb8;
	[tilespmem:$0x19700] =	vst v63  }
0x265: {  	s31 =	simm.s32 $0x80;
	s26 =	simm.s32 $0x9D00  }
0x266: {  	[tilespmem:s26], [sflag:$0x1] =	stream.indirect.gather.add.f32 [hbm:s2], $0x80, s31, s24, $0xb8;
	[tilespmem:$0x19700] =	vst v63  }
0x267: {  	p0 =	seq.s32 s20, $0x29;
	_ =	swait.ge [sflag:s18], $0x3200  }
0x268: {  	s9 =	sadd.s32 @!p0 s9, s14;
	[sflag:s18] =	ssyncset.done $0x0  }
0x269: {  	s9 =	sshll.u32 @!p0 s9, $0x5;
	[sflag:s18] =	ssyncadd.s32 $0xFFFFCE00  }
0x26a: {  	s9 =	sand.u32 @!p0 $0x1FFFFFE0, s9;
	_ =	swait.ge [sflag:s18], $0x3200  }
0x26b: {  	s28 =	sadd.s32 s10, s15;
	s9 =	sadd.s32 @!p0 s6, s9;
	[sflag:s18] =	ssyncset.done $0x0  }
0x26c: {  	s22 =	simm.s32 @!p0 $0x0;
	s26 =	simm.s32 @!p0 $0x200;
	[sflag:s18] =	ssyncadd.s32 $0xFFFFCE00  }
0x26d: {  	[tilespmem:s26], [sflag:$0x9] =	stream.linear.gather @!p0 [hbm4b:s9+s22], $0x100, $0x38;
	[tilespmem:$0x19700] =	vst v63  }
0x26e: {  	s9 =	sshll.u32 s28, $0x4  }
0x26f: {  	s31 =	simm.s32 $0x0;
	s9 =	sadd.s32 s3, s9  }
0x270: {  	[hbm4b:s9+s31] =	stream.linear.scatter [tilespmem:s19], [sflag:$0x6], $0x6400, $0x38;
	[tilespmem:$0x19700] =	vst v63  }
0x271: {  	_ =	swait.ge [sflag:s8], $0x6400  }
0x272: {  	[sflag:s8] =	ssyncset.done $0x0  }
0x273: {  	s9 =	simm.s32 $0x0;
	[sflag:s8] =	ssyncadd.s32 $0xFFFF9C00  }
0x274: {  	v0 =	vld [tilespmem:s9+$0x770]  }
0x275: {  	v1 =	vld [tilespmem:s9+$0x380]  }
0x276: {  	v6 =	vld [tilespmem:s9+$0x400]  }
0x277: {  	v2 =	vld [tilespmem:s9+$0x390]  }
0x278: {  	v7 =	vld [tilespmem:s9+$0x410]  }
0x279: {  	v3 =	vld [tilespmem:s9+$0x3A0];
	[tilespmem:s9+$0xD2F0] =	vst v0  }
0x27a: {  	v8 =	vld [tilespmem:s9+$0x420];
	[tilespmem:s9+$0xCF00] =	vst v1  }
0x27b: {  	v4 =	vld [tilespmem:s9+$0x3B0];
	[tilespmem:s9+$0xCF80] =	vst v6  }
0x27c: {  	v5 =	vld [tilespmem:s9+$0x3C0];
	[tilespmem:s9+$0xCF10] =	vst v2  }
0x27d: {  	v59 =	vld [tilespmem:s9+$0x3F0];
	[tilespmem:s9+$0xCF90] =	vst v7  }
0x27e: {  	v60 =	vld [tilespmem:s9+$0x4B0];
	[tilespmem:s9+$0xCF20] =	vst v3  }
0x27f: {  	v61 =	vld [tilespmem:s9+$0x570];
	[tilespmem:s9+$0xCFA0] =	vst v8  }
0x280: {  	v62 =	vld [tilespmem:s9+$0x630];
	[tilespmem:s9+$0xCF30] =	vst v4  }
0x281: {  	v63 =	vld [tilespmem:s9+$0x6C0];
	[tilespmem:s9+$0xCF40] =	vst v5  }
0x282: {  	v9 =	vld [tilespmem:s9+$0x700];
	[tilespmem:s9+$0xCF70] =	vst v59  }
0x283: {  	v6 =	vld [tilespmem:s9+$0x3D0];
	[tilespmem:s9+$0xD030] =	vst v60  }
0x284: {  	v7 =	vld [tilespmem:s9+$0x3E0];
	[tilespmem:s9+$0xD0F0] =	vst v61  }
0x285: {  	v0 =	vld [tilespmem:s9+$0x430];
	[tilespmem:s9+$0xD1B0] =	vst v62  }
0x286: {  	v1 =	vld [tilespmem:s9+$0x440];
	[tilespmem:s9+$0xD240] =	vst v63  }
0x287: {  	v2 =	vld [tilespmem:s9+$0x450];
	[tilespmem:s9+$0xD280] =	vst v9  }
0x288: {  	v3 =	vld [tilespmem:s9+$0x460];
	[tilespmem:s9+$0xCF50] =	vst v6  }
0x289: {  	v4 =	vld [tilespmem:s9+$0x470];
	[tilespmem:s9+$0xCF60] =	vst v7  }
0x28a: {  	v5 =	vld [tilespmem:s9+$0x480];
	[tilespmem:s9+$0xCFB0] =	vst v0  }
0x28b: {  	[tilespmem:s9+$0xCFC0] =	vst v1;
	v1 =	vld [tilespmem:s9+$0x500]  }
0x28c: {  	v6 =	vld [tilespmem:s9+$0x490];
	[tilespmem:s9+$0xCFD0] =	vst v2  }
0x28d: {  	v2 =	vld [tilespmem:s9+$0x510];
	[tilespmem:s9+$0xCFE0] =	vst v3  }
0x28e: {  	v7 =	vld [tilespmem:s9+$0x4A0];
	[tilespmem:s9+$0xCFF0] =	vst v4  }
0x28f: {  	v3 =	vld [tilespmem:s9+$0x520];
	[tilespmem:s9+$0xD000] =	vst v5  }
0x290: {  	v0 =	vld [tilespmem:s9+$0x4C0];
	[tilespmem:s9+$0xD080] =	vst v1  }
0x291: {  	v4 =	vld [tilespmem:s9+$0x530];
	[tilespmem:s9+$0xD010] =	vst v6  }
0x292: {  	v5 =	vld [tilespmem:s9+$0x540];
	[tilespmem:s9+$0xD090] =	vst v2  }
0x293: {  	v1 =	vld [tilespmem:s9+$0x4D0];
	[tilespmem:s9+$0xD020] =	vst v7  }
0x294: {  	v2 =	vld [tilespmem:s9+$0x4E0];
	[tilespmem:s9+$0xD0A0] =	vst v3  }
0x295: {  	v3 =	vld [tilespmem:s9+$0x4F0];
	[tilespmem:s9+$0xD040] =	vst v0  }
0x296: {  	v6 =	vld [tilespmem:s9+$0x550];
	[tilespmem:s9+$0xD0B0] =	vst v4  }
0x297: {  	v7 =	vld [tilespmem:s9+$0x560];
	[tilespmem:s9+$0xD0C0] =	vst v5  }
0x298: {  	v0 =	vld [tilespmem:s9+$0x580];
	[tilespmem:s9+$0xD050] =	vst v1  }
0x299: {  	v5 =	vld [tilespmem:s9+$0x600];
	[tilespmem:s9+$0xD060] =	vst v2  }
0x29a: {  	v4 =	vld [tilespmem:s9+$0x5C0];
	[tilespmem:s9+$0xD070] =	vst v3  }
0x29b: {  	v1 =	vld [tilespmem:s9+$0x590];
	[tilespmem:s9+$0xD0D0] =	vst v6  }
0x29c: {  	v6 =	vld [tilespmem:s9+$0x610];
	[tilespmem:s9+$0xD0E0] =	vst v7  }
0x29d: {  	v2 =	vld [tilespmem:s9+$0x5A0];
	[tilespmem:s9+$0xD100] =	vst v0  }
0x29e: {  	v7 =	vld [tilespmem:s9+$0x620];
	[tilespmem:s9+$0xD180] =	vst v5  }
0x29f: {  	v3 =	vld [tilespmem:s9+$0x5B0];
	[tilespmem:s9+$0xD140] =	vst v4  }
0x2a0: {  	v5 =	vld [tilespmem:s9+$0x5D0];
	[tilespmem:s9+$0xD110] =	vst v1  }
0x2a1: {  	v4 =	vld [tilespmem:s9+$0x680];
	[tilespmem:s9+$0xD190] =	vst v6  }
0x2a2: {  	v0 =	vld [tilespmem:s9+$0x640];
	[tilespmem:s9+$0xD120] =	vst v2  }
0x2a3: {  	v6 =	vld [tilespmem:s9+$0x5E0];
	[tilespmem:s9+$0xD1A0] =	vst v7  }
0x2a4: {  	v7 =	vld [tilespmem:s9+$0x5F0];
	[tilespmem:s9+$0xD130] =	vst v3  }
0x2a5: {  	[tilespmem:s9+$0xD150] =	vst v5;
	v5 =	vld [tilespmem:s9+$0x690]  }
0x2a6: {  	v1 =	vld [tilespmem:s9+$0x650];
	[tilespmem:s9+$0xD200] =	vst v4  }
0x2a7: {  	v2 =	vld [tilespmem:s9+$0x660];
	[tilespmem:s9+$0xD1C0] =	vst v0  }
0x2a8: {  	[tilespmem:s9+$0xD160] =	vst v6;
	v6 =	vld [tilespmem:s9+$0x6A0]  }
0x2a9: {  	v3 =	vld [tilespmem:s9+$0x670];
	[tilespmem:s9+$0xD170] =	vst v7  }
0x2aa: {  	v4 =	vld [tilespmem:s9+$0x6D0];
	[tilespmem:s9+$0xD210] =	vst v5  }
0x2ab: {  	v7 =	vld [tilespmem:s9+$0x6B0];
	[tilespmem:s9+$0xD1D0] =	vst v1  }
0x2ac: {  	v5 =	vld [tilespmem:s9+$0x6E0];
	[tilespmem:s9+$0xD1E0] =	vst v2  }
0x2ad: {  	[tilespmem:s9+$0xD220] =	vst v6;
	v6 =	vld [tilespmem:s9+$0x6F0]  }
0x2ae: {  	[tilespmem:s9+$0xD1F0] =	vst v3;
	v2 =	vld [tilespmem:s9+$0x710]  }
0x2af: {  	v0 =	vld [tilespmem:s9+$0x720];
	[tilespmem:s9+$0xD250] =	vst v4  }
0x2b0: {  	v1 =	vld [tilespmem:s9+$0x730];
	[tilespmem:s9+$0xD230] =	vst v7  }
0x2b1: {  	v3 =	vld [tilespmem:s9+$0x740];
	[tilespmem:s9+$0xD260] =	vst v5  }
0x2b2: {  	s10 =	simm.s32 $0x0;
	s22 =	simm.s32 $0x1000;
	v4 =	vld [tilespmem:s9+$0x750];
	[tilespmem:s9+$0xD270] =	vst v6  }
.LBB2_11:
0x2b3: {  	s26 =	sshra.s32 s22, $0x2;
	s10 =	sadd.s32 $0x8, s10;
	[tilespmem:s9+$0xD290] =	vst v2;
	v2 =	vld [tilespmem:s9+$0x760]  }
0x2b4: {  	v5 =	vld [tilespmem:s26+$0x770];
	p0 =	slt.u32 s10, $0xC0;
	[tilespmem:s9+$0xD2A0] =	vst v0  }
0x2b5: {  	v0 =	vld [tilespmem:s26+$0x380];
	[tilespmem:s9+$0xD2B0] =	vst v1  }
0x2b6: {  	v1 =	vld [tilespmem:s26+$0x390];
	[tilespmem:s9+$0xD2C0] =	vst v3  }
0x2b7: {  	v3 =	vld [tilespmem:s26+$0x3A0];
	[tilespmem:s9+$0xD2D0] =	vst v4  }
0x2b8: {  	v4 =	vld [tilespmem:s26+$0x3B0];
	[tilespmem:s9+$0xD2E0] =	vst v2;
	s9 =	smov.u32 s26  }
0x2b9: {  	v2 =	vld [tilespmem:s9+$0x3C0];
	[tilespmem:s9+$0xD2F0] =	vst v5  }
0x2ba: {  	[tilespmem:s9+$0xCF00] =	vst v0;
	v0 =	vld [tilespmem:s9+$0x3D0]  }
0x2bb: {  	[tilespmem:s9+$0xCF10] =	vst v1;
	v1 =	vld [tilespmem:s9+$0x3E0]  }
0x2bc: {  	[tilespmem:s9+$0xCF20] =	vst v3;
	v3 =	vld [tilespmem:s9+$0x3F0]  }
0x2bd: {  	[tilespmem:s9+$0xCF30] =	vst v4;
	v4 =	vld [tilespmem:s9+$0x400]  }
0x2be: {  	[tilespmem:s9+$0xCF40] =	vst v2;
	v2 =	vld [tilespmem:s9+$0x410]  }
0x2bf: {  	[tilespmem:s9+$0xCF50] =	vst v0;
	v0 =	vld [tilespmem:s9+$0x420]  }
0x2c0: {  	[tilespmem:s9+$0xCF60] =	vst v1;
	v1 =	vld [tilespmem:s9+$0x430]  }
0x2c1: {  	[tilespmem:s9+$0xCF70] =	vst v3;
	v3 =	vld [tilespmem:s9+$0x440]  }
0x2c2: {  	[tilespmem:s9+$0xCF80] =	vst v4;
	v4 =	vld [tilespmem:s9+$0x450]  }
0x2c3: {  	[tilespmem:s9+$0xCF90] =	vst v2;
	v2 =	vld [tilespmem:s9+$0x460]  }
0x2c4: {  	[tilespmem:s9+$0xCFA0] =	vst v0;
	v0 =	vld [tilespmem:s9+$0x470]  }
0x2c5: {  	[tilespmem:s9+$0xCFB0] =	vst v1;
	v1 =	vld [tilespmem:s9+$0x480]  }
0x2c6: {  	[tilespmem:s9+$0xCFC0] =	vst v3;
	v3 =	vld [tilespmem:s9+$0x490]  }
0x2c7: {  	[tilespmem:s9+$0xCFD0] =	vst v4;
	v4 =	vld [tilespmem:s9+$0x4A0]  }
0x2c8: {  	[tilespmem:s9+$0xCFE0] =	vst v2;
	v2 =	vld [tilespmem:s9+$0x4B0]  }
0x2c9: {  	[tilespmem:s9+$0xCFF0] =	vst v0;
	v0 =	vld [tilespmem:s9+$0x4C0]  }
0x2ca: {  	[tilespmem:s9+$0xD000] =	vst v1;
	v1 =	vld [tilespmem:s9+$0x4D0]  }
0x2cb: {  	[tilespmem:s9+$0xD010] =	vst v3;
	v3 =	vld [tilespmem:s9+$0x4E0]  }
0x2cc: {  	[tilespmem:s9+$0xD020] =	vst v4;
	v4 =	vld [tilespmem:s9+$0x4F0]  }
0x2cd: {  	[tilespmem:s9+$0xD030] =	vst v2;
	v2 =	vld [tilespmem:s9+$0x500]  }
0x2ce: {  	[tilespmem:s9+$0xD040] =	vst v0;
	v0 =	vld [tilespmem:s9+$0x510]  }
0x2cf: {  	[tilespmem:s9+$0xD050] =	vst v1;
	v1 =	vld [tilespmem:s9+$0x520]  }
0x2d0: {  	[tilespmem:s9+$0xD060] =	vst v3;
	v3 =	vld [tilespmem:s9+$0x530]  }
0x2d1: {  	[tilespmem:s9+$0xD070] =	vst v4;
	v4 =	vld [tilespmem:s9+$0x540]  }
0x2d2: {  	[tilespmem:s9+$0xD080] =	vst v2;
	v2 =	vld [tilespmem:s9+$0x550]  }
0x2d3: {  	[tilespmem:s9+$0xD090] =	vst v0;
	v0 =	vld [tilespmem:s9+$0x560]  }
0x2d4: {  	[tilespmem:s9+$0xD0A0] =	vst v1;
	v1 =	vld [tilespmem:s9+$0x570]  }
0x2d5: {  	[tilespmem:s9+$0xD0B0] =	vst v3;
	v3 =	vld [tilespmem:s9+$0x580]  }
0x2d6: {  	[tilespmem:s9+$0xD0C0] =	vst v4;
	v4 =	vld [tilespmem:s9+$0x590]  }
0x2d7: {  	[tilespmem:s9+$0xD0D0] =	vst v2;
	v2 =	vld [tilespmem:s9+$0x5A0]  }
0x2d8: {  	[tilespmem:s9+$0xD0E0] =	vst v0;
	v0 =	vld [tilespmem:s9+$0x5B0]  }
0x2d9: {  	[tilespmem:s9+$0xD0F0] =	vst v1;
	v1 =	vld [tilespmem:s9+$0x5C0]  }
0x2da: {  	[tilespmem:s9+$0xD100] =	vst v3;
	v3 =	vld [tilespmem:s9+$0x5D0]  }
0x2db: {  	[tilespmem:s9+$0xD110] =	vst v4;
	v4 =	vld [tilespmem:s9+$0x5E0]  }
0x2dc: {  	[tilespmem:s9+$0xD120] =	vst v2;
	v2 =	vld [tilespmem:s9+$0x5F0]  }
0x2dd: {  	[tilespmem:s9+$0xD130] =	vst v0;
	v0 =	vld [tilespmem:s9+$0x600]  }
0x2de: {  	[tilespmem:s9+$0xD140] =	vst v1;
	v1 =	vld [tilespmem:s9+$0x610]  }
0x2df: {  	[tilespmem:s9+$0xD150] =	vst v3;
	v3 =	vld [tilespmem:s9+$0x620]  }
0x2e0: {  	[tilespmem:s9+$0xD160] =	vst v4;
	v4 =	vld [tilespmem:s9+$0x630]  }
0x2e1: {  	[tilespmem:s9+$0xD170] =	vst v2;
	v2 =	vld [tilespmem:s9+$0x640]  }
0x2e2: {  	[tilespmem:s9+$0xD180] =	vst v0;
	v0 =	vld [tilespmem:s9+$0x650]  }
0x2e3: {  	[tilespmem:s9+$0xD190] =	vst v1;
	v1 =	vld [tilespmem:s9+$0x660]  }
0x2e4: {  	[tilespmem:s9+$0xD1A0] =	vst v3;
	v3 =	vld [tilespmem:s9+$0x670]  }
0x2e5: {  	[tilespmem:s9+$0xD1B0] =	vst v4;
	v4 =	vld [tilespmem:s9+$0x680]  }
0x2e6: {  	[tilespmem:s9+$0xD1C0] =	vst v2;
	v2 =	vld [tilespmem:s9+$0x690]  }
0x2e7: {  	[tilespmem:s9+$0xD1D0] =	vst v0;
	v0 =	vld [tilespmem:s9+$0x6A0]  }
0x2e8: {  	[tilespmem:s9+$0xD1E0] =	vst v1;
	v1 =	vld [tilespmem:s9+$0x6B0]  }
0x2e9: {  	[tilespmem:s9+$0xD1F0] =	vst v3;
	v3 =	vld [tilespmem:s9+$0x6C0]  }
0x2ea: {  	[tilespmem:s9+$0xD200] =	vst v4;
	v4 =	vld [tilespmem:s9+$0x6D0]  }
0x2eb: {  	[tilespmem:s9+$0xD210] =	vst v2;
	v5 =	vld [tilespmem:s9+$0x6E0]  }
0x2ec: {  	[tilespmem:s9+$0xD220] =	vst v0;
	v6 =	vld [tilespmem:s9+$0x6F0]  }
0x2ed: {  	[tilespmem:s9+$0xD230] =	vst v1;
	v7 =	vld [tilespmem:s9+$0x700]  }
.Ltmp4:
0x2ee: {  	[tilespmem:s9+$0xD240] =	vst v3;
	v2 =	vld [tilespmem:s9+$0x710];
	(pc) =	sbr.rel @p0 .LBB2_11-.Ltmp4, $4  }
0x2ef: {  	[tilespmem:s9+$0xD250] =	vst v4;
	v0 =	vld [tilespmem:s9+$0x720]  }
0x2f0: {  	[tilespmem:s9+$0xD260] =	vst v5;
	v1 =	vld [tilespmem:s9+$0x730]  }
0x2f1: {  	[tilespmem:s9+$0xD270] =	vst v6;
	v3 =	vld [tilespmem:s9+$0x740]  }
0x2f2: {  	s22 =	sadd.s32 $0x1000, s22;
	[tilespmem:s9+$0xD280] =	vst v7;
	v4 =	vld [tilespmem:s9+$0x750]  }
0x2f3: {  	[tilespmem:s9+$0xD290] =	vst v2;
	v63 =	vld [tilespmem:s9+$0x760]  }
0x2f4: {  	[tilespmem:s9+$0xD2A0] =	vst v0  }
0x2f5: {  	[tilespmem:s9+$0xD2B0] =	vst v1  }
0x2f6: {  	[tilespmem:s9+$0xD2C0] =	vst v3  }
0x2f7: {  	[tilespmem:s9+$0xD2D0] =	vst v4  }
0x2f8: {  	s20 =	sadd.s32 $0x1, s20;
	[tilespmem:s9+$0xD2E0] =	vst v63  }
0x2f9: {  	p0 =	sne.s32 s20, $0x2A;
	_ =	swait.ge [sflag:s29], $0x100  }
.Ltmp5:
0x2fa: {  	[sflag:s29] =	ssyncset.done $0x0;
	(pc) =	sbr.rel @p0 .LBB2_6-.Ltmp5, $4  }
0x2fb: {  	[sflag:s29] =	ssyncadd.s32 $0xFFFFFF00  }
0x2fc: {  	[tilespmem:s30], [sflag:$0x2] =	stream.indirect.gather.add.f32 [hbm:s2], $0x80, s21, s24, $0xb8;
	[tilespmem:$0x19700] =	vst v63  }
0x2fd: {  	s31 =	simm.s32 $0x180  }
0x2fe: {  	[tilespmem:s0], [sflag:$0x2] =	stream.indirect.gather.add.f32 [hbm:s2], $0x80, s31, s24, $0xb8;
	[tilespmem:$0x19700] =	vst v63  }
0x2ff: {  	_ =	swait.ge [sflag:s4], $0x3200  }
0x300: {  	[sflag:s4] =	ssyncset.done $0x0  }
0x301: {  	[sflag:s4] =	ssyncadd.s32 $0xFFFFCE00  }
0x302: {  	_ =	swait.ge [sflag:s4], $0x3200  }
0x303: {  	[sflag:s4] =	ssyncset.done $0x0  }
0x304: {  	s26 =	simm.s32 $0x6;
	s9 =	rddreg [dreg:$0x8];
	[sflag:s4] =	ssyncadd.s32 $0xFFFFCE00  }
0x305: {  	[hbm4b:s9+s5] =	stream.linear.scatter [tilespmem:s25], [sflag:$0x4], $0x6400, $0x38;
	[tilespmem:$0x19700] =	vst v63  }
0x306: {  	_ =	swait.ge [sflag:s26], $0x6400  }
0x307: {  	[sflag:s26] =	ssyncset.done $0x0  }
0x308: {  	[sflag:s26] =	ssyncadd.s32 $0xFFFF9C00  }
0x309: {  	_ =	swait.ge [sflag:s16], $0x3200  }
0x30a: {  	[sflag:s16] =	ssyncset.done $0x0  }
0x30b: {  	[sflag:s16] =	ssyncadd.s32 $0xFFFFCE00  }
0x30c: {  	_ =	swait.ge [sflag:s16], $0x3200  }
0x30d: {  	[sflag:s16] =	ssyncset.done $0x0  }
0x30e: {  	s28 =	rddreg [dreg:$0x9];
	[sflag:s16] =	ssyncadd.s32 $0xFFFFCE00  }
0x30f: {  	[hbm4b:s28+s5] =	stream.linear.scatter [tilespmem:s30], [sflag:$0x5], $0x6400, $0x38;
	[tilespmem:$0x19700] =	vst v63  }
0x310: {  	_ =	swait.ge [sflag:s17], $0x6400  }
0x311: {  	[sflag:s17] =	ssyncset.done $0x0  }
0x312: {  	[sflag:s17] =	ssyncadd.s32 $0xFFFF9C00  }
0x313: {  	_ =	swait.ge [sflag:s8], $0x6400  }
0x314: {  	s10 =	rddreg [dreg:$0xb]  }
0x315: {  	s31 =	rddreg [dreg:$0xa];
	s10 =	sadd.s32 $0x1, s10  }
0x316: {  	p0 =	sne.s32 s10, s31  }
.Ltmp6:
0x317: {  	_ = 	snop;
	(pc) =	sbr.rel @p0 .LBB2_1-.Ltmp6, $3  }
0x318: {  	_ =	sdelay $0x1  }
0x319: {  	[sflag:s8] =	ssyncset.done $0x0  }
0x31a: {  	[sflag:s8] =	ssyncadd.s32 $0xFFFF9C00  }
0x31b: {  	_ =	sfence.sel $0x180000  }
0x31c: {  	[bflag:$0x0] =	sbarrier.arrive $0xFFFF  }
0x31d: {  	_ =	strace $0x90000047  }
0x31e: {  	s0 =	stileid.u32;
	[bflag:$0x2] =	sbarrier.arrive $0xFFFF  }
0x31f: {  	p0 =	sne.s32 s0, $0x0;
	s0 =	rddreg [dreg:$0x4]  }
0x320: {  	s0 =	sadd.s32 @!p0 $0x100000, s0  }
0x321: {  	[sflag:s0] =	ssyncadd.tile.s32 @!p0 $0x1;
	_ =	shalt  }
.Lfunc_end2:
_tile_overlayer_lowered:
.L_overlay_start_2:
0x322: {  	(tag) =	ssettag $0x2  }
0x323: {  	s0 =	rddreg [dreg:$0x0];
	s2 =	stileid.u32  }
0x324: {  	s1 =	rddreg [dreg:$0x1];
	p0 =	sne.s32 s2, $0x0  }
0x325: {  	s3 =	rddreg [dreg:$0x2];
	[bflag:$0x3] =	sbarrier.arrive $0xFFFF;
	s2 =	simm.s32 @!p0 $0x1C0A  }
0x326: {  	[timem:s3], [sflag:s2] =	dma.local @!p0 [hbm:s0], s1  }
0x327: {  	s0 =	simm.s32 @!p0 $0xA  }
0x328: {  	_ =	swait.ge @!p0 [sflag:s0], s1  }
0x329: {  	s1 =	ssub.s32 @!p0 $0x0, s1;
	[sflag:s0] =	ssyncset.done @!p0 $0x0  }
0x32a: {  	[sflag:s0] =	ssyncadd.s32 @!p0 s1  }
0x32b: {  	[bflag:$0x3] =	sbarrier.arrive $0xFFFF  }
0x32c: {  	_ =	shalt  }

</sc_bundles>
